<compile_context>
chip_gen: v7x
topology: tpu7x:2x2x1
jax: 0.10.2.dev20260603
libtpu: 0.0.44.dev20260713+nightly
codegen_flags: <defaults>
</compile_context>

<pallas_src>
import functools

import jax
import jax.numpy as jnp
from jax import lax
from jax.experimental import pallas as pl
from jax.experimental.pallas import tpu as pltpu
from jax.experimental.pallas import tpu_sc as plsc

NUM_FEATURES = 2344
ACC = 8
PAIRS = ACC // 2
BATCH = 16384
L = 50

NC = 2
NS = 16
NW = NC * NS
ROWS_PER_W = BATCH // NW
CHUNK = 128
NCHUNK = ROWS_PER_W // CHUNK
CGROUPS = CHUNK // 16
TBL_STRIDE = 5
TBL_WORDS = NUM_FEATURES * TBL_STRIDE
TSTRIDE = 17
T_WORDS = CGROUPS * L * TSTRIDE


def _sc_body(bf_hbm, wf_hbm, stm_hbm, tbl_hbm, cst_hbm, out_hbm,
             raw_b0, raw_w0, raw_b1, raw_w1, tb_v, tw_v,
             stm_v, tbl_v, cst_v, out_v, sb0, sw0, sb1, sw1):
    wid = lax.axis_index("s") * NC + lax.axis_index("c")
    base = wid * ROWS_PER_W

    raws = [(raw_b0, raw_w0, sb0, sw0), (raw_b1, raw_w1, sb1, sw1)]

    def issue(h):
        rb, rw, sb, sw = raws[h % 2]
        row0 = base + h * CHUNK
        db = pltpu.async_copy(bf_hbm.at[pl.ds(row0, CHUNK)], rb, sb)
        dw = pltpu.async_copy(wf_hbm.at[pl.ds(row0, CHUNK)], rw, sw)
        return db, dw

    pending = issue(0)

    pltpu.sync_copy(stm_hbm.at[pl.ds(base, ROWS_PER_W)], stm_v)
    pltpu.sync_copy(tbl_hbm, tbl_v)
    pltpu.sync_copy(cst_hbm, cst_v)

    iota16 = lax.iota(jnp.int32, 16)
    bias = [cst_v[pl.ds(c * 16, 16)] for c in range(ACC)]
    wfir = [cst_v[pl.ds((ACC + c) * 16, 16)] for c in range(ACC)]
    wsec = [cst_v[pl.ds((2 * ACC + c) * 16, 16)] for c in range(ACC)]
    l2b = cst_v[pl.ds(3 * ACC * 16, 16)]

    zero = jnp.zeros((16,), jnp.float32)
    tstep = iota16 * TSTRIDE

    def unpacked(word):
        pair = plsc.bitcast(word, jnp.bfloat16)
        return plsc.unpack(pair, format=plsc.PackFormat.INTERLEAVED,
                           preferred_element_type=jnp.float32)

    for h in range(NCHUNK):
        raw_b, raw_w = raws[h % 2][:2]
        pending[0].wait()
        pending[1].wait()
        if h + 1 < NCHUNK:
            pending = issue(h + 1)

        def compact_body(r, carry):
            g = r >> 4
            j = r & 15
            gl = g * L
            for l0 in (0, 16, 32, L - 16):
                widx = (gl + l0) * TSTRIDE + j + tstep
                vb = raw_b.at[r][pl.ds(l0, 16)] * TBL_STRIDE
                vw = raw_w.at[r][pl.ds(l0, 16)] * TBL_STRIDE
                plsc.store_scatter(tb_v, [widx], vb)
                plsc.store_scatter(tw_v, [widx], vw)
            return carry

        lax.fori_loop(0, CHUNK, compact_body, 0)

        def group_body(g, carry):
            gl = g * L

            def l_body(l, accs):
                accb, accw = accs[:ACC], accs[ACC:]
                tbase = (gl + l) * TSTRIDE
                tb = tb_v[pl.ds(tbase, 16)]
                tw = tw_v[pl.ds(tbase, 16)]
                naccb, naccw = [], []
                for p in range(PAIRS):
                    eb, ob = unpacked(plsc.load_gather(tbl_v, [tb + p]))
                    ew, ow = unpacked(plsc.load_gather(tbl_v, [tw + p]))
                    naccb += [accb[2 * p] + eb, accb[2 * p + 1] + ob]
                    naccw += [accw[2 * p] + ew, accw[2 * p + 1] + ow]
                return tuple(naccb) + tuple(naccw)

            accs = lax.fori_loop(0, L, l_body, (zero,) * (2 * ACC))
            accb, accw = accs[:ACC], accs[ACC:]

            out_rows = h * CHUNK + g * 16 + iota16
            stm_g = plsc.load_gather(stm_v, [out_rows])
            m = stm_g == 0
            o = l2b
            for c in range(ACC):
                cb = jnp.where(m, wfir[c], wsec[c])
                cw = jnp.where(m, wsec[c], wfir[c])
                ab = jnp.clip(accb[c] + bias[c], 0.0, 1.0)
                aw = jnp.clip(accw[c] + bias[c], 0.0, 1.0)
                o = o + cb * ab + cw * aw
            plsc.store_scatter(out_v, [out_rows], o)
            return carry

        lax.fori_loop(0, CGROUPS, group_body, 0)

    pltpu.sync_copy(out_v, out_hbm.at[pl.ds(base, ROWS_PER_W)])


@functools.lru_cache(maxsize=1)
def _sc_kernel():
    mesh = plsc.VectorSubcoreMesh(core_axis_name="c", subcore_axis_name="s",
                                  num_cores=NC, num_subcores=NS)
    return pl.kernel(
        _sc_body,
        out_type=jax.ShapeDtypeStruct((BATCH,), jnp.float32),
        mesh=mesh,
        compiler_params=pltpu.CompilerParams(needs_layout_passes=False,
                                             use_tc_tiling_on_sc=True),
        scratch_types=[
            pltpu.VMEM((CHUNK, L), jnp.int32),
            pltpu.VMEM((CHUNK, L), jnp.int32),
            pltpu.VMEM((CHUNK, L), jnp.int32),
            pltpu.VMEM((CHUNK, L), jnp.int32),
            pltpu.VMEM((T_WORDS,), jnp.int32),
            pltpu.VMEM((T_WORDS,), jnp.int32),
            pltpu.VMEM((ROWS_PER_W,), jnp.int32),
            pltpu.VMEM((TBL_WORDS,), jnp.int32),
            pltpu.VMEM((26 * 16,), jnp.float32),
            pltpu.VMEM((ROWS_PER_W,), jnp.float32),
            pltpu.SemaphoreType.DMA,
            pltpu.SemaphoreType.DMA,
            pltpu.SemaphoreType.DMA,
            pltpu.SemaphoreType.DMA,
        ],
    )


def kernel(black_features, white_features, stm, l1_weight, l1_bias,
           l2_weight, l2_bias):
    bf = black_features.astype(jnp.int32)
    wf = white_features.astype(jnp.int32)
    stm32 = stm.astype(jnp.int32)
    packed = lax.bitcast_convert_type(
        l1_weight.astype(jnp.bfloat16).reshape(NUM_FEATURES, PAIRS, 2),
        jnp.int32)
    tbl = jnp.pad(packed, ((0, 0), (0, TBL_STRIDE - PAIRS))).reshape(-1)

    w = l2_weight.reshape(2 * ACC)
    cst = jnp.concatenate([
        jnp.broadcast_to(l1_bias[:, None], (ACC, 16)),
        jnp.broadcast_to(w[:ACC, None], (ACC, 16)),
        jnp.broadcast_to(w[ACC:, None], (ACC, 16)),
        jnp.broadcast_to(l2_bias.reshape(1, 1), (1, 16)),
        jnp.zeros((1, 16), jnp.float32),
    ], axis=0).reshape(-1)

    out = _sc_kernel()(bf, wf, stm32, tbl, cst)
    return out.reshape(BATCH, 1)

# --- scband reference (transcript-rebuilt; emitter-appended) ---
"""Pipeline reference for scband-nnuemodel-33767032882015 (READ-ONLY COPY).

The authoritative reference and input builder live on the scoring server;
editing this copy changes nothing except your own understanding.
"""

import jax, jax.numpy as jnp
import numpy as np

NUM_FEATURES = 2344
ACCUMULATOR_SIZE = 8
BATCH = 16384
L = 50

def setup_inputs(seed: int = 0) -> dict:
    key = jax.random.key(seed)
    k1, k2, k3, k4, k5, k6, k7 = jax.random.split(key, 7)
    black_features = jax.random.randint(k1, (BATCH, L), 0, NUM_FEATURES, dtype=jnp.int64 if jax.config.jax_enable_x64 else jnp.int32)
    white_features = jax.random.randint(k2, (BATCH, L), 0, NUM_FEATURES, dtype=jnp.int64 if jax.config.jax_enable_x64 else jnp.int32)
    stm = jax.random.randint(k3, (BATCH,), 0, 2, dtype=jnp.int64 if jax.config.jax_enable_x64 else jnp.int32)
    l1_weight = jax.random.normal(k4, (NUM_FEATURES, ACCUMULATOR_SIZE), dtype=jnp.float32)
    l1_bias = jnp.zeros((ACCUMULATOR_SIZE,), dtype=jnp.float32)
    l2_weight = jax.random.normal(k5, (1, ACCUMULATOR_SIZE * 2), dtype=jnp.float32) * (1.0 / np.sqrt(ACCUMULATOR_SIZE * 2))
    l2_bias = jax.random.normal(k6, (1,), dtype=jnp.float32) * 0.01
    return {
        "black_features": black_features,
        "white_features": white_features,
        "stm": stm,
        "l1_weight": l1_weight,
        "l1_bias": l1_bias,
        "l2_weight": l2_weight,
        "l2_bias": l2_bias,
    }

def reference(black_features, white_features, stm, l1_weight, l1_bias, l2_weight, l2_bias):
    # embedding lookup + sum over active features (the NNUE accumulator)
    b_acc = jnp.take(l1_weight, black_features, axis=0).sum(axis=1) + l1_bias
    w_acc = jnp.take(l1_weight, white_features, axis=0).sum(axis=1) + l1_bias
    bw = jnp.concatenate([b_acc, w_acc], axis=1)
    wb = jnp.concatenate([w_acc, b_acc], axis=1)
    accumulator = jnp.where((stm[:, None] == 0), bw, wb)
    accumulator = jnp.clip(accumulator, 0.0, 1.0)
    return accumulator @ l2_weight.T + l2_bias

if __name__ == "__main__":
    import jax
    _d = setup_inputs()
    print(jax.jit(kernel)(*tuple(_d.values())))

</pallas_src>

<mosaic_0001>
#map = affine_map<(d0, d1) -> (0, 0)>
#map1 = affine_map<(d0, d1) -> (0)>
module attributes {stable_mosaic.version = 14 : i64} {
  func.func @_sc_body(%arg0: i32, %arg1: i32, %arg2: memref<16384x50xi32, #tpu.memory_space<hbm>>, %arg3: memref<16384x50xi32, #tpu.memory_space<hbm>>, %arg4: memref<16384xi32, #tpu.memory_space<hbm>>, %arg5: memref<11720xi32, #tpu.memory_space<hbm>>, %arg6: memref<416xf32, #tpu.memory_space<hbm>>, %arg7: memref<16384xf32, #tpu.memory_space<hbm>>, %arg8: memref<128x50xi32, #tpu.memory_space<vmem>>, %arg9: memref<128x50xi32, #tpu.memory_space<vmem>>, %arg10: memref<128x50xi32, #tpu.memory_space<vmem>>, %arg11: memref<128x50xi32, #tpu.memory_space<vmem>>, %arg12: memref<6800xi32, #tpu.memory_space<vmem>>, %arg13: memref<6800xi32, #tpu.memory_space<vmem>>, %arg14: memref<512xi32, #tpu.memory_space<vmem>>, %arg15: memref<11720xi32, #tpu.memory_space<vmem>>, %arg16: memref<416xf32, #tpu.memory_space<vmem>>, %arg17: memref<512xf32, #tpu.memory_space<vmem>>, %arg18: memref<!tpu.dma_semaphore, #tpu.memory_space<semaphore_mem>>, %arg19: memref<!tpu.dma_semaphore, #tpu.memory_space<semaphore_mem>>, %arg20: memref<!tpu.dma_semaphore, #tpu.memory_space<semaphore_mem>>, %arg21: memref<!tpu.dma_semaphore, #tpu.memory_space<semaphore_mem>>) attributes {dimension_semantics = [#tpu.dimension_semantics<core_parallel>, #tpu.dimension_semantics<subcore_parallel>], iteration_bounds = array<i64: 2, 16>, scalar_prefetch = 0 : i64, scratch_operands = 14 : i64, tpu.core_type = #tpu.core_type<sc_vector_subcore>, window_params = [{transform_indices = #map}, {transform_indices = #map}, {transform_indices = #map1}, {transform_indices = #map1}, {transform_indices = #map1}, {transform_indices = #map1}]} {
    %mul3A = arith.constant 2 : i32
    %mul3A_0 = arith.muli %arg1, %mul3A : i32
    %add3A = arith.addi %mul3A_0, %arg0 : i32
    %mul3A_1 = arith.constant 512 : i32
    %mul3A_2 = arith.muli %add3A, %mul3A_1 : i32
    %add3A_3 = arith.constant 0 : i32
    %add3A_4 = arith.addi %mul3A_2, %add3A_3 : i32
    %dma_start3A = arith.constant 0 : i32
    %dma_start3A_5 = tpu.memref_slice %arg2[%add3A_4, %dma_start3A] : memref<16384x50xi32, #tpu.memory_space<hbm>> -> memref<128x50xi32, #tpu.memory_space<hbm>>
    %dma_start3A_6 = arith.constant 0 : i32
    %dma_start3A_7 = tpu.memref_slice %arg2[%add3A_4, %dma_start3A_6] : memref<16384x50xi32, #tpu.memory_space<hbm>> -> memref<128x50xi32, #tpu.memory_space<hbm>>
    tpu.enqueue_dma source(%dma_start3A_7 : memref<128x50xi32, #tpu.memory_space<hbm>>) target(%arg8 : memref<128x50xi32, #tpu.memory_space<vmem>>) target_semaphore(%arg18 : memref<!tpu.dma_semaphore, #tpu.memory_space<semaphore_mem>>)
    %dma_start3A_8 = arith.constant 0 : i32
    %dma_start3A_9 = tpu.memref_slice %arg3[%add3A_4, %dma_start3A_8] : memref<16384x50xi32, #tpu.memory_space<hbm>> -> memref<128x50xi32, #tpu.memory_space<hbm>>
    %dma_start3A_10 = arith.constant 0 : i32
    %dma_start3A_11 = tpu.memref_slice %arg3[%add3A_4, %dma_start3A_10] : memref<16384x50xi32, #tpu.memory_space<hbm>> -> memref<128x50xi32, #tpu.memory_space<hbm>>
    tpu.enqueue_dma source(%dma_start3A_11 : memref<128x50xi32, #tpu.memory_space<hbm>>) target(%arg9 : memref<128x50xi32, #tpu.memory_space<vmem>>) target_semaphore(%arg19 : memref<!tpu.dma_semaphore, #tpu.memory_space<semaphore_mem>>)
    "tpu.region"() ({
      %run_scoped3A = tpu.sem_alloc : memref<!tpu.dma_semaphore, #tpu.memory_space<semaphore_mem>>
      %dma_start3A_173 = tpu.memref_slice %arg4[%mul3A_2] : memref<16384xi32, #tpu.memory_space<hbm>> -> memref<512xi32, #tpu.memory_space<hbm>>
      %dma_start3A_174 = tpu.memref_slice %arg4[%mul3A_2] : memref<16384xi32, #tpu.memory_space<hbm>> -> memref<512xi32, #tpu.memory_space<hbm>>
      tpu.enqueue_dma source(%dma_start3A_174 : memref<512xi32, #tpu.memory_space<hbm>>) target(%arg14 : memref<512xi32, #tpu.memory_space<vmem>>) target_semaphore(%run_scoped3A : memref<!tpu.dma_semaphore, #tpu.memory_space<semaphore_mem>>)
      %dma_wait3A_175 = tpu.memref_slice %arg4[%mul3A_2] : memref<16384xi32, #tpu.memory_space<hbm>> -> memref<512xi32, #tpu.memory_space<hbm>>
      %dma_wait3A_176 = tpu.memref_slice %arg4[%mul3A_2] : memref<16384xi32, #tpu.memory_space<hbm>> -> memref<512xi32, #tpu.memory_space<hbm>>
      tpu.wait_dma2 semaphore(%run_scoped3A : memref<!tpu.dma_semaphore, #tpu.memory_space<semaphore_mem>>) src(%dma_wait3A_176 : memref<512xi32, #tpu.memory_space<hbm>>) dst(%arg14 : memref<512xi32, #tpu.memory_space<vmem>>)
      tpu.yield
    }) : () -> ()
    "tpu.region"() ({
      %run_scoped3A = tpu.sem_alloc : memref<!tpu.dma_semaphore, #tpu.memory_space<semaphore_mem>>
      tpu.enqueue_dma source(%arg5 : memref<11720xi32, #tpu.memory_space<hbm>>) target(%arg15 : memref<11720xi32, #tpu.memory_space<vmem>>) target_semaphore(%run_scoped3A : memref<!tpu.dma_semaphore, #tpu.memory_space<semaphore_mem>>)
      tpu.wait_dma2 semaphore(%run_scoped3A : memref<!tpu.dma_semaphore, #tpu.memory_space<semaphore_mem>>) src(%arg5 : memref<11720xi32, #tpu.memory_space<hbm>>) dst(%arg15 : memref<11720xi32, #tpu.memory_space<vmem>>)
      tpu.yield
    }) : () -> ()
    "tpu.region"() ({
      %run_scoped3A = tpu.sem_alloc : memref<!tpu.dma_semaphore, #tpu.memory_space<semaphore_mem>>
      tpu.enqueue_dma source(%arg6 : memref<416xf32, #tpu.memory_space<hbm>>) target(%arg16 : memref<416xf32, #tpu.memory_space<vmem>>) target_semaphore(%run_scoped3A : memref<!tpu.dma_semaphore, #tpu.memory_space<semaphore_mem>>)
      tpu.wait_dma2 semaphore(%run_scoped3A : memref<!tpu.dma_semaphore, #tpu.memory_space<semaphore_mem>>) src(%arg6 : memref<416xf32, #tpu.memory_space<hbm>>) dst(%arg16 : memref<416xf32, #tpu.memory_space<vmem>>)
      tpu.yield
    }) : () -> ()
    %iota3A = tpu.iota {dimensions = array<i32: 0>} : vector<16xi32>
    %get3A = arith.constant 0 : index
    %get3A_12 = tpu.vector_load %arg16[%get3A] {strides = array<i32>} : memref<416xf32, #tpu.memory_space<vmem>>, vector<16xf32>,
    %get3A_13 = arith.constant 16 : index
    %get3A_14 = tpu.vector_load %arg16[%get3A_13] {strides = array<i32>} : memref<416xf32, #tpu.memory_space<vmem>>, vector<16xf32>,
    %get3A_15 = arith.constant 32 : index
    %get3A_16 = tpu.vector_load %arg16[%get3A_15] {strides = array<i32>} : memref<416xf32, #tpu.memory_space<vmem>>, vector<16xf32>,
    %get3A_17 = arith.constant 48 : index
    %get3A_18 = tpu.vector_load %arg16[%get3A_17] {strides = array<i32>} : memref<416xf32, #tpu.memory_space<vmem>>, vector<16xf32>,
    %get3A_19 = arith.constant 64 : index
    %get3A_20 = tpu.vector_load %arg16[%get3A_19] {strides = array<i32>} : memref<416xf32, #tpu.memory_space<vmem>>, vector<16xf32>,
    %get3A_21 = arith.constant 80 : index
    %get3A_22 = tpu.vector_load %arg16[%get3A_21] {strides = array<i32>} : memref<416xf32, #tpu.memory_space<vmem>>, vector<16xf32>,
    %get3A_23 = arith.constant 96 : index
    %get3A_24 = tpu.vector_load %arg16[%get3A_23] {strides = array<i32>} : memref<416xf32, #tpu.memory_space<vmem>>, vector<16xf32>,
    %get3A_25 = arith.constant 112 : index
    %get3A_26 = tpu.vector_load %arg16[%get3A_25] {strides = array<i32>} : memref<416xf32, #tpu.memory_space<vmem>>, vector<16xf32>,
    %get3A_27 = arith.constant 128 : index
    %get3A_28 = tpu.vector_load %arg16[%get3A_27] {strides = array<i32>} : memref<416xf32, #tpu.memory_space<vmem>>, vector<16xf32>,
    %get3A_29 = arith.constant 144 : index
    %get3A_30 = tpu.vector_load %arg16[%get3A_29] {strides = array<i32>} : memref<416xf32, #tpu.memory_space<vmem>>, vector<16xf32>,
    %get3A_31 = arith.constant 160 : index
    %get3A_32 = tpu.vector_load %arg16[%get3A_31] {strides = array<i32>} : memref<416xf32, #tpu.memory_space<vmem>>, vector<16xf32>,
    %get3A_33 = arith.constant 176 : index
    %get3A_34 = tpu.vector_load %arg16[%get3A_33] {strides = array<i32>} : memref<416xf32, #tpu.memory_space<vmem>>, vector<16xf32>,
    %get3A_35 = arith.constant 192 : index
    %get3A_36 = tpu.vector_load %arg16[%get3A_35] {strides = array<i32>} : memref<416xf32, #tpu.memory_space<vmem>>, vector<16xf32>,
    %get3A_37 = arith.constant 208 : index
    %get3A_38 = tpu.vector_load %arg16[%get3A_37] {strides = array<i32>} : memref<416xf32, #tpu.memory_space<vmem>>, vector<16xf32>,
    %get3A_39 = arith.constant 224 : index
    %get3A_40 = tpu.vector_load %arg16[%get3A_39] {strides = array<i32>} : memref<416xf32, #tpu.memory_space<vmem>>, vector<16xf32>,
    %get3A_41 = arith.constant 240 : index
    %get3A_42 = tpu.vector_load %arg16[%get3A_41] {strides = array<i32>} : memref<416xf32, #tpu.memory_space<vmem>>, vector<16xf32>,
    %get3A_43 = arith.constant 256 : index
    %get3A_44 = tpu.vector_load %arg16[%get3A_43] {strides = array<i32>} : memref<416xf32, #tpu.memory_space<vmem>>, vector<16xf32>,
    %get3A_45 = arith.constant 272 : index
    %get3A_46 = tpu.vector_load %arg16[%get3A_45] {strides = array<i32>} : memref<416xf32, #tpu.memory_space<vmem>>, vector<16xf32>,
    %get3A_47 = arith.constant 288 : index
    %get3A_48 = tpu.vector_load %arg16[%get3A_47] {strides = array<i32>} : memref<416xf32, #tpu.memory_space<vmem>>, vector<16xf32>,
    %get3A_49 = arith.constant 304 : index
    %get3A_50 = tpu.vector_load %arg16[%get3A_49] {strides = array<i32>} : memref<416xf32, #tpu.memory_space<vmem>>, vector<16xf32>,
    %get3A_51 = arith.constant 320 : index
    %get3A_52 = tpu.vector_load %arg16[%get3A_51] {strides = array<i32>} : memref<416xf32, #tpu.memory_space<vmem>>, vector<16xf32>,
    %get3A_53 = arith.constant 336 : index
    %get3A_54 = tpu.vector_load %arg16[%get3A_53] {strides = array<i32>} : memref<416xf32, #tpu.memory_space<vmem>>, vector<16xf32>,
    %get3A_55 = arith.constant 352 : index
    %get3A_56 = tpu.vector_load %arg16[%get3A_55] {strides = array<i32>} : memref<416xf32, #tpu.memory_space<vmem>>, vector<16xf32>,
    %get3A_57 = arith.constant 368 : index
    %get3A_58 = tpu.vector_load %arg16[%get3A_57] {strides = array<i32>} : memref<416xf32, #tpu.memory_space<vmem>>, vector<16xf32>,
    %get3A_59 = arith.constant 384 : index
    %get3A_60 = tpu.vector_load %arg16[%get3A_59] {strides = array<i32>} : memref<416xf32, #tpu.memory_space<vmem>>, vector<16xf32>,
    %broadcast_in_dim3A = arith.constant 0.000000e+00 : f32
    %broadcast_in_dim3A_61 = vector.broadcast %broadcast_in_dim3A : f32 to vector<16xf32>
    %mul3A_62 = arith.constant 17 : i32
    %mul3A_63 = vector.broadcast %mul3A_62 : i32 to vector<16xi32>
    %mul3A_64 = arith.muli %iota3A, %mul3A_63 : vector<16xi32>
    %dma_wait3A = arith.constant 0 : i32
    %dma_wait3A_65 = tpu.memref_slice %arg2[%add3A_4, %dma_wait3A] : memref<16384x50xi32, #tpu.memory_space<hbm>> -> memref<128x50xi32, #tpu.memory_space<hbm>>
    %dma_wait3A_66 = arith.constant 0 : i32
    %dma_wait3A_67 = tpu.memref_slice %arg2[%add3A_4, %dma_wait3A_66] : memref<16384x50xi32, #tpu.memory_space<hbm>> -> memref<128x50xi32, #tpu.memory_space<hbm>>
    tpu.wait_dma2 semaphore(%arg18 : memref<!tpu.dma_semaphore, #tpu.memory_space<semaphore_mem>>) src(%dma_wait3A_67 : memref<128x50xi32, #tpu.memory_space<hbm>>) dst(%arg8 : memref<128x50xi32, #tpu.memory_space<vmem>>)
    %dma_wait3A_68 = arith.constant 0 : i32
    %dma_wait3A_69 = tpu.memref_slice %arg3[%add3A_4, %dma_wait3A_68] : memref<16384x50xi32, #tpu.memory_space<hbm>> -> memref<128x50xi32, #tpu.memory_space<hbm>>
    %dma_wait3A_70 = arith.constant 0 : i32
    %dma_wait3A_71 = tpu.memref_slice %arg3[%add3A_4, %dma_wait3A_70] : memref<16384x50xi32, #tpu.memory_space<hbm>> -> memref<128x50xi32, #tpu.memory_space<hbm>>
    tpu.wait_dma2 semaphore(%arg19 : memref<!tpu.dma_semaphore, #tpu.memory_space<semaphore_mem>>) src(%dma_wait3A_71 : memref<128x50xi32, #tpu.memory_space<hbm>>) dst(%arg9 : memref<128x50xi32, #tpu.memory_space<vmem>>)
    %add3A_72 = arith.constant 128 : i32
    %add3A_73 = arith.addi %mul3A_2, %add3A_72 : i32
    %dma_start3A_74 = arith.constant 0 : i32
    %dma_start3A_75 = tpu.memref_slice %arg2[%add3A_73, %dma_start3A_74] : memref<16384x50xi32, #tpu.memory_space<hbm>> -> memref<128x50xi32, #tpu.memory_space<hbm>>
    %dma_start3A_76 = arith.constant 0 : i32
    %dma_start3A_77 = tpu.memref_slice %arg2[%add3A_73, %dma_start3A_76] : memref<16384x50xi32, #tpu.memory_space<hbm>> -> memref<128x50xi32, #tpu.memory_space<hbm>>
    tpu.enqueue_dma source(%dma_start3A_77 : memref<128x50xi32, #tpu.memory_space<hbm>>) target(%arg10 : memref<128x50xi32, #tpu.memory_space<vmem>>) target_semaphore(%arg20 : memref<!tpu.dma_semaphore, #tpu.memory_space<semaphore_mem>>)
    %dma_start3A_78 = arith.constant 0 : i32
    %dma_start3A_79 = tpu.memref_slice %arg3[%add3A_73, %dma_start3A_78] : memref<16384x50xi32, #tpu.memory_space<hbm>> -> memref<128x50xi32, #tpu.memory_space<hbm>>
    %dma_start3A_80 = arith.constant 0 : i32
    %dma_start3A_81 = tpu.memref_slice %arg3[%add3A_73, %dma_start3A_80] : memref<16384x50xi32, #tpu.memory_space<hbm>> -> memref<128x50xi32, #tpu.memory_space<hbm>>
    tpu.enqueue_dma source(%dma_start3A_81 : memref<128x50xi32, #tpu.memory_space<hbm>>) target(%arg11 : memref<128x50xi32, #tpu.memory_space<vmem>>) target_semaphore(%arg21 : memref<!tpu.dma_semaphore, #tpu.memory_space<semaphore_mem>>)
    %scan3A = arith.constant 0 : i32
    %scan3A_82 = arith.constant 0 : i32
    %scan3A_83 = arith.constant 128 : i32
    %scan3A_84 = arith.addi %scan3A_82, %scan3A_83 : i32
    %scan3A_85 = arith.constant 1 : i32
    scf.for %scan3A_173 = %scan3A_82 to %scan3A_84 step %scan3A_85  : i32 {
      %shift_right_arithmetic3A = arith.constant 4 : i32
      %shift_right_arithmetic3A_174 = arith.shrsi %scan3A_173, %shift_right_arithmetic3A : i32
      %and3A = arith.constant 15 : i32
      %and3A_175 = arith.andi %scan3A_173, %and3A : i32
      %mul3A_176 = arith.constant 50 : i32
      %mul3A_177 = arith.muli %shift_right_arithmetic3A_174, %mul3A_176 : i32
      %add3A_178 = arith.constant 0 : i32
      %add3A_179 = arith.addi %mul3A_177, %add3A_178 : i32
      %mul3A_180 = arith.constant 17 : i32
      %mul3A_181 = arith.muli %add3A_179, %mul3A_180 : i32
      %add3A_182 = arith.addi %mul3A_181, %and3A_175 : i32
      %add3A_183 = vector.broadcast %add3A_182 : i32 to vector<16xi32>
      %add3A_184 = arith.addi %add3A_183, %mul3A_64 : vector<16xi32>
      %get3A_185 = arith.constant 0 : i32
      %get3A_186 = tpu.memref_slice %arg8[%scan3A_173, %get3A_185] : memref<128x50xi32, #tpu.memory_space<vmem>> -> memref<1x50xi32, #tpu.memory_space<vmem>>
      %get3A_187 = tpu.memref_squeeze %get3A_186 : memref<1x50xi32, #tpu.memory_space<vmem>> -> memref<50xi32, #tpu.memory_space<vmem>>
      %get3A_188 = arith.constant 0 : index
      %get3A_189 = tpu.vector_load %get3A_187[%get3A_188] {strides = array<i32>} : memref<50xi32, #tpu.memory_space<vmem>>, vector<16xi32>,
      %mul3A_190 = arith.constant 5 : i32
      %mul3A_191 = vector.broadcast %mul3A_190 : i32 to vector<16xi32>
      %mul3A_192 = arith.muli %get3A_189, %mul3A_191 : vector<16xi32>
      %get3A_193 = arith.constant 0 : i32
      %get3A_194 = tpu.memref_slice %arg9[%scan3A_173, %get3A_193] : memref<128x50xi32, #tpu.memory_space<vmem>> -> memref<1x50xi32, #tpu.memory_space<vmem>>
      %get3A_195 = tpu.memref_squeeze %get3A_194 : memref<1x50xi32, #tpu.memory_space<vmem>> -> memref<50xi32, #tpu.memory_space<vmem>>
      %get3A_196 = arith.constant 0 : index
      %get3A_197 = tpu.vector_load %get3A_195[%get3A_196] {strides = array<i32>} : memref<50xi32, #tpu.memory_space<vmem>>, vector<16xi32>,
      %mul3A_198 = arith.constant 5 : i32
      %mul3A_199 = vector.broadcast %mul3A_198 : i32 to vector<16xi32>
      %mul3A_200 = arith.muli %get3A_197, %mul3A_199 : vector<16xi32>
      tpu.vector_store_idx %arg12[%add3A_184], %mul3A_192 : memref<6800xi32, #tpu.memory_space<vmem>>[vector<16xi32>], vector<16xi32>,
      tpu.vector_store_idx %arg13[%add3A_184], %mul3A_200 : memref<6800xi32, #tpu.memory_space<vmem>>[vector<16xi32>], vector<16xi32>,
      %add3A_201 = arith.constant 16 : i32
      %add3A_202 = arith.addi %mul3A_177, %add3A_201 : i32
      %mul3A_203 = arith.constant 17 : i32
      %mul3A_204 = arith.muli %add3A_202, %mul3A_203 : i32
      %add3A_205 = arith.addi %mul3A_204, %and3A_175 : i32
      %add3A_206 = vector.broadcast %add3A_205 : i32 to vector<16xi32>
      %add3A_207 = arith.addi %add3A_206, %mul3A_64 : vector<16xi32>
      %get3A_208 = arith.constant 0 : i32
      %get3A_209 = tpu.memref_slice %arg8[%scan3A_173, %get3A_208] : memref<128x50xi32, #tpu.memory_space<vmem>> -> memref<1x50xi32, #tpu.memory_space<vmem>>
      %get3A_210 = tpu.memref_squeeze %get3A_209 : memref<1x50xi32, #tpu.memory_space<vmem>> -> memref<50xi32, #tpu.memory_space<vmem>>
      %get3A_211 = arith.constant 16 : index
      %get3A_212 = tpu.vector_load %get3A_210[%get3A_211] {strides = array<i32>} : memref<50xi32, #tpu.memory_space<vmem>>, vector<16xi32>,
      %mul3A_213 = arith.constant 5 : i32
      %mul3A_214 = vector.broadcast %mul3A_213 : i32 to vector<16xi32>
      %mul3A_215 = arith.muli %get3A_212, %mul3A_214 : vector<16xi32>
      %get3A_216 = arith.constant 0 : i32
      %get3A_217 = tpu.memref_slice %arg9[%scan3A_173, %get3A_216] : memref<128x50xi32, #tpu.memory_space<vmem>> -> memref<1x50xi32, #tpu.memory_space<vmem>>
      %get3A_218 = tpu.memref_squeeze %get3A_217 : memref<1x50xi32, #tpu.memory_space<vmem>> -> memref<50xi32, #tpu.memory_space<vmem>>
      %get3A_219 = arith.constant 16 : index
      %get3A_220 = tpu.vector_load %get3A_218[%get3A_219] {strides = array<i32>} : memref<50xi32, #tpu.memory_space<vmem>>, vector<16xi32>,
      %mul3A_221 = arith.constant 5 : i32
      %mul3A_222 = vector.broadcast %mul3A_221 : i32 to vector<16xi32>
      %mul3A_223 = arith.muli %get3A_220, %mul3A_222 : vector<16xi32>
      tpu.vector_store_idx %arg12[%add3A_207], %mul3A_215 : memref<6800xi32, #tpu.memory_space<vmem>>[vector<16xi32>], vector<16xi32>,
      tpu.vector_store_idx %arg13[%add3A_207], %mul3A_223 : memref<6800xi32, #tpu.memory_space<vmem>>[vector<16xi32>], vector<16xi32>,
      %add3A_224 = arith.constant 32 : i32
      %add3A_225 = arith.addi %mul3A_177, %add3A_224 : i32
      %mul3A_226 = arith.constant 17 : i32
      %mul3A_227 = arith.muli %add3A_225, %mul3A_226 : i32
      %add3A_228 = arith.addi %mul3A_227, %and3A_175 : i32
      %add3A_229 = vector.broadcast %add3A_228 : i32 to vector<16xi32>
      %add3A_230 = arith.addi %add3A_229, %mul3A_64 : vector<16xi32>
      %get3A_231 = arith.constant 0 : i32
      %get3A_232 = tpu.memref_slice %arg8[%scan3A_173, %get3A_231] : memref<128x50xi32, #tpu.memory_space<vmem>> -> memref<1x50xi32, #tpu.memory_space<vmem>>
      %get3A_233 = tpu.memref_squeeze %get3A_232 : memref<1x50xi32, #tpu.memory_space<vmem>> -> memref<50xi32, #tpu.memory_space<vmem>>
      %get3A_234 = arith.constant 32 : index
      %get3A_235 = tpu.vector_load %get3A_233[%get3A_234] {strides = array<i32>} : memref<50xi32, #tpu.memory_space<vmem>>, vector<16xi32>,
      %mul3A_236 = arith.constant 5 : i32
      %mul3A_237 = vector.broadcast %mul3A_236 : i32 to vector<16xi32>
      %mul3A_238 = arith.muli %get3A_235, %mul3A_237 : vector<16xi32>
      %get3A_239 = arith.constant 0 : i32
      %get3A_240 = tpu.memref_slice %arg9[%scan3A_173, %get3A_239] : memref<128x50xi32, #tpu.memory_space<vmem>> -> memref<1x50xi32, #tpu.memory_space<vmem>>
      %get3A_241 = tpu.memref_squeeze %get3A_240 : memref<1x50xi32, #tpu.memory_space<vmem>> -> memref<50xi32, #tpu.memory_space<vmem>>
      %get3A_242 = arith.constant 32 : index
      %get3A_243 = tpu.vector_load %get3A_241[%get3A_242] {strides = array<i32>} : memref<50xi32, #tpu.memory_space<vmem>>, vector<16xi32>,
      %mul3A_244 = arith.constant 5 : i32
      %mul3A_245 = vector.broadcast %mul3A_244 : i32 to vector<16xi32>
      %mul3A_246 = arith.muli %get3A_243, %mul3A_245 : vector<16xi32>
      tpu.vector_store_idx %arg12[%add3A_230], %mul3A_238 : memref<6800xi32, #tpu.memory_space<vmem>>[vector<16xi32>], vector<16xi32>,
      tpu.vector_store_idx %arg13[%add3A_230], %mul3A_246 : memref<6800xi32, #tpu.memory_space<vmem>>[vector<16xi32>], vector<16xi32>,
      %add3A_247 = arith.constant 34 : i32
      %add3A_248 = arith.addi %mul3A_177, %add3A_247 : i32
      %mul3A_249 = arith.constant 17 : i32
      %mul3A_250 = arith.muli %add3A_248, %mul3A_249 : i32
      %add3A_251 = arith.addi %mul3A_250, %and3A_175 : i32
      %add3A_252 = vector.broadcast %add3A_251 : i32 to vector<16xi32>
      %add3A_253 = arith.addi %add3A_252, %mul3A_64 : vector<16xi32>
      %get3A_254 = arith.constant 0 : i32
      %get3A_255 = tpu.memref_slice %arg8[%scan3A_173, %get3A_254] : memref<128x50xi32, #tpu.memory_space<vmem>> -> memref<1x50xi32, #tpu.memory_space<vmem>>
      %get3A_256 = tpu.memref_squeeze %get3A_255 : memref<1x50xi32, #tpu.memory_space<vmem>> -> memref<50xi32, #tpu.memory_space<vmem>>
      %get3A_257 = arith.constant 34 : index
      %get3A_258 = tpu.vector_load %get3A_256[%get3A_257] {strides = array<i32>} : memref<50xi32, #tpu.memory_space<vmem>>, vector<16xi32>,
      %mul3A_259 = arith.constant 5 : i32
      %mul3A_260 = vector.broadcast %mul3A_259 : i32 to vector<16xi32>
      %mul3A_261 = arith.muli %get3A_258, %mul3A_260 : vector<16xi32>
      %get3A_262 = arith.constant 0 : i32
      %get3A_263 = tpu.memref_slice %arg9[%scan3A_173, %get3A_262] : memref<128x50xi32, #tpu.memory_space<vmem>> -> memref<1x50xi32, #tpu.memory_space<vmem>>
      %get3A_264 = tpu.memref_squeeze %get3A_263 : memref<1x50xi32, #tpu.memory_space<vmem>> -> memref<50xi32, #tpu.memory_space<vmem>>
      %get3A_265 = arith.constant 34 : index
      %get3A_266 = tpu.vector_load %get3A_264[%get3A_265] {strides = array<i32>} : memref<50xi32, #tpu.memory_space<vmem>>, vector<16xi32>,
      %mul3A_267 = arith.constant 5 : i32
      %mul3A_268 = vector.broadcast %mul3A_267 : i32 to vector<16xi32>
      %mul3A_269 = arith.muli %get3A_266, %mul3A_268 : vector<16xi32>
      tpu.vector_store_idx %arg12[%add3A_253], %mul3A_261 : memref<6800xi32, #tpu.memory_space<vmem>>[vector<16xi32>], vector<16xi32>,
      tpu.vector_store_idx %arg13[%add3A_253], %mul3A_269 : memref<6800xi32, #tpu.memory_space<vmem>>[vector<16xi32>], vector<16xi32>,
    }
    %scan3A_86 = arith.constant 128 : i32
    %scan3A_87 = arith.constant 0 : i32
    %scan3A_88 = arith.constant 0 : i32
    %scan3A_89 = arith.constant 8 : i32
    %scan3A_90 = arith.addi %scan3A_88, %scan3A_89 : i32
    %scan3A_91 = arith.constant 1 : i32
    scf.for %scan3A_173 = %scan3A_88 to %scan3A_90 step %scan3A_91  : i32 {
      %mul3A_174 = arith.constant 50 : i32
      %mul3A_175 = arith.muli %scan3A_173, %mul3A_174 : i32
      %scan3A_176 = arith.constant 0 : i32
      %scan3A_177 = arith.constant 50 : i32
      %scan3A_178 = arith.addi %scan3A_176, %scan3A_177 : i32
      %scan3A_179 = arith.constant 1 : i32
      %scan3A_180:16 = scf.for %scan3A_346 = %scan3A_176 to %scan3A_178 step %scan3A_179 iter_args(%scan3A_347 = %broadcast_in_dim3A_61, %scan3A_348 = %broadcast_in_dim3A_61, %scan3A_349 = %broadcast_in_dim3A_61, %scan3A_350 = %broadcast_in_dim3A_61, %scan3A_351 = %broadcast_in_dim3A_61, %scan3A_352 = %broadcast_in_dim3A_61, %scan3A_353 = %broadcast_in_dim3A_61, %scan3A_354 = %broadcast_in_dim3A_61, %scan3A_355 = %broadcast_in_dim3A_61, %scan3A_356 = %broadcast_in_dim3A_61, %scan3A_357 = %broadcast_in_dim3A_61, %scan3A_358 = %broadcast_in_dim3A_61, %scan3A_359 = %broadcast_in_dim3A_61, %scan3A_360 = %broadcast_in_dim3A_61, %scan3A_361 = %broadcast_in_dim3A_61, %scan3A_362 = %broadcast_in_dim3A_61) -> (vector<16xf32>, vector<16xf32>, vector<16xf32>, vector<16xf32>, vector<16xf32>, vector<16xf32>, vector<16xf32>, vector<16xf32>, vector<16xf32>, vector<16xf32>, vector<16xf32>, vector<16xf32>, vector<16xf32>, vector<16xf32>, vector<16xf32>, vector<16xf32>)  : i32 {
        %add3A_363 = arith.addi %mul3A_175, %scan3A_346 : i32
        %mul3A_364 = arith.constant 17 : i32
        %mul3A_365 = arith.muli %add3A_363, %mul3A_364 : i32
        %get3A_366 = arith.index_cast %mul3A_365 : i32 to index
        %get3A_367 = tpu.vector_load %arg12[%get3A_366] {strides = array<i32>} : memref<6800xi32, #tpu.memory_space<vmem>>, vector<16xi32>,
        %get3A_368 = arith.index_cast %mul3A_365 : i32 to index
        %get3A_369 = tpu.vector_load %arg13[%get3A_368] {strides = array<i32>} : memref<6800xi32, #tpu.memory_space<vmem>>, vector<16xi32>,
        %add3A_370 = arith.constant 0 : i32
        %add3A_371 = vector.broadcast %add3A_370 : i32 to vector<16xi32>
        %add3A_372 = arith.addi %get3A_367, %add3A_371 : vector<16xi32>
        %gather3A_373 = tpu.vector_load_idx %arg15[%add3A_372] : memref<11720xi32, #tpu.memory_space<vmem>>[vector<16xi32>], vector<16xi32>,
        %bitcast3A = vector.bitcast %gather3A_373 : vector<16xi32> to vector<32xbf16>
        %unpack3A = tpu.unpack_subelements %bitcast3A, 0 {pack_format = #tpu.pack_format<interleaved>} : vector<32xbf16> -> vector<16xf32>
        %unpack3A_374 = tpu.unpack_subelements %bitcast3A, 1 {pack_format = #tpu.pack_format<interleaved>} : vector<32xbf16> -> vector<16xf32>
        %add3A_375 = arith.constant 0 : i32
        %add3A_376 = vector.broadcast %add3A_375 : i32 to vector<16xi32>
        %add3A_377 = arith.addi %get3A_369, %add3A_376 : vector<16xi32>
        %gather3A_378 = tpu.vector_load_idx %arg15[%add3A_377] : memref<11720xi32, #tpu.memory_space<vmem>>[vector<16xi32>], vector<16xi32>,
        %bitcast3A_379 = vector.bitcast %gather3A_378 : vector<16xi32> to vector<32xbf16>
        %unpack3A_380 = tpu.unpack_subelements %bitcast3A_379, 0 {pack_format = #tpu.pack_format<interleaved>} : vector<32xbf16> -> vector<16xf32>
        %unpack3A_381 = tpu.unpack_subelements %bitcast3A_379, 1 {pack_format = #tpu.pack_format<interleaved>} : vector<32xbf16> -> vector<16xf32>
        %add3A_382 = arith.addf %scan3A_347, %unpack3A : vector<16xf32>
        %add3A_383 = arith.addf %scan3A_348, %unpack3A_374 : vector<16xf32>
        %add3A_384 = arith.addf %scan3A_355, %unpack3A_380 : vector<16xf32>
        %add3A_385 = arith.addf %scan3A_356, %unpack3A_381 : vector<16xf32>
        %add3A_386 = arith.constant 1 : i32
        %add3A_387 = vector.broadcast %add3A_386 : i32 to vector<16xi32>
        %add3A_388 = arith.addi %get3A_367, %add3A_387 : vector<16xi32>
        %gather3A_389 = tpu.vector_load_idx %arg15[%add3A_388] : memref<11720xi32, #tpu.memory_space<vmem>>[vector<16xi32>], vector<16xi32>,
        %bitcast3A_390 = vector.bitcast %gather3A_389 : vector<16xi32> to vector<32xbf16>
        %unpack3A_391 = tpu.unpack_subelements %bitcast3A_390, 0 {pack_format = #tpu.pack_format<interleaved>} : vector<32xbf16> -> vector<16xf32>
        %unpack3A_392 = tpu.unpack_subelements %bitcast3A_390, 1 {pack_format = #tpu.pack_format<interleaved>} : vector<32xbf16> -> vector<16xf32>
        %add3A_393 = arith.constant 1 : i32
        %add3A_394 = vector.broadcast %add3A_393 : i32 to vector<16xi32>
        %add3A_395 = arith.addi %get3A_369, %add3A_394 : vector<16xi32>
        %gather3A_396 = tpu.vector_load_idx %arg15[%add3A_395] : memref<11720xi32, #tpu.memory_space<vmem>>[vector<16xi32>], vector<16xi32>,
        %bitcast3A_397 = vector.bitcast %gather3A_396 : vector<16xi32> to vector<32xbf16>
        %unpack3A_398 = tpu.unpack_subelements %bitcast3A_397, 0 {pack_format = #tpu.pack_format<interleaved>} : vector<32xbf16> -> vector<16xf32>
        %unpack3A_399 = tpu.unpack_subelements %bitcast3A_397, 1 {pack_format = #tpu.pack_format<interleaved>} : vector<32xbf16> -> vector<16xf32>
        %add3A_400 = arith.addf %scan3A_349, %unpack3A_391 : vector<16xf32>
        %add3A_401 = arith.addf %scan3A_350, %unpack3A_392 : vector<16xf32>
        %add3A_402 = arith.addf %scan3A_357, %unpack3A_398 : vector<16xf32>
        %add3A_403 = arith.addf %scan3A_358, %unpack3A_399 : vector<16xf32>
        %add3A_404 = arith.constant 2 : i32
        %add3A_405 = vector.broadcast %add3A_404 : i32 to vector<16xi32>
        %add3A_406 = arith.addi %get3A_367, %add3A_405 : vector<16xi32>
        %gather3A_407 = tpu.vector_load_idx %arg15[%add3A_406] : memref<11720xi32, #tpu.memory_space<vmem>>[vector<16xi32>], vector<16xi32>,
        %bitcast3A_408 = vector.bitcast %gather3A_407 : vector<16xi32> to vector<32xbf16>
        %unpack3A_409 = tpu.unpack_subelements %bitcast3A_408, 0 {pack_format = #tpu.pack_format<interleaved>} : vector<32xbf16> -> vector<16xf32>
        %unpack3A_410 = tpu.unpack_subelements %bitcast3A_408, 1 {pack_format = #tpu.pack_format<interleaved>} : vector<32xbf16> -> vector<16xf32>
        %add3A_411 = arith.constant 2 : i32
        %add3A_412 = vector.broadcast %add3A_411 : i32 to vector<16xi32>
        %add3A_413 = arith.addi %get3A_369, %add3A_412 : vector<16xi32>
        %gather3A_414 = tpu.vector_load_idx %arg15[%add3A_413] : memref<11720xi32, #tpu.memory_space<vmem>>[vector<16xi32>], vector<16xi32>,
        %bitcast3A_415 = vector.bitcast %gather3A_414 : vector<16xi32> to vector<32xbf16>
        %unpack3A_416 = tpu.unpack_subelements %bitcast3A_415, 0 {pack_format = #tpu.pack_format<interleaved>} : vector<32xbf16> -> vector<16xf32>
        %unpack3A_417 = tpu.unpack_subelements %bitcast3A_415, 1 {pack_format = #tpu.pack_format<interleaved>} : vector<32xbf16> -> vector<16xf32>
        %add3A_418 = arith.addf %scan3A_351, %unpack3A_409 : vector<16xf32>
        %add3A_419 = arith.addf %scan3A_352, %unpack3A_410 : vector<16xf32>
        %add3A_420 = arith.addf %scan3A_359, %unpack3A_416 : vector<16xf32>
        %add3A_421 = arith.addf %scan3A_360, %unpack3A_417 : vector<16xf32>
        %add3A_422 = arith.constant 3 : i32
        %add3A_423 = vector.broadcast %add3A_422 : i32 to vector<16xi32>
        %add3A_424 = arith.addi %get3A_367, %add3A_423 : vector<16xi32>
        %gather3A_425 = tpu.vector_load_idx %arg15[%add3A_424] : memref<11720xi32, #tpu.memory_space<vmem>>[vector<16xi32>], vector<16xi32>,
        %bitcast3A_426 = vector.bitcast %gather3A_425 : vector<16xi32> to vector<32xbf16>
        %unpack3A_427 = tpu.unpack_subelements %bitcast3A_426, 0 {pack_format = #tpu.pack_format<interleaved>} : vector<32xbf16> -> vector<16xf32>
        %unpack3A_428 = tpu.unpack_subelements %bitcast3A_426, 1 {pack_format = #tpu.pack_format<interleaved>} : vector<32xbf16> -> vector<16xf32>
        %add3A_429 = arith.constant 3 : i32
        %add3A_430 = vector.broadcast %add3A_429 : i32 to vector<16xi32>
        %add3A_431 = arith.addi %get3A_369, %add3A_430 : vector<16xi32>
        %gather3A_432 = tpu.vector_load_idx %arg15[%add3A_431] : memref<11720xi32, #tpu.memory_space<vmem>>[vector<16xi32>], vector<16xi32>,
        %bitcast3A_433 = vector.bitcast %gather3A_432 : vector<16xi32> to vector<32xbf16>
        %unpack3A_434 = tpu.unpack_subelements %bitcast3A_433, 0 {pack_format = #tpu.pack_format<interleaved>} : vector<32xbf16> -> vector<16xf32>
        %unpack3A_435 = tpu.unpack_subelements %bitcast3A_433, 1 {pack_format = #tpu.pack_format<interleaved>} : vector<32xbf16> -> vector<16xf32>
        %add3A_436 = arith.addf %scan3A_353, %unpack3A_427 : vector<16xf32>
        %add3A_437 = arith.addf %scan3A_354, %unpack3A_428 : vector<16xf32>
        %add3A_438 = arith.addf %scan3A_361, %unpack3A_434 : vector<16xf32>
        %add3A_439 = arith.addf %scan3A_362, %unpack3A_435 : vector<16xf32>
        scf.yield %add3A_382, %add3A_383, %add3A_400, %add3A_401, %add3A_418, %add3A_419, %add3A_436, %add3A_437, %add3A_384, %add3A_385, %add3A_402, %add3A_403, %add3A_420, %add3A_421, %add3A_438, %add3A_439 : vector<16xf32>, vector<16xf32>, vector<16xf32>, vector<16xf32>, vector<16xf32>, vector<16xf32>, vector<16xf32>, vector<16xf32>, vector<16xf32>, vector<16xf32>, vector<16xf32>, vector<16xf32>, vector<16xf32>, vector<16xf32>, vector<16xf32>, vector<16xf32>
      }
      %scan3A_181 = arith.constant 50 : i32
      %mul3A_182 = arith.constant 16 : i32
      %mul3A_183 = arith.muli %scan3A_173, %mul3A_182 : i32
      %add3A_184 = arith.constant 0 : i32
      %add3A_185 = arith.addi %add3A_184, %mul3A_183 : i32
      %add3A_186 = vector.broadcast %add3A_185 : i32 to vector<16xi32>
      %add3A_187 = arith.addi %add3A_186, %iota3A : vector<16xi32>
      %gather3A = tpu.vector_load_idx %arg14[%add3A_187] : memref<512xi32, #tpu.memory_space<vmem>>[vector<16xi32>], vector<16xi32>,
      %eq3A = arith.constant 0 : i32
      %eq3A_188 = vector.broadcast %eq3A : i32 to vector<16xi32>
      %eq3A_189 = arith.cmpi eq, %gather3A, %eq3A_188 : vector<16xi32>
      %select_n3A = arith.select %eq3A_189, %get3A_28, %get3A_44 : vector<16xi1>, vector<16xf32>
      %select_n3A_190 = arith.select %eq3A_189, %get3A_44, %get3A_28 : vector<16xi1>, vector<16xf32>
      %add3A_191 = arith.addf %scan3A_180#0, %get3A_12 : vector<16xf32>
      %jit3A = arith.constant 0.000000e+00 : f32
      %jit3A_192 = arith.constant 1.000000e+00 : f32
      %max3A = vector.broadcast %jit3A : f32 to vector<16xf32>
      %max3A_193 = arith.maximumf %max3A, %add3A_191 : vector<16xf32>
      %min3A = vector.broadcast %jit3A_192 : f32 to vector<16xf32>
      %min3A_194 = arith.minimumf %min3A, %max3A_193 : vector<16xf32>
      %add3A_195 = arith.addf %scan3A_180#8, %get3A_12 : vector<16xf32>
      %jit3A_196 = arith.constant 0.000000e+00 : f32
      %jit3A_197 = arith.constant 1.000000e+00 : f32
      %max3A_198 = vector.broadcast %jit3A_196 : f32 to vector<16xf32>
      %max3A_199 = arith.maximumf %max3A_198, %add3A_195 : vector<16xf32>
      %min3A_200 = vector.broadcast %jit3A_197 : f32 to vector<16xf32>
      %min3A_201 = arith.minimumf %min3A_200, %max3A_199 : vector<16xf32>
      %mul3A_202 = arith.mulf %select_n3A, %min3A_194 : vector<16xf32>
      %add3A_203 = arith.addf %get3A_60, %mul3A_202 : vector<16xf32>
      %mul3A_204 = arith.mulf %select_n3A_190, %min3A_201 : vector<16xf32>
      %add3A_205 = arith.addf %add3A_203, %mul3A_204 : vector<16xf32>
      %select_n3A_206 = arith.select %eq3A_189, %get3A_30, %get3A_46 : vector<16xi1>, vector<16xf32>
      %select_n3A_207 = arith.select %eq3A_189, %get3A_46, %get3A_30 : vector<16xi1>, vector<16xf32>
      %add3A_208 = arith.addf %scan3A_180#1, %get3A_14 : vector<16xf32>
      %jit3A_209 = arith.constant 0.000000e+00 : f32
      %jit3A_210 = arith.constant 1.000000e+00 : f32
      %max3A_211 = vector.broadcast %jit3A_209 : f32 to vector<16xf32>
      %max3A_212 = arith.maximumf %max3A_211, %add3A_208 : vector<16xf32>
      %min3A_213 = vector.broadcast %jit3A_210 : f32 to vector<16xf32>
      %min3A_214 = arith.minimumf %min3A_213, %max3A_212 : vector<16xf32>
      %add3A_215 = arith.addf %scan3A_180#9, %get3A_14 : vector<16xf32>
      %jit3A_216 = arith.constant 0.000000e+00 : f32
      %jit3A_217 = arith.constant 1.000000e+00 : f32
      %max3A_218 = vector.broadcast %jit3A_216 : f32 to vector<16xf32>
      %max3A_219 = arith.maximumf %max3A_218, %add3A_215 : vector<16xf32>
      %min3A_220 = vector.broadcast %jit3A_217 : f32 to vector<16xf32>
      %min3A_221 = arith.minimumf %min3A_220, %max3A_219 : vector<16xf32>
      %mul3A_222 = arith.mulf %select_n3A_206, %min3A_214 : vector<16xf32>
      %add3A_223 = arith.addf %add3A_205, %mul3A_222 : vector<16xf32>
      %mul3A_224 = arith.mulf %select_n3A_207, %min3A_221 : vector<16xf32>
      %add3A_225 = arith.addf %add3A_223, %mul3A_224 : vector<16xf32>
      %select_n3A_226 = arith.select %eq3A_189, %get3A_32, %get3A_48 : vector<16xi1>, vector<16xf32>
      %select_n3A_227 = arith.select %eq3A_189, %get3A_48, %get3A_32 : vector<16xi1>, vector<16xf32>
      %add3A_228 = arith.addf %scan3A_180#2, %get3A_16 : vector<16xf32>
      %jit3A_229 = arith.constant 0.000000e+00 : f32
      %jit3A_230 = arith.constant 1.000000e+00 : f32
      %max3A_231 = vector.broadcast %jit3A_229 : f32 to vector<16xf32>
      %max3A_232 = arith.maximumf %max3A_231, %add3A_228 : vector<16xf32>
      %min3A_233 = vector.broadcast %jit3A_230 : f32 to vector<16xf32>
      %min3A_234 = arith.minimumf %min3A_233, %max3A_232 : vector<16xf32>
      %add3A_235 = arith.addf %scan3A_180#10, %get3A_16 : vector<16xf32>
      %jit3A_236 = arith.constant 0.000000e+00 : f32
      %jit3A_237 = arith.constant 1.000000e+00 : f32
      %max3A_238 = vector.broadcast %jit3A_236 : f32 to vector<16xf32>
      %max3A_239 = arith.maximumf %max3A_238, %add3A_235 : vector<16xf32>
      %min3A_240 = vector.broadcast %jit3A_237 : f32 to vector<16xf32>
      %min3A_241 = arith.minimumf %min3A_240, %max3A_239 : vector<16xf32>
      %mul3A_242 = arith.mulf %select_n3A_226, %min3A_234 : vector<16xf32>
      %add3A_243 = arith.addf %add3A_225, %mul3A_242 : vector<16xf32>
      %mul3A_244 = arith.mulf %select_n3A_227, %min3A_241 : vector<16xf32>
      %add3A_245 = arith.addf %add3A_243, %mul3A_244 : vector<16xf32>
      %select_n3A_246 = arith.select %eq3A_189, %get3A_34, %get3A_50 : vector<16xi1>, vector<16xf32>
      %select_n3A_247 = arith.select %eq3A_189, %get3A_50, %get3A_34 : vector<16xi1>, vector<16xf32>
      %add3A_248 = arith.addf %scan3A_180#3, %get3A_18 : vector<16xf32>
      %jit3A_249 = arith.constant 0.000000e+00 : f32
      %jit3A_250 = arith.constant 1.000000e+00 : f32
      %max3A_251 = vector.broadcast %jit3A_249 : f32 to vector<16xf32>
      %max3A_252 = arith.maximumf %max3A_251, %add3A_248 : vector<16xf32>
      %min3A_253 = vector.broadcast %jit3A_250 : f32 to vector<16xf32>
      %min3A_254 = arith.minimumf %min3A_253, %max3A_252 : vector<16xf32>
      %add3A_255 = arith.addf %scan3A_180#11, %get3A_18 : vector<16xf32>
      %jit3A_256 = arith.constant 0.000000e+00 : f32
      %jit3A_257 = arith.constant 1.000000e+00 : f32
      %max3A_258 = vector.broadcast %jit3A_256 : f32 to vector<16xf32>
      %max3A_259 = arith.maximumf %max3A_258, %add3A_255 : vector<16xf32>
      %min3A_260 = vector.broadcast %jit3A_257 : f32 to vector<16xf32>
      %min3A_261 = arith.minimumf %min3A_260, %max3A_259 : vector<16xf32>
      %mul3A_262 = arith.mulf %select_n3A_246, %min3A_254 : vector<16xf32>
      %add3A_263 = arith.addf %add3A_245, %mul3A_262 : vector<16xf32>
      %mul3A_264 = arith.mulf %select_n3A_247, %min3A_261 : vector<16xf32>
      %add3A_265 = arith.addf %add3A_263, %mul3A_264 : vector<16xf32>
      %select_n3A_266 = arith.select %eq3A_189, %get3A_36, %get3A_52 : vector<16xi1>, vector<16xf32>
      %select_n3A_267 = arith.select %eq3A_189, %get3A_52, %get3A_36 : vector<16xi1>, vector<16xf32>
      %add3A_268 = arith.addf %scan3A_180#4, %get3A_20 : vector<16xf32>
      %jit3A_269 = arith.constant 0.000000e+00 : f32
      %jit3A_270 = arith.constant 1.000000e+00 : f32
      %max3A_271 = vector.broadcast %jit3A_269 : f32 to vector<16xf32>
      %max3A_272 = arith.maximumf %max3A_271, %add3A_268 : vector<16xf32>
      %min3A_273 = vector.broadcast %jit3A_270 : f32 to vector<16xf32>
      %min3A_274 = arith.minimumf %min3A_273, %max3A_272 : vector<16xf32>
      %add3A_275 = arith.addf %scan3A_180#12, %get3A_20 : vector<16xf32>
      %jit3A_276 = arith.constant 0.000000e+00 : f32
      %jit3A_277 = arith.constant 1.000000e+00 : f32
      %max3A_278 = vector.broadcast %jit3A_276 : f32 to vector<16xf32>
      %max3A_279 = arith.maximumf %max3A_278, %add3A_275 : vector<16xf32>
      %min3A_280 = vector.broadcast %jit3A_277 : f32 to vector<16xf32>
      %min3A_281 = arith.minimumf %min3A_280, %max3A_279 : vector<16xf32>
      %mul3A_282 = arith.mulf %select_n3A_266, %min3A_274 : vector<16xf32>
      %add3A_283 = arith.addf %add3A_265, %mul3A_282 : vector<16xf32>
      %mul3A_284 = arith.mulf %select_n3A_267, %min3A_281 : vector<16xf32>
      %add3A_285 = arith.addf %add3A_283, %mul3A_284 : vector<16xf32>
      %select_n3A_286 = arith.select %eq3A_189, %get3A_38, %get3A_54 : vector<16xi1>, vector<16xf32>
      %select_n3A_287 = arith.select %eq3A_189, %get3A_54, %get3A_38 : vector<16xi1>, vector<16xf32>
      %add3A_288 = arith.addf %scan3A_180#5, %get3A_22 : vector<16xf32>
      %jit3A_289 = arith.constant 0.000000e+00 : f32
      %jit3A_290 = arith.constant 1.000000e+00 : f32
      %max3A_291 = vector.broadcast %jit3A_289 : f32 to vector<16xf32>
      %max3A_292 = arith.maximumf %max3A_291, %add3A_288 : vector<16xf32>
      %min3A_293 = vector.broadcast %jit3A_290 : f32 to vector<16xf32>
      %min3A_294 = arith.minimumf %min3A_293, %max3A_292 : vector<16xf32>
      %add3A_295 = arith.addf %scan3A_180#13, %get3A_22 : vector<16xf32>
      %jit3A_296 = arith.constant 0.000000e+00 : f32
      %jit3A_297 = arith.constant 1.000000e+00 : f32
      %max3A_298 = vector.broadcast %jit3A_296 : f32 to vector<16xf32>
      %max3A_299 = arith.maximumf %max3A_298, %add3A_295 : vector<16xf32>
      %min3A_300 = vector.broadcast %jit3A_297 : f32 to vector<16xf32>
      %min3A_301 = arith.minimumf %min3A_300, %max3A_299 : vector<16xf32>
      %mul3A_302 = arith.mulf %select_n3A_286, %min3A_294 : vector<16xf32>
      %add3A_303 = arith.addf %add3A_285, %mul3A_302 : vector<16xf32>
      %mul3A_304 = arith.mulf %select_n3A_287, %min3A_301 : vector<16xf32>
      %add3A_305 = arith.addf %add3A_303, %mul3A_304 : vector<16xf32>
      %select_n3A_306 = arith.select %eq3A_189, %get3A_40, %get3A_56 : vector<16xi1>, vector<16xf32>
      %select_n3A_307 = arith.select %eq3A_189, %get3A_56, %get3A_40 : vector<16xi1>, vector<16xf32>
      %add3A_308 = arith.addf %scan3A_180#6, %get3A_24 : vector<16xf32>
      %jit3A_309 = arith.constant 0.000000e+00 : f32
      %jit3A_310 = arith.constant 1.000000e+00 : f32
      %max3A_311 = vector.broadcast %jit3A_309 : f32 to vector<16xf32>
      %max3A_312 = arith.maximumf %max3A_311, %add3A_308 : vector<16xf32>
      %min3A_313 = vector.broadcast %jit3A_310 : f32 to vector<16xf32>
      %min3A_314 = arith.minimumf %min3A_313, %max3A_312 : vector<16xf32>
      %add3A_315 = arith.addf %scan3A_180#14, %get3A_24 : vector<16xf32>
      %jit3A_316 = arith.constant 0.000000e+00 : f32
      %jit3A_317 = arith.constant 1.000000e+00 : f32
      %max3A_318 = vector.broadcast %jit3A_316 : f32 to vector<16xf32>
      %max3A_319 = arith.maximumf %max3A_318, %add3A_315 : vector<16xf32>
      %min3A_320 = vector.broadcast %jit3A_317 : f32 to vector<16xf32>
      %min3A_321 = arith.minimumf %min3A_320, %max3A_319 : vector<16xf32>
      %mul3A_322 = arith.mulf %select_n3A_306, %min3A_314 : vector<16xf32>
      %add3A_323 = arith.addf %add3A_305, %mul3A_322 : vector<16xf32>
      %mul3A_324 = arith.mulf %select_n3A_307, %min3A_321 : vector<16xf32>
      %add3A_325 = arith.addf %add3A_323, %mul3A_324 : vector<16xf32>
      %select_n3A_326 = arith.select %eq3A_189, %get3A_42, %get3A_58 : vector<16xi1>, vector<16xf32>
      %select_n3A_327 = arith.select %eq3A_189, %get3A_58, %get3A_42 : vector<16xi1>, vector<16xf32>
      %add3A_328 = arith.addf %scan3A_180#7, %get3A_26 : vector<16xf32>
      %jit3A_329 = arith.constant 0.000000e+00 : f32
      %jit3A_330 = arith.constant 1.000000e+00 : f32
      %max3A_331 = vector.broadcast %jit3A_329 : f32 to vector<16xf32>
      %max3A_332 = arith.maximumf %max3A_331, %add3A_328 : vector<16xf32>
      %min3A_333 = vector.broadcast %jit3A_330 : f32 to vector<16xf32>
      %min3A_334 = arith.minimumf %min3A_333, %max3A_332 : vector<16xf32>
      %add3A_335 = arith.addf %scan3A_180#15, %get3A_26 : vector<16xf32>
      %jit3A_336 = arith.constant 0.000000e+00 : f32
      %jit3A_337 = arith.constant 1.000000e+00 : f32
      %max3A_338 = vector.broadcast %jit3A_336 : f32 to vector<16xf32>
      %max3A_339 = arith.maximumf %max3A_338, %add3A_335 : vector<16xf32>
      %min3A_340 = vector.broadcast %jit3A_337 : f32 to vector<16xf32>
      %min3A_341 = arith.minimumf %min3A_340, %max3A_339 : vector<16xf32>
      %mul3A_342 = arith.mulf %select_n3A_326, %min3A_334 : vector<16xf32>
      %add3A_343 = arith.addf %add3A_325, %mul3A_342 : vector<16xf32>
      %mul3A_344 = arith.mulf %select_n3A_327, %min3A_341 : vector<16xf32>
      %add3A_345 = arith.addf %add3A_343, %mul3A_344 : vector<16xf32>
      tpu.vector_store_idx %arg17[%add3A_187], %add3A_345 : memref<512xf32, #tpu.memory_space<vmem>>[vector<16xi32>], vector<16xf32>,
    }
    %scan3A_92 = arith.constant 8 : i32
    %dma_wait3A_93 = arith.constant 0 : i32
    %dma_wait3A_94 = tpu.memref_slice %arg2[%add3A_73, %dma_wait3A_93] : memref<16384x50xi32, #tpu.memory_space<hbm>> -> memref<128x50xi32, #tpu.memory_space<hbm>>
    %dma_wait3A_95 = arith.constant 0 : i32
    %dma_wait3A_96 = tpu.memref_slice %arg2[%add3A_73, %dma_wait3A_95] : memref<16384x50xi32, #tpu.memory_space<hbm>> -> memref<128x50xi32, #tpu.memory_space<hbm>>
    tpu.wait_dma2 semaphore(%arg20 : memref<!tpu.dma_semaphore, #tpu.memory_space<semaphore_mem>>) src(%dma_wait3A_96 : memref<128x50xi32, #tpu.memory_space<hbm>>) dst(%arg10 : memref<128x50xi32, #tpu.memory_space<vmem>>)
    %dma_wait3A_97 = arith.constant 0 : i32
    %dma_wait3A_98 = tpu.memref_slice %arg3[%add3A_73, %dma_wait3A_97] : memref<16384x50xi32, #tpu.memory_space<hbm>> -> memref<128x50xi32, #tpu.memory_space<hbm>>
    %dma_wait3A_99 = arith.constant 0 : i32
    %dma_wait3A_100 = tpu.memref_slice %arg3[%add3A_73, %dma_wait3A_99] : memref<16384x50xi32, #tpu.memory_space<hbm>> -> memref<128x50xi32, #tpu.memory_space<hbm>>
    tpu.wait_dma2 semaphore(%arg21 : memref<!tpu.dma_semaphore, #tpu.memory_space<semaphore_mem>>) src(%dma_wait3A_100 : memref<128x50xi32, #tpu.memory_space<hbm>>) dst(%arg11 : memref<128x50xi32, #tpu.memory_space<vmem>>)
    %add3A_101 = arith.constant 256 : i32
    %add3A_102 = arith.addi %mul3A_2, %add3A_101 : i32
    %dma_start3A_103 = arith.constant 0 : i32
    %dma_start3A_104 = tpu.memref_slice %arg2[%add3A_102, %dma_start3A_103] : memref<16384x50xi32, #tpu.memory_space<hbm>> -> memref<128x50xi32, #tpu.memory_space<hbm>>
    %dma_start3A_105 = arith.constant 0 : i32
    %dma_start3A_106 = tpu.memref_slice %arg2[%add3A_102, %dma_start3A_105] : memref<16384x50xi32, #tpu.memory_space<hbm>> -> memref<128x50xi32, #tpu.memory_space<hbm>>
    tpu.enqueue_dma source(%dma_start3A_106 : memref<128x50xi32, #tpu.memory_space<hbm>>) target(%arg8 : memref<128x50xi32, #tpu.memory_space<vmem>>) target_semaphore(%arg18 : memref<!tpu.dma_semaphore, #tpu.memory_space<semaphore_mem>>)
    %dma_start3A_107 = arith.constant 0 : i32
    %dma_start3A_108 = tpu.memref_slice %arg3[%add3A_102, %dma_start3A_107] : memref<16384x50xi32, #tpu.memory_space<hbm>> -> memref<128x50xi32, #tpu.memory_space<hbm>>
    %dma_start3A_109 = arith.constant 0 : i32
    %dma_start3A_110 = tpu.memref_slice %arg3[%add3A_102, %dma_start3A_109] : memref<16384x50xi32, #tpu.memory_space<hbm>> -> memref<128x50xi32, #tpu.memory_space<hbm>>
    tpu.enqueue_dma source(%dma_start3A_110 : memref<128x50xi32, #tpu.memory_space<hbm>>) target(%arg9 : memref<128x50xi32, #tpu.memory_space<vmem>>) target_semaphore(%arg19 : memref<!tpu.dma_semaphore, #tpu.memory_space<semaphore_mem>>)
    %scan3A_111 = arith.constant 0 : i32
    %scan3A_112 = arith.constant 0 : i32
    %scan3A_113 = arith.constant 128 : i32
    %scan3A_114 = arith.addi %scan3A_112, %scan3A_113 : i32
    %scan3A_115 = arith.constant 1 : i32
    scf.for %scan3A_173 = %scan3A_112 to %scan3A_114 step %scan3A_115  : i32 {
      %shift_right_arithmetic3A = arith.constant 4 : i32
      %shift_right_arithmetic3A_174 = arith.shrsi %scan3A_173, %shift_right_arithmetic3A : i32
      %and3A = arith.constant 15 : i32
      %and3A_175 = arith.andi %scan3A_173, %and3A : i32
      %mul3A_176 = arith.constant 50 : i32
      %mul3A_177 = arith.muli %shift_right_arithmetic3A_174, %mul3A_176 : i32
      %add3A_178 = arith.constant 0 : i32
      %add3A_179 = arith.addi %mul3A_177, %add3A_178 : i32
      %mul3A_180 = arith.constant 17 : i32
      %mul3A_181 = arith.muli %add3A_179, %mul3A_180 : i32
      %add3A_182 = arith.addi %mul3A_181, %and3A_175 : i32
      %add3A_183 = vector.broadcast %add3A_182 : i32 to vector<16xi32>
      %add3A_184 = arith.addi %add3A_183, %mul3A_64 : vector<16xi32>
      %get3A_185 = arith.constant 0 : i32
      %get3A_186 = tpu.memref_slice %arg10[%scan3A_173, %get3A_185] : memref<128x50xi32, #tpu.memory_space<vmem>> -> memref<1x50xi32, #tpu.memory_space<vmem>>
      %get3A_187 = tpu.memref_squeeze %get3A_186 : memref<1x50xi32, #tpu.memory_space<vmem>> -> memref<50xi32, #tpu.memory_space<vmem>>
      %get3A_188 = arith.constant 0 : index
      %get3A_189 = tpu.vector_load %get3A_187[%get3A_188] {strides = array<i32>} : memref<50xi32, #tpu.memory_space<vmem>>, vector<16xi32>,
      %mul3A_190 = arith.constant 5 : i32
      %mul3A_191 = vector.broadcast %mul3A_190 : i32 to vector<16xi32>
      %mul3A_192 = arith.muli %get3A_189, %mul3A_191 : vector<16xi32>
      %get3A_193 = arith.constant 0 : i32
      %get3A_194 = tpu.memref_slice %arg11[%scan3A_173, %get3A_193] : memref<128x50xi32, #tpu.memory_space<vmem>> -> memref<1x50xi32, #tpu.memory_space<vmem>>
      %get3A_195 = tpu.memref_squeeze %get3A_194 : memref<1x50xi32, #tpu.memory_space<vmem>> -> memref<50xi32, #tpu.memory_space<vmem>>
      %get3A_196 = arith.constant 0 : index
      %get3A_197 = tpu.vector_load %get3A_195[%get3A_196] {strides = array<i32>} : memref<50xi32, #tpu.memory_space<vmem>>, vector<16xi32>,
      %mul3A_198 = arith.constant 5 : i32
      %mul3A_199 = vector.broadcast %mul3A_198 : i32 to vector<16xi32>
      %mul3A_200 = arith.muli %get3A_197, %mul3A_199 : vector<16xi32>
      tpu.vector_store_idx %arg12[%add3A_184], %mul3A_192 : memref<6800xi32, #tpu.memory_space<vmem>>[vector<16xi32>], vector<16xi32>,
      tpu.vector_store_idx %arg13[%add3A_184], %mul3A_200 : memref<6800xi32, #tpu.memory_space<vmem>>[vector<16xi32>], vector<16xi32>,
      %add3A_201 = arith.constant 16 : i32
      %add3A_202 = arith.addi %mul3A_177, %add3A_201 : i32
      %mul3A_203 = arith.constant 17 : i32
      %mul3A_204 = arith.muli %add3A_202, %mul3A_203 : i32
      %add3A_205 = arith.addi %mul3A_204, %and3A_175 : i32
      %add3A_206 = vector.broadcast %add3A_205 : i32 to vector<16xi32>
      %add3A_207 = arith.addi %add3A_206, %mul3A_64 : vector<16xi32>
      %get3A_208 = arith.constant 0 : i32
      %get3A_209 = tpu.memref_slice %arg10[%scan3A_173, %get3A_208] : memref<128x50xi32, #tpu.memory_space<vmem>> -> memref<1x50xi32, #tpu.memory_space<vmem>>
      %get3A_210 = tpu.memref_squeeze %get3A_209 : memref<1x50xi32, #tpu.memory_space<vmem>> -> memref<50xi32, #tpu.memory_space<vmem>>
      %get3A_211 = arith.constant 16 : index
      %get3A_212 = tpu.vector_load %get3A_210[%get3A_211] {strides = array<i32>} : memref<50xi32, #tpu.memory_space<vmem>>, vector<16xi32>,
      %mul3A_213 = arith.constant 5 : i32
      %mul3A_214 = vector.broadcast %mul3A_213 : i32 to vector<16xi32>
      %mul3A_215 = arith.muli %get3A_212, %mul3A_214 : vector<16xi32>
      %get3A_216 = arith.constant 0 : i32
      %get3A_217 = tpu.memref_slice %arg11[%scan3A_173, %get3A_216] : memref<128x50xi32, #tpu.memory_space<vmem>> -> memref<1x50xi32, #tpu.memory_space<vmem>>
      %get3A_218 = tpu.memref_squeeze %get3A_217 : memref<1x50xi32, #tpu.memory_space<vmem>> -> memref<50xi32, #tpu.memory_space<vmem>>
      %get3A_219 = arith.constant 16 : index
      %get3A_220 = tpu.vector_load %get3A_218[%get3A_219] {strides = array<i32>} : memref<50xi32, #tpu.memory_space<vmem>>, vector<16xi32>,
      %mul3A_221 = arith.constant 5 : i32
      %mul3A_222 = vector.broadcast %mul3A_221 : i32 to vector<16xi32>
      %mul3A_223 = arith.muli %get3A_220, %mul3A_222 : vector<16xi32>
      tpu.vector_store_idx %arg12[%add3A_207], %mul3A_215 : memref<6800xi32, #tpu.memory_space<vmem>>[vector<16xi32>], vector<16xi32>,
      tpu.vector_store_idx %arg13[%add3A_207], %mul3A_223 : memref<6800xi32, #tpu.memory_space<vmem>>[vector<16xi32>], vector<16xi32>,
      %add3A_224 = arith.constant 32 : i32
      %add3A_225 = arith.addi %mul3A_177, %add3A_224 : i32
      %mul3A_226 = arith.constant 17 : i32
      %mul3A_227 = arith.muli %add3A_225, %mul3A_226 : i32
      %add3A_228 = arith.addi %mul3A_227, %and3A_175 : i32
      %add3A_229 = vector.broadcast %add3A_228 : i32 to vector<16xi32>
      %add3A_230 = arith.addi %add3A_229, %mul3A_64 : vector<16xi32>
      %get3A_231 = arith.constant 0 : i32
      %get3A_232 = tpu.memref_slice %arg10[%scan3A_173, %get3A_231] : memref<128x50xi32, #tpu.memory_space<vmem>> -> memref<1x50xi32, #tpu.memory_space<vmem>>
      %get3A_233 = tpu.memref_squeeze %get3A_232 : memref<1x50xi32, #tpu.memory_space<vmem>> -> memref<50xi32, #tpu.memory_space<vmem>>
      %get3A_234 = arith.constant 32 : index
      %get3A_235 = tpu.vector_load %get3A_233[%get3A_234] {strides = array<i32>} : memref<50xi32, #tpu.memory_space<vmem>>, vector<16xi32>,
      %mul3A_236 = arith.constant 5 : i32
      %mul3A_237 = vector.broadcast %mul3A_236 : i32 to vector<16xi32>
      %mul3A_238 = arith.muli %get3A_235, %mul3A_237 : vector<16xi32>
      %get3A_239 = arith.constant 0 : i32
      %get3A_240 = tpu.memref_slice %arg11[%scan3A_173, %get3A_239] : memref<128x50xi32, #tpu.memory_space<vmem>> -> memref<1x50xi32, #tpu.memory_space<vmem>>
      %get3A_241 = tpu.memref_squeeze %get3A_240 : memref<1x50xi32, #tpu.memory_space<vmem>> -> memref<50xi32, #tpu.memory_space<vmem>>
      %get3A_242 = arith.constant 32 : index
      %get3A_243 = tpu.vector_load %get3A_241[%get3A_242] {strides = array<i32>} : memref<50xi32, #tpu.memory_space<vmem>>, vector<16xi32>,
      %mul3A_244 = arith.constant 5 : i32
      %mul3A_245 = vector.broadcast %mul3A_244 : i32 to vector<16xi32>
      %mul3A_246 = arith.muli %get3A_243, %mul3A_245 : vector<16xi32>
      tpu.vector_store_idx %arg12[%add3A_230], %mul3A_238 : memref<6800xi32, #tpu.memory_space<vmem>>[vector<16xi32>], vector<16xi32>,
      tpu.vector_store_idx %arg13[%add3A_230], %mul3A_246 : memref<6800xi32, #tpu.memory_space<vmem>>[vector<16xi32>], vector<16xi32>,
      %add3A_247 = arith.constant 34 : i32
      %add3A_248 = arith.addi %mul3A_177, %add3A_247 : i32
      %mul3A_249 = arith.constant 17 : i32
      %mul3A_250 = arith.muli %add3A_248, %mul3A_249 : i32
      %add3A_251 = arith.addi %mul3A_250, %and3A_175 : i32
      %add3A_252 = vector.broadcast %add3A_251 : i32 to vector<16xi32>
      %add3A_253 = arith.addi %add3A_252, %mul3A_64 : vector<16xi32>
      %get3A_254 = arith.constant 0 : i32
      %get3A_255 = tpu.memref_slice %arg10[%scan3A_173, %get3A_254] : memref<128x50xi32, #tpu.memory_space<vmem>> -> memref<1x50xi32, #tpu.memory_space<vmem>>
      %get3A_256 = tpu.memref_squeeze %get3A_255 : memref<1x50xi32, #tpu.memory_space<vmem>> -> memref<50xi32, #tpu.memory_space<vmem>>
      %get3A_257 = arith.constant 34 : index
      %get3A_258 = tpu.vector_load %get3A_256[%get3A_257] {strides = array<i32>} : memref<50xi32, #tpu.memory_space<vmem>>, vector<16xi32>,
      %mul3A_259 = arith.constant 5 : i32
      %mul3A_260 = vector.broadcast %mul3A_259 : i32 to vector<16xi32>
      %mul3A_261 = arith.muli %get3A_258, %mul3A_260 : vector<16xi32>
      %get3A_262 = arith.constant 0 : i32
      %get3A_263 = tpu.memref_slice %arg11[%scan3A_173, %get3A_262] : memref<128x50xi32, #tpu.memory_space<vmem>> -> memref<1x50xi32, #tpu.memory_space<vmem>>
      %get3A_264 = tpu.memref_squeeze %get3A_263 : memref<1x50xi32, #tpu.memory_space<vmem>> -> memref<50xi32, #tpu.memory_space<vmem>>
      %get3A_265 = arith.constant 34 : index
      %get3A_266 = tpu.vector_load %get3A_264[%get3A_265] {strides = array<i32>} : memref<50xi32, #tpu.memory_space<vmem>>, vector<16xi32>,
      %mul3A_267 = arith.constant 5 : i32
      %mul3A_268 = vector.broadcast %mul3A_267 : i32 to vector<16xi32>
      %mul3A_269 = arith.muli %get3A_266, %mul3A_268 : vector<16xi32>
      tpu.vector_store_idx %arg12[%add3A_253], %mul3A_261 : memref<6800xi32, #tpu.memory_space<vmem>>[vector<16xi32>], vector<16xi32>,
      tpu.vector_store_idx %arg13[%add3A_253], %mul3A_269 : memref<6800xi32, #tpu.memory_space<vmem>>[vector<16xi32>], vector<16xi32>,
    }
    %scan3A_116 = arith.constant 128 : i32
    %scan3A_117 = arith.constant 0 : i32
    %scan3A_118 = arith.constant 0 : i32
    %scan3A_119 = arith.constant 8 : i32
    %scan3A_120 = arith.addi %scan3A_118, %scan3A_119 : i32
    %scan3A_121 = arith.constant 1 : i32
    scf.for %scan3A_173 = %scan3A_118 to %scan3A_120 step %scan3A_121  : i32 {
      %mul3A_174 = arith.constant 50 : i32
      %mul3A_175 = arith.muli %scan3A_173, %mul3A_174 : i32
      %scan3A_176 = arith.constant 0 : i32
      %scan3A_177 = arith.constant 50 : i32
      %scan3A_178 = arith.addi %scan3A_176, %scan3A_177 : i32
      %scan3A_179 = arith.constant 1 : i32
      %scan3A_180:16 = scf.for %scan3A_346 = %scan3A_176 to %scan3A_178 step %scan3A_179 iter_args(%scan3A_347 = %broadcast_in_dim3A_61, %scan3A_348 = %broadcast_in_dim3A_61, %scan3A_349 = %broadcast_in_dim3A_61, %scan3A_350 = %broadcast_in_dim3A_61, %scan3A_351 = %broadcast_in_dim3A_61, %scan3A_352 = %broadcast_in_dim3A_61, %scan3A_353 = %broadcast_in_dim3A_61, %scan3A_354 = %broadcast_in_dim3A_61, %scan3A_355 = %broadcast_in_dim3A_61, %scan3A_356 = %broadcast_in_dim3A_61, %scan3A_357 = %broadcast_in_dim3A_61, %scan3A_358 = %broadcast_in_dim3A_61, %scan3A_359 = %broadcast_in_dim3A_61, %scan3A_360 = %broadcast_in_dim3A_61, %scan3A_361 = %broadcast_in_dim3A_61, %scan3A_362 = %broadcast_in_dim3A_61) -> (vector<16xf32>, vector<16xf32>, vector<16xf32>, vector<16xf32>, vector<16xf32>, vector<16xf32>, vector<16xf32>, vector<16xf32>, vector<16xf32>, vector<16xf32>, vector<16xf32>, vector<16xf32>, vector<16xf32>, vector<16xf32>, vector<16xf32>, vector<16xf32>)  : i32 {
        %add3A_363 = arith.addi %mul3A_175, %scan3A_346 : i32
        %mul3A_364 = arith.constant 17 : i32
        %mul3A_365 = arith.muli %add3A_363, %mul3A_364 : i32
        %get3A_366 = arith.index_cast %mul3A_365 : i32 to index
        %get3A_367 = tpu.vector_load %arg12[%get3A_366] {strides = array<i32>} : memref<6800xi32, #tpu.memory_space<vmem>>, vector<16xi32>,
        %get3A_368 = arith.index_cast %mul3A_365 : i32 to index
        %get3A_369 = tpu.vector_load %arg13[%get3A_368] {strides = array<i32>} : memref<6800xi32, #tpu.memory_space<vmem>>, vector<16xi32>,
        %add3A_370 = arith.constant 0 : i32
        %add3A_371 = vector.broadcast %add3A_370 : i32 to vector<16xi32>
        %add3A_372 = arith.addi %get3A_367, %add3A_371 : vector<16xi32>
        %gather3A_373 = tpu.vector_load_idx %arg15[%add3A_372] : memref<11720xi32, #tpu.memory_space<vmem>>[vector<16xi32>], vector<16xi32>,
        %bitcast3A = vector.bitcast %gather3A_373 : vector<16xi32> to vector<32xbf16>
        %unpack3A = tpu.unpack_subelements %bitcast3A, 0 {pack_format = #tpu.pack_format<interleaved>} : vector<32xbf16> -> vector<16xf32>
        %unpack3A_374 = tpu.unpack_subelements %bitcast3A, 1 {pack_format = #tpu.pack_format<interleaved>} : vector<32xbf16> -> vector<16xf32>
        %add3A_375 = arith.constant 0 : i32
        %add3A_376 = vector.broadcast %add3A_375 : i32 to vector<16xi32>
        %add3A_377 = arith.addi %get3A_369, %add3A_376 : vector<16xi32>
        %gather3A_378 = tpu.vector_load_idx %arg15[%add3A_377] : memref<11720xi32, #tpu.memory_space<vmem>>[vector<16xi32>], vector<16xi32>,
        %bitcast3A_379 = vector.bitcast %gather3A_378 : vector<16xi32> to vector<32xbf16>
        %unpack3A_380 = tpu.unpack_subelements %bitcast3A_379, 0 {pack_format = #tpu.pack_format<interleaved>} : vector<32xbf16> -> vector<16xf32>
        %unpack3A_381 = tpu.unpack_subelements %bitcast3A_379, 1 {pack_format = #tpu.pack_format<interleaved>} : vector<32xbf16> -> vector<16xf32>
        %add3A_382 = arith.addf %scan3A_347, %unpack3A : vector<16xf32>
        %add3A_383 = arith.addf %scan3A_348, %unpack3A_374 : vector<16xf32>
        %add3A_384 = arith.addf %scan3A_355, %unpack3A_380 : vector<16xf32>
        %add3A_385 = arith.addf %scan3A_356, %unpack3A_381 : vector<16xf32>
        %add3A_386 = arith.constant 1 : i32
        %add3A_387 = vector.broadcast %add3A_386 : i32 to vector<16xi32>
        %add3A_388 = arith.addi %get3A_367, %add3A_387 : vector<16xi32>
        %gather3A_389 = tpu.vector_load_idx %arg15[%add3A_388] : memref<11720xi32, #tpu.memory_space<vmem>>[vector<16xi32>], vector<16xi32>,
        %bitcast3A_390 = vector.bitcast %gather3A_389 : vector<16xi32> to vector<32xbf16>
        %unpack3A_391 = tpu.unpack_subelements %bitcast3A_390, 0 {pack_format = #tpu.pack_format<interleaved>} : vector<32xbf16> -> vector<16xf32>
        %unpack3A_392 = tpu.unpack_subelements %bitcast3A_390, 1 {pack_format = #tpu.pack_format<interleaved>} : vector<32xbf16> -> vector<16xf32>
        %add3A_393 = arith.constant 1 : i32
        %add3A_394 = vector.broadcast %add3A_393 : i32 to vector<16xi32>
        %add3A_395 = arith.addi %get3A_369, %add3A_394 : vector<16xi32>
        %gather3A_396 = tpu.vector_load_idx %arg15[%add3A_395] : memref<11720xi32, #tpu.memory_space<vmem>>[vector<16xi32>], vector<16xi32>,
        %bitcast3A_397 = vector.bitcast %gather3A_396 : vector<16xi32> to vector<32xbf16>
        %unpack3A_398 = tpu.unpack_subelements %bitcast3A_397, 0 {pack_format = #tpu.pack_format<interleaved>} : vector<32xbf16> -> vector<16xf32>
        %unpack3A_399 = tpu.unpack_subelements %bitcast3A_397, 1 {pack_format = #tpu.pack_format<interleaved>} : vector<32xbf16> -> vector<16xf32>
        %add3A_400 = arith.addf %scan3A_349, %unpack3A_391 : vector<16xf32>
        %add3A_401 = arith.addf %scan3A_350, %unpack3A_392 : vector<16xf32>
        %add3A_402 = arith.addf %scan3A_357, %unpack3A_398 : vector<16xf32>
        %add3A_403 = arith.addf %scan3A_358, %unpack3A_399 : vector<16xf32>
        %add3A_404 = arith.constant 2 : i32
        %add3A_405 = vector.broadcast %add3A_404 : i32 to vector<16xi32>
        %add3A_406 = arith.addi %get3A_367, %add3A_405 : vector<16xi32>
        %gather3A_407 = tpu.vector_load_idx %arg15[%add3A_406] : memref<11720xi32, #tpu.memory_space<vmem>>[vector<16xi32>], vector<16xi32>,
        %bitcast3A_408 = vector.bitcast %gather3A_407 : vector<16xi32> to vector<32xbf16>
        %unpack3A_409 = tpu.unpack_subelements %bitcast3A_408, 0 {pack_format = #tpu.pack_format<interleaved>} : vector<32xbf16> -> vector<16xf32>
        %unpack3A_410 = tpu.unpack_subelements %bitcast3A_408, 1 {pack_format = #tpu.pack_format<interleaved>} : vector<32xbf16> -> vector<16xf32>
        %add3A_411 = arith.constant 2 : i32
        %add3A_412 = vector.broadcast %add3A_411 : i32 to vector<16xi32>
        %add3A_413 = arith.addi %get3A_369, %add3A_412 : vector<16xi32>
        %gather3A_414 = tpu.vector_load_idx %arg15[%add3A_413] : memref<11720xi32, #tpu.memory_space<vmem>>[vector<16xi32>], vector<16xi32>,
        %bitcast3A_415 = vector.bitcast %gather3A_414 : vector<16xi32> to vector<32xbf16>
        %unpack3A_416 = tpu.unpack_subelements %bitcast3A_415, 0 {pack_format = #tpu.pack_format<interleaved>} : vector<32xbf16> -> vector<16xf32>
        %unpack3A_417 = tpu.unpack_subelements %bitcast3A_415, 1 {pack_format = #tpu.pack_format<interleaved>} : vector<32xbf16> -> vector<16xf32>
        %add3A_418 = arith.addf %scan3A_351, %unpack3A_409 : vector<16xf32>
        %add3A_419 = arith.addf %scan3A_352, %unpack3A_410 : vector<16xf32>
        %add3A_420 = arith.addf %scan3A_359, %unpack3A_416 : vector<16xf32>
        %add3A_421 = arith.addf %scan3A_360, %unpack3A_417 : vector<16xf32>
        %add3A_422 = arith.constant 3 : i32
        %add3A_423 = vector.broadcast %add3A_422 : i32 to vector<16xi32>
        %add3A_424 = arith.addi %get3A_367, %add3A_423 : vector<16xi32>
        %gather3A_425 = tpu.vector_load_idx %arg15[%add3A_424] : memref<11720xi32, #tpu.memory_space<vmem>>[vector<16xi32>], vector<16xi32>,
        %bitcast3A_426 = vector.bitcast %gather3A_425 : vector<16xi32> to vector<32xbf16>
        %unpack3A_427 = tpu.unpack_subelements %bitcast3A_426, 0 {pack_format = #tpu.pack_format<interleaved>} : vector<32xbf16> -> vector<16xf32>
        %unpack3A_428 = tpu.unpack_subelements %bitcast3A_426, 1 {pack_format = #tpu.pack_format<interleaved>} : vector<32xbf16> -> vector<16xf32>
        %add3A_429 = arith.constant 3 : i32
        %add3A_430 = vector.broadcast %add3A_429 : i32 to vector<16xi32>
        %add3A_431 = arith.addi %get3A_369, %add3A_430 : vector<16xi32>
        %gather3A_432 = tpu.vector_load_idx %arg15[%add3A_431] : memref<11720xi32, #tpu.memory_space<vmem>>[vector<16xi32>], vector<16xi32>,
        %bitcast3A_433 = vector.bitcast %gather3A_432 : vector<16xi32> to vector<32xbf16>
        %unpack3A_434 = tpu.unpack_subelements %bitcast3A_433, 0 {pack_format = #tpu.pack_format<interleaved>} : vector<32xbf16> -> vector<16xf32>
        %unpack3A_435 = tpu.unpack_subelements %bitcast3A_433, 1 {pack_format = #tpu.pack_format<interleaved>} : vector<32xbf16> -> vector<16xf32>
        %add3A_436 = arith.addf %scan3A_353, %unpack3A_427 : vector<16xf32>
        %add3A_437 = arith.addf %scan3A_354, %unpack3A_428 : vector<16xf32>
        %add3A_438 = arith.addf %scan3A_361, %unpack3A_434 : vector<16xf32>
        %add3A_439 = arith.addf %scan3A_362, %unpack3A_435 : vector<16xf32>
        scf.yield %add3A_382, %add3A_383, %add3A_400, %add3A_401, %add3A_418, %add3A_419, %add3A_436, %add3A_437, %add3A_384, %add3A_385, %add3A_402, %add3A_403, %add3A_420, %add3A_421, %add3A_438, %add3A_439 : vector<16xf32>, vector<16xf32>, vector<16xf32>, vector<16xf32>, vector<16xf32>, vector<16xf32>, vector<16xf32>, vector<16xf32>, vector<16xf32>, vector<16xf32>, vector<16xf32>, vector<16xf32>, vector<16xf32>, vector<16xf32>, vector<16xf32>, vector<16xf32>
      }
      %scan3A_181 = arith.constant 50 : i32
      %mul3A_182 = arith.constant 16 : i32
      %mul3A_183 = arith.muli %scan3A_173, %mul3A_182 : i32
      %add3A_184 = arith.constant 128 : i32
      %add3A_185 = arith.addi %add3A_184, %mul3A_183 : i32
      %add3A_186 = vector.broadcast %add3A_185 : i32 to vector<16xi32>
      %add3A_187 = arith.addi %add3A_186, %iota3A : vector<16xi32>
      %gather3A = tpu.vector_load_idx %arg14[%add3A_187] : memref<512xi32, #tpu.memory_space<vmem>>[vector<16xi32>], vector<16xi32>,
      %eq3A = arith.constant 0 : i32
      %eq3A_188 = vector.broadcast %eq3A : i32 to vector<16xi32>
      %eq3A_189 = arith.cmpi eq, %gather3A, %eq3A_188 : vector<16xi32>
      %select_n3A = arith.select %eq3A_189, %get3A_28, %get3A_44 : vector<16xi1>, vector<16xf32>
      %select_n3A_190 = arith.select %eq3A_189, %get3A_44, %get3A_28 : vector<16xi1>, vector<16xf32>
      %add3A_191 = arith.addf %scan3A_180#0, %get3A_12 : vector<16xf32>
      %jit3A = arith.constant 0.000000e+00 : f32
      %jit3A_192 = arith.constant 1.000000e+00 : f32
      %max3A = vector.broadcast %jit3A : f32 to vector<16xf32>
      %max3A_193 = arith.maximumf %max3A, %add3A_191 : vector<16xf32>
      %min3A = vector.broadcast %jit3A_192 : f32 to vector<16xf32>
      %min3A_194 = arith.minimumf %min3A, %max3A_193 : vector<16xf32>
      %add3A_195 = arith.addf %scan3A_180#8, %get3A_12 : vector<16xf32>
      %jit3A_196 = arith.constant 0.000000e+00 : f32
      %jit3A_197 = arith.constant 1.000000e+00 : f32
      %max3A_198 = vector.broadcast %jit3A_196 : f32 to vector<16xf32>
      %max3A_199 = arith.maximumf %max3A_198, %add3A_195 : vector<16xf32>
      %min3A_200 = vector.broadcast %jit3A_197 : f32 to vector<16xf32>
      %min3A_201 = arith.minimumf %min3A_200, %max3A_199 : vector<16xf32>
      %mul3A_202 = arith.mulf %select_n3A, %min3A_194 : vector<16xf32>
      %add3A_203 = arith.addf %get3A_60, %mul3A_202 : vector<16xf32>
      %mul3A_204 = arith.mulf %select_n3A_190, %min3A_201 : vector<16xf32>
      %add3A_205 = arith.addf %add3A_203, %mul3A_204 : vector<16xf32>
      %select_n3A_206 = arith.select %eq3A_189, %get3A_30, %get3A_46 : vector<16xi1>, vector<16xf32>
      %select_n3A_207 = arith.select %eq3A_189, %get3A_46, %get3A_30 : vector<16xi1>, vector<16xf32>
      %add3A_208 = arith.addf %scan3A_180#1, %get3A_14 : vector<16xf32>
      %jit3A_209 = arith.constant 0.000000e+00 : f32
      %jit3A_210 = arith.constant 1.000000e+00 : f32
      %max3A_211 = vector.broadcast %jit3A_209 : f32 to vector<16xf32>
      %max3A_212 = arith.maximumf %max3A_211, %add3A_208 : vector<16xf32>
      %min3A_213 = vector.broadcast %jit3A_210 : f32 to vector<16xf32>
      %min3A_214 = arith.minimumf %min3A_213, %max3A_212 : vector<16xf32>
      %add3A_215 = arith.addf %scan3A_180#9, %get3A_14 : vector<16xf32>
      %jit3A_216 = arith.constant 0.000000e+00 : f32
      %jit3A_217 = arith.constant 1.000000e+00 : f32
      %max3A_218 = vector.broadcast %jit3A_216 : f32 to vector<16xf32>
      %max3A_219 = arith.maximumf %max3A_218, %add3A_215 : vector<16xf32>
      %min3A_220 = vector.broadcast %jit3A_217 : f32 to vector<16xf32>
      %min3A_221 = arith.minimumf %min3A_220, %max3A_219 : vector<16xf32>
      %mul3A_222 = arith.mulf %select_n3A_206, %min3A_214 : vector<16xf32>
      %add3A_223 = arith.addf %add3A_205, %mul3A_222 : vector<16xf32>
      %mul3A_224 = arith.mulf %select_n3A_207, %min3A_221 : vector<16xf32>
      %add3A_225 = arith.addf %add3A_223, %mul3A_224 : vector<16xf32>
      %select_n3A_226 = arith.select %eq3A_189, %get3A_32, %get3A_48 : vector<16xi1>, vector<16xf32>
      %select_n3A_227 = arith.select %eq3A_189, %get3A_48, %get3A_32 : vector<16xi1>, vector<16xf32>
      %add3A_228 = arith.addf %scan3A_180#2, %get3A_16 : vector<16xf32>
      %jit3A_229 = arith.constant 0.000000e+00 : f32
      %jit3A_230 = arith.constant 1.000000e+00 : f32
      %max3A_231 = vector.broadcast %jit3A_229 : f32 to vector<16xf32>
      %max3A_232 = arith.maximumf %max3A_231, %add3A_228 : vector<16xf32>
      %min3A_233 = vector.broadcast %jit3A_230 : f32 to vector<16xf32>
      %min3A_234 = arith.minimumf %min3A_233, %max3A_232 : vector<16xf32>
      %add3A_235 = arith.addf %scan3A_180#10, %get3A_16 : vector<16xf32>
      %jit3A_236 = arith.constant 0.000000e+00 : f32
      %jit3A_237 = arith.constant 1.000000e+00 : f32
      %max3A_238 = vector.broadcast %jit3A_236 : f32 to vector<16xf32>
      %max3A_239 = arith.maximumf %max3A_238, %add3A_235 : vector<16xf32>
      %min3A_240 = vector.broadcast %jit3A_237 : f32 to vector<16xf32>
      %min3A_241 = arith.minimumf %min3A_240, %max3A_239 : vector<16xf32>
      %mul3A_242 = arith.mulf %select_n3A_226, %min3A_234 : vector<16xf32>
      %add3A_243 = arith.addf %add3A_225, %mul3A_242 : vector<16xf32>
      %mul3A_244 = arith.mulf %select_n3A_227, %min3A_241 : vector<16xf32>
      %add3A_245 = arith.addf %add3A_243, %mul3A_244 : vector<16xf32>
      %select_n3A_246 = arith.select %eq3A_189, %get3A_34, %get3A_50 : vector<16xi1>, vector<16xf32>
      %select_n3A_247 = arith.select %eq3A_189, %get3A_50, %get3A_34 : vector<16xi1>, vector<16xf32>
      %add3A_248 = arith.addf %scan3A_180#3, %get3A_18 : vector<16xf32>
      %jit3A_249 = arith.constant 0.000000e+00 : f32
      %jit3A_250 = arith.constant 1.000000e+00 : f32
      %max3A_251 = vector.broadcast %jit3A_249 : f32 to vector<16xf32>
      %max3A_252 = arith.maximumf %max3A_251, %add3A_248 : vector<16xf32>
      %min3A_253 = vector.broadcast %jit3A_250 : f32 to vector<16xf32>
      %min3A_254 = arith.minimumf %min3A_253, %max3A_252 : vector<16xf32>
      %add3A_255 = arith.addf %scan3A_180#11, %get3A_18 : vector<16xf32>
      %jit3A_256 = arith.constant 0.000000e+00 : f32
      %jit3A_257 = arith.constant 1.000000e+00 : f32
      %max3A_258 = vector.broadcast %jit3A_256 : f32 to vector<16xf32>
      %max3A_259 = arith.maximumf %max3A_258, %add3A_255 : vector<16xf32>
      %min3A_260 = vector.broadcast %jit3A_257 : f32 to vector<16xf32>
      %min3A_261 = arith.minimumf %min3A_260, %max3A_259 : vector<16xf32>
      %mul3A_262 = arith.mulf %select_n3A_246, %min3A_254 : vector<16xf32>
      %add3A_263 = arith.addf %add3A_245, %mul3A_262 : vector<16xf32>
      %mul3A_264 = arith.mulf %select_n3A_247, %min3A_261 : vector<16xf32>
      %add3A_265 = arith.addf %add3A_263, %mul3A_264 : vector<16xf32>
      %select_n3A_266 = arith.select %eq3A_189, %get3A_36, %get3A_52 : vector<16xi1>, vector<16xf32>
      %select_n3A_267 = arith.select %eq3A_189, %get3A_52, %get3A_36 : vector<16xi1>, vector<16xf32>
      %add3A_268 = arith.addf %scan3A_180#4, %get3A_20 : vector<16xf32>
      %jit3A_269 = arith.constant 0.000000e+00 : f32
      %jit3A_270 = arith.constant 1.000000e+00 : f32
      %max3A_271 = vector.broadcast %jit3A_269 : f32 to vector<16xf32>
      %max3A_272 = arith.maximumf %max3A_271, %add3A_268 : vector<16xf32>
      %min3A_273 = vector.broadcast %jit3A_270 : f32 to vector<16xf32>
      %min3A_274 = arith.minimumf %min3A_273, %max3A_272 : vector<16xf32>
      %add3A_275 = arith.addf %scan3A_180#12, %get3A_20 : vector<16xf32>
      %jit3A_276 = arith.constant 0.000000e+00 : f32
      %jit3A_277 = arith.constant 1.000000e+00 : f32
      %max3A_278 = vector.broadcast %jit3A_276 : f32 to vector<16xf32>
      %max3A_279 = arith.maximumf %max3A_278, %add3A_275 : vector<16xf32>
      %min3A_280 = vector.broadcast %jit3A_277 : f32 to vector<16xf32>
      %min3A_281 = arith.minimumf %min3A_280, %max3A_279 : vector<16xf32>
      %mul3A_282 = arith.mulf %select_n3A_266, %min3A_274 : vector<16xf32>
      %add3A_283 = arith.addf %add3A_265, %mul3A_282 : vector<16xf32>
      %mul3A_284 = arith.mulf %select_n3A_267, %min3A_281 : vector<16xf32>
      %add3A_285 = arith.addf %add3A_283, %mul3A_284 : vector<16xf32>
      %select_n3A_286 = arith.select %eq3A_189, %get3A_38, %get3A_54 : vector<16xi1>, vector<16xf32>
      %select_n3A_287 = arith.select %eq3A_189, %get3A_54, %get3A_38 : vector<16xi1>, vector<16xf32>
      %add3A_288 = arith.addf %scan3A_180#5, %get3A_22 : vector<16xf32>
      %jit3A_289 = arith.constant 0.000000e+00 : f32
      %jit3A_290 = arith.constant 1.000000e+00 : f32
      %max3A_291 = vector.broadcast %jit3A_289 : f32 to vector<16xf32>
      %max3A_292 = arith.maximumf %max3A_291, %add3A_288 : vector<16xf32>
      %min3A_293 = vector.broadcast %jit3A_290 : f32 to vector<16xf32>
      %min3A_294 = arith.minimumf %min3A_293, %max3A_292 : vector<16xf32>
      %add3A_295 = arith.addf %scan3A_180#13, %get3A_22 : vector<16xf32>
      %jit3A_296 = arith.constant 0.000000e+00 : f32
      %jit3A_297 = arith.constant 1.000000e+00 : f32
      %max3A_298 = vector.broadcast %jit3A_296 : f32 to vector<16xf32>
      %max3A_299 = arith.maximumf %max3A_298, %add3A_295 : vector<16xf32>
      %min3A_300 = vector.broadcast %jit3A_297 : f32 to vector<16xf32>
      %min3A_301 = arith.minimumf %min3A_300, %max3A_299 : vector<16xf32>
      %mul3A_302 = arith.mulf %select_n3A_286, %min3A_294 : vector<16xf32>
      %add3A_303 = arith.addf %add3A_285, %mul3A_302 : vector<16xf32>
      %mul3A_304 = arith.mulf %select_n3A_287, %min3A_301 : vector<16xf32>
      %add3A_305 = arith.addf %add3A_303, %mul3A_304 : vector<16xf32>
      %select_n3A_306 = arith.select %eq3A_189, %get3A_40, %get3A_56 : vector<16xi1>, vector<16xf32>
      %select_n3A_307 = arith.select %eq3A_189, %get3A_56, %get3A_40 : vector<16xi1>, vector<16xf32>
      %add3A_308 = arith.addf %scan3A_180#6, %get3A_24 : vector<16xf32>
      %jit3A_309 = arith.constant 0.000000e+00 : f32
      %jit3A_310 = arith.constant 1.000000e+00 : f32
      %max3A_311 = vector.broadcast %jit3A_309 : f32 to vector<16xf32>
      %max3A_312 = arith.maximumf %max3A_311, %add3A_308 : vector<16xf32>
      %min3A_313 = vector.broadcast %jit3A_310 : f32 to vector<16xf32>
      %min3A_314 = arith.minimumf %min3A_313, %max3A_312 : vector<16xf32>
      %add3A_315 = arith.addf %scan3A_180#14, %get3A_24 : vector<16xf32>
      %jit3A_316 = arith.constant 0.000000e+00 : f32
      %jit3A_317 = arith.constant 1.000000e+00 : f32
      %max3A_318 = vector.broadcast %jit3A_316 : f32 to vector<16xf32>
      %max3A_319 = arith.maximumf %max3A_318, %add3A_315 : vector<16xf32>
      %min3A_320 = vector.broadcast %jit3A_317 : f32 to vector<16xf32>
      %min3A_321 = arith.minimumf %min3A_320, %max3A_319 : vector<16xf32>
      %mul3A_322 = arith.mulf %select_n3A_306, %min3A_314 : vector<16xf32>
      %add3A_323 = arith.addf %add3A_305, %mul3A_322 : vector<16xf32>
      %mul3A_324 = arith.mulf %select_n3A_307, %min3A_321 : vector<16xf32>
      %add3A_325 = arith.addf %add3A_323, %mul3A_324 : vector<16xf32>
      %select_n3A_326 = arith.select %eq3A_189, %get3A_42, %get3A_58 : vector<16xi1>, vector<16xf32>
      %select_n3A_327 = arith.select %eq3A_189, %get3A_58, %get3A_42 : vector<16xi1>, vector<16xf32>
      %add3A_328 = arith.addf %scan3A_180#7, %get3A_26 : vector<16xf32>
      %jit3A_329 = arith.constant 0.000000e+00 : f32
      %jit3A_330 = arith.constant 1.000000e+00 : f32
      %max3A_331 = vector.broadcast %jit3A_329 : f32 to vector<16xf32>
      %max3A_332 = arith.maximumf %max3A_331, %add3A_328 : vector<16xf32>
      %min3A_333 = vector.broadcast %jit3A_330 : f32 to vector<16xf32>
      %min3A_334 = arith.minimumf %min3A_333, %max3A_332 : vector<16xf32>
      %add3A_335 = arith.addf %scan3A_180#15, %get3A_26 : vector<16xf32>
      %jit3A_336 = arith.constant 0.000000e+00 : f32
      %jit3A_337 = arith.constant 1.000000e+00 : f32
      %max3A_338 = vector.broadcast %jit3A_336 : f32 to vector<16xf32>
      %max3A_339 = arith.maximumf %max3A_338, %add3A_335 : vector<16xf32>
      %min3A_340 = vector.broadcast %jit3A_337 : f32 to vector<16xf32>
      %min3A_341 = arith.minimumf %min3A_340, %max3A_339 : vector<16xf32>
      %mul3A_342 = arith.mulf %select_n3A_326, %min3A_334 : vector<16xf32>
      %add3A_343 = arith.addf %add3A_325, %mul3A_342 : vector<16xf32>
      %mul3A_344 = arith.mulf %select_n3A_327, %min3A_341 : vector<16xf32>
      %add3A_345 = arith.addf %add3A_343, %mul3A_344 : vector<16xf32>
      tpu.vector_store_idx %arg17[%add3A_187], %add3A_345 : memref<512xf32, #tpu.memory_space<vmem>>[vector<16xi32>], vector<16xf32>,
    }
    %scan3A_122 = arith.constant 8 : i32
    %dma_wait3A_123 = arith.constant 0 : i32
    %dma_wait3A_124 = tpu.memref_slice %arg2[%add3A_102, %dma_wait3A_123] : memref<16384x50xi32, #tpu.memory_space<hbm>> -> memref<128x50xi32, #tpu.memory_space<hbm>>
    %dma_wait3A_125 = arith.constant 0 : i32
    %dma_wait3A_126 = tpu.memref_slice %arg2[%add3A_102, %dma_wait3A_125] : memref<16384x50xi32, #tpu.memory_space<hbm>> -> memref<128x50xi32, #tpu.memory_space<hbm>>
    tpu.wait_dma2 semaphore(%arg18 : memref<!tpu.dma_semaphore, #tpu.memory_space<semaphore_mem>>) src(%dma_wait3A_126 : memref<128x50xi32, #tpu.memory_space<hbm>>) dst(%arg8 : memref<128x50xi32, #tpu.memory_space<vmem>>)
    %dma_wait3A_127 = arith.constant 0 : i32
    %dma_wait3A_128 = tpu.memref_slice %arg3[%add3A_102, %dma_wait3A_127] : memref<16384x50xi32, #tpu.memory_space<hbm>> -> memref<128x50xi32, #tpu.memory_space<hbm>>
    %dma_wait3A_129 = arith.constant 0 : i32
    %dma_wait3A_130 = tpu.memref_slice %arg3[%add3A_102, %dma_wait3A_129] : memref<16384x50xi32, #tpu.memory_space<hbm>> -> memref<128x50xi32, #tpu.memory_space<hbm>>
    tpu.wait_dma2 semaphore(%arg19 : memref<!tpu.dma_semaphore, #tpu.memory_space<semaphore_mem>>) src(%dma_wait3A_130 : memref<128x50xi32, #tpu.memory_space<hbm>>) dst(%arg9 : memref<128x50xi32, #tpu.memory_space<vmem>>)
    %add3A_131 = arith.constant 384 : i32
    %add3A_132 = arith.addi %mul3A_2, %add3A_131 : i32
    %dma_start3A_133 = arith.constant 0 : i32
    %dma_start3A_134 = tpu.memref_slice %arg2[%add3A_132, %dma_start3A_133] : memref<16384x50xi32, #tpu.memory_space<hbm>> -> memref<128x50xi32, #tpu.memory_space<hbm>>
    %dma_start3A_135 = arith.constant 0 : i32
    %dma_start3A_136 = tpu.memref_slice %arg2[%add3A_132, %dma_start3A_135] : memref<16384x50xi32, #tpu.memory_space<hbm>> -> memref<128x50xi32, #tpu.memory_space<hbm>>
    tpu.enqueue_dma source(%dma_start3A_136 : memref<128x50xi32, #tpu.memory_space<hbm>>) target(%arg10 : memref<128x50xi32, #tpu.memory_space<vmem>>) target_semaphore(%arg20 : memref<!tpu.dma_semaphore, #tpu.memory_space<semaphore_mem>>)
    %dma_start3A_137 = arith.constant 0 : i32
    %dma_start3A_138 = tpu.memref_slice %arg3[%add3A_132, %dma_start3A_137] : memref<16384x50xi32, #tpu.memory_space<hbm>> -> memref<128x50xi32, #tpu.memory_space<hbm>>
    %dma_start3A_139 = arith.constant 0 : i32
    %dma_start3A_140 = tpu.memref_slice %arg3[%add3A_132, %dma_start3A_139] : memref<16384x50xi32, #tpu.memory_space<hbm>> -> memref<128x50xi32, #tpu.memory_space<hbm>>
    tpu.enqueue_dma source(%dma_start3A_140 : memref<128x50xi32, #tpu.memory_space<hbm>>) target(%arg11 : memref<128x50xi32, #tpu.memory_space<vmem>>) target_semaphore(%arg21 : memref<!tpu.dma_semaphore, #tpu.memory_space<semaphore_mem>>)
    %scan3A_141 = arith.constant 0 : i32
    %scan3A_142 = arith.constant 0 : i32
    %scan3A_143 = arith.constant 128 : i32
    %scan3A_144 = arith.addi %scan3A_142, %scan3A_143 : i32
    %scan3A_145 = arith.constant 1 : i32
    scf.for %scan3A_173 = %scan3A_142 to %scan3A_144 step %scan3A_145  : i32 {
      %shift_right_arithmetic3A = arith.constant 4 : i32
      %shift_right_arithmetic3A_174 = arith.shrsi %scan3A_173, %shift_right_arithmetic3A : i32
      %and3A = arith.constant 15 : i32
      %and3A_175 = arith.andi %scan3A_173, %and3A : i32
      %mul3A_176 = arith.constant 50 : i32
      %mul3A_177 = arith.muli %shift_right_arithmetic3A_174, %mul3A_176 : i32
      %add3A_178 = arith.constant 0 : i32
      %add3A_179 = arith.addi %mul3A_177, %add3A_178 : i32
      %mul3A_180 = arith.constant 17 : i32
      %mul3A_181 = arith.muli %add3A_179, %mul3A_180 : i32
      %add3A_182 = arith.addi %mul3A_181, %and3A_175 : i32
      %add3A_183 = vector.broadcast %add3A_182 : i32 to vector<16xi32>
      %add3A_184 = arith.addi %add3A_183, %mul3A_64 : vector<16xi32>
      %get3A_185 = arith.constant 0 : i32
      %get3A_186 = tpu.memref_slice %arg8[%scan3A_173, %get3A_185] : memref<128x50xi32, #tpu.memory_space<vmem>> -> memref<1x50xi32, #tpu.memory_space<vmem>>
      %get3A_187 = tpu.memref_squeeze %get3A_186 : memref<1x50xi32, #tpu.memory_space<vmem>> -> memref<50xi32, #tpu.memory_space<vmem>>
      %get3A_188 = arith.constant 0 : index
      %get3A_189 = tpu.vector_load %get3A_187[%get3A_188] {strides = array<i32>} : memref<50xi32, #tpu.memory_space<vmem>>, vector<16xi32>,
      %mul3A_190 = arith.constant 5 : i32
      %mul3A_191 = vector.broadcast %mul3A_190 : i32 to vector<16xi32>
      %mul3A_192 = arith.muli %get3A_189, %mul3A_191 : vector<16xi32>
      %get3A_193 = arith.constant 0 : i32
      %get3A_194 = tpu.memref_slice %arg9[%scan3A_173, %get3A_193] : memref<128x50xi32, #tpu.memory_space<vmem>> -> memref<1x50xi32, #tpu.memory_space<vmem>>
      %get3A_195 = tpu.memref_squeeze %get3A_194 : memref<1x50xi32, #tpu.memory_space<vmem>> -> memref<50xi32, #tpu.memory_space<vmem>>
      %get3A_196 = arith.constant 0 : index
      %get3A_197 = tpu.vector_load %get3A_195[%get3A_196] {strides = array<i32>} : memref<50xi32, #tpu.memory_space<vmem>>, vector<16xi32>,
      %mul3A_198 = arith.constant 5 : i32
      %mul3A_199 = vector.broadcast %mul3A_198 : i32 to vector<16xi32>
      %mul3A_200 = arith.muli %get3A_197, %mul3A_199 : vector<16xi32>
      tpu.vector_store_idx %arg12[%add3A_184], %mul3A_192 : memref<6800xi32, #tpu.memory_space<vmem>>[vector<16xi32>], vector<16xi32>,
      tpu.vector_store_idx %arg13[%add3A_184], %mul3A_200 : memref<6800xi32, #tpu.memory_space<vmem>>[vector<16xi32>], vector<16xi32>,
      %add3A_201 = arith.constant 16 : i32
      %add3A_202 = arith.addi %mul3A_177, %add3A_201 : i32
      %mul3A_203 = arith.constant 17 : i32
      %mul3A_204 = arith.muli %add3A_202, %mul3A_203 : i32
      %add3A_205 = arith.addi %mul3A_204, %and3A_175 : i32
      %add3A_206 = vector.broadcast %add3A_205 : i32 to vector<16xi32>
      %add3A_207 = arith.addi %add3A_206, %mul3A_64 : vector<16xi32>
      %get3A_208 = arith.constant 0 : i32
      %get3A_209 = tpu.memref_slice %arg8[%scan3A_173, %get3A_208] : memref<128x50xi32, #tpu.memory_space<vmem>> -> memref<1x50xi32, #tpu.memory_space<vmem>>
      %get3A_210 = tpu.memref_squeeze %get3A_209 : memref<1x50xi32, #tpu.memory_space<vmem>> -> memref<50xi32, #tpu.memory_space<vmem>>
      %get3A_211 = arith.constant 16 : index
      %get3A_212 = tpu.vector_load %get3A_210[%get3A_211] {strides = array<i32>} : memref<50xi32, #tpu.memory_space<vmem>>, vector<16xi32>,
      %mul3A_213 = arith.constant 5 : i32
      %mul3A_214 = vector.broadcast %mul3A_213 : i32 to vector<16xi32>
      %mul3A_215 = arith.muli %get3A_212, %mul3A_214 : vector<16xi32>
      %get3A_216 = arith.constant 0 : i32
      %get3A_217 = tpu.memref_slice %arg9[%scan3A_173, %get3A_216] : memref<128x50xi32, #tpu.memory_space<vmem>> -> memref<1x50xi32, #tpu.memory_space<vmem>>
      %get3A_218 = tpu.memref_squeeze %get3A_217 : memref<1x50xi32, #tpu.memory_space<vmem>> -> memref<50xi32, #tpu.memory_space<vmem>>
      %get3A_219 = arith.constant 16 : index
      %get3A_220 = tpu.vector_load %get3A_218[%get3A_219] {strides = array<i32>} : memref<50xi32, #tpu.memory_space<vmem>>, vector<16xi32>,
      %mul3A_221 = arith.constant 5 : i32
      %mul3A_222 = vector.broadcast %mul3A_221 : i32 to vector<16xi32>
      %mul3A_223 = arith.muli %get3A_220, %mul3A_222 : vector<16xi32>
      tpu.vector_store_idx %arg12[%add3A_207], %mul3A_215 : memref<6800xi32, #tpu.memory_space<vmem>>[vector<16xi32>], vector<16xi32>,
      tpu.vector_store_idx %arg13[%add3A_207], %mul3A_223 : memref<6800xi32, #tpu.memory_space<vmem>>[vector<16xi32>], vector<16xi32>,
      %add3A_224 = arith.constant 32 : i32
      %add3A_225 = arith.addi %mul3A_177, %add3A_224 : i32
      %mul3A_226 = arith.constant 17 : i32
      %mul3A_227 = arith.muli %add3A_225, %mul3A_226 : i32
      %add3A_228 = arith.addi %mul3A_227, %and3A_175 : i32
      %add3A_229 = vector.broadcast %add3A_228 : i32 to vector<16xi32>
      %add3A_230 = arith.addi %add3A_229, %mul3A_64 : vector<16xi32>
      %get3A_231 = arith.constant 0 : i32
      %get3A_232 = tpu.memref_slice %arg8[%scan3A_173, %get3A_231] : memref<128x50xi32, #tpu.memory_space<vmem>> -> memref<1x50xi32, #tpu.memory_space<vmem>>
      %get3A_233 = tpu.memref_squeeze %get3A_232 : memref<1x50xi32, #tpu.memory_space<vmem>> -> memref<50xi32, #tpu.memory_space<vmem>>
      %get3A_234 = arith.constant 32 : index
      %get3A_235 = tpu.vector_load %get3A_233[%get3A_234] {strides = array<i32>} : memref<50xi32, #tpu.memory_space<vmem>>, vector<16xi32>,
      %mul3A_236 = arith.constant 5 : i32
      %mul3A_237 = vector.broadcast %mul3A_236 : i32 to vector<16xi32>
      %mul3A_238 = arith.muli %get3A_235, %mul3A_237 : vector<16xi32>
      %get3A_239 = arith.constant 0 : i32
      %get3A_240 = tpu.memref_slice %arg9[%scan3A_173, %get3A_239] : memref<128x50xi32, #tpu.memory_space<vmem>> -> memref<1x50xi32, #tpu.memory_space<vmem>>
      %get3A_241 = tpu.memref_squeeze %get3A_240 : memref<1x50xi32, #tpu.memory_space<vmem>> -> memref<50xi32, #tpu.memory_space<vmem>>
      %get3A_242 = arith.constant 32 : index
      %get3A_243 = tpu.vector_load %get3A_241[%get3A_242] {strides = array<i32>} : memref<50xi32, #tpu.memory_space<vmem>>, vector<16xi32>,
      %mul3A_244 = arith.constant 5 : i32
      %mul3A_245 = vector.broadcast %mul3A_244 : i32 to vector<16xi32>
      %mul3A_246 = arith.muli %get3A_243, %mul3A_245 : vector<16xi32>
      tpu.vector_store_idx %arg12[%add3A_230], %mul3A_238 : memref<6800xi32, #tpu.memory_space<vmem>>[vector<16xi32>], vector<16xi32>,
      tpu.vector_store_idx %arg13[%add3A_230], %mul3A_246 : memref<6800xi32, #tpu.memory_space<vmem>>[vector<16xi32>], vector<16xi32>,
      %add3A_247 = arith.constant 34 : i32
      %add3A_248 = arith.addi %mul3A_177, %add3A_247 : i32
      %mul3A_249 = arith.constant 17 : i32
      %mul3A_250 = arith.muli %add3A_248, %mul3A_249 : i32
      %add3A_251 = arith.addi %mul3A_250, %and3A_175 : i32
      %add3A_252 = vector.broadcast %add3A_251 : i32 to vector<16xi32>
      %add3A_253 = arith.addi %add3A_252, %mul3A_64 : vector<16xi32>
      %get3A_254 = arith.constant 0 : i32
      %get3A_255 = tpu.memref_slice %arg8[%scan3A_173, %get3A_254] : memref<128x50xi32, #tpu.memory_space<vmem>> -> memref<1x50xi32, #tpu.memory_space<vmem>>
      %get3A_256 = tpu.memref_squeeze %get3A_255 : memref<1x50xi32, #tpu.memory_space<vmem>> -> memref<50xi32, #tpu.memory_space<vmem>>
      %get3A_257 = arith.constant 34 : index
      %get3A_258 = tpu.vector_load %get3A_256[%get3A_257] {strides = array<i32>} : memref<50xi32, #tpu.memory_space<vmem>>, vector<16xi32>,
      %mul3A_259 = arith.constant 5 : i32
      %mul3A_260 = vector.broadcast %mul3A_259 : i32 to vector<16xi32>
      %mul3A_261 = arith.muli %get3A_258, %mul3A_260 : vector<16xi32>
      %get3A_262 = arith.constant 0 : i32
      %get3A_263 = tpu.memref_slice %arg9[%scan3A_173, %get3A_262] : memref<128x50xi32, #tpu.memory_space<vmem>> -> memref<1x50xi32, #tpu.memory_space<vmem>>
      %get3A_264 = tpu.memref_squeeze %get3A_263 : memref<1x50xi32, #tpu.memory_space<vmem>> -> memref<50xi32, #tpu.memory_space<vmem>>
      %get3A_265 = arith.constant 34 : index
      %get3A_266 = tpu.vector_load %get3A_264[%get3A_265] {strides = array<i32>} : memref<50xi32, #tpu.memory_space<vmem>>, vector<16xi32>,
      %mul3A_267 = arith.constant 5 : i32
      %mul3A_268 = vector.broadcast %mul3A_267 : i32 to vector<16xi32>
      %mul3A_269 = arith.muli %get3A_266, %mul3A_268 : vector<16xi32>
      tpu.vector_store_idx %arg12[%add3A_253], %mul3A_261 : memref<6800xi32, #tpu.memory_space<vmem>>[vector<16xi32>], vector<16xi32>,
      tpu.vector_store_idx %arg13[%add3A_253], %mul3A_269 : memref<6800xi32, #tpu.memory_space<vmem>>[vector<16xi32>], vector<16xi32>,
    }
    %scan3A_146 = arith.constant 128 : i32
    %scan3A_147 = arith.constant 0 : i32
    %scan3A_148 = arith.constant 0 : i32
    %scan3A_149 = arith.constant 8 : i32
    %scan3A_150 = arith.addi %scan3A_148, %scan3A_149 : i32
    %scan3A_151 = arith.constant 1 : i32
    scf.for %scan3A_173 = %scan3A_148 to %scan3A_150 step %scan3A_151  : i32 {
      %mul3A_174 = arith.constant 50 : i32
      %mul3A_175 = arith.muli %scan3A_173, %mul3A_174 : i32
      %scan3A_176 = arith.constant 0 : i32
      %scan3A_177 = arith.constant 50 : i32
      %scan3A_178 = arith.addi %scan3A_176, %scan3A_177 : i32
      %scan3A_179 = arith.constant 1 : i32
      %scan3A_180:16 = scf.for %scan3A_346 = %scan3A_176 to %scan3A_178 step %scan3A_179 iter_args(%scan3A_347 = %broadcast_in_dim3A_61, %scan3A_348 = %broadcast_in_dim3A_61, %scan3A_349 = %broadcast_in_dim3A_61, %scan3A_350 = %broadcast_in_dim3A_61, %scan3A_351 = %broadcast_in_dim3A_61, %scan3A_352 = %broadcast_in_dim3A_61, %scan3A_353 = %broadcast_in_dim3A_61, %scan3A_354 = %broadcast_in_dim3A_61, %scan3A_355 = %broadcast_in_dim3A_61, %scan3A_356 = %broadcast_in_dim3A_61, %scan3A_357 = %broadcast_in_dim3A_61, %scan3A_358 = %broadcast_in_dim3A_61, %scan3A_359 = %broadcast_in_dim3A_61, %scan3A_360 = %broadcast_in_dim3A_61, %scan3A_361 = %broadcast_in_dim3A_61, %scan3A_362 = %broadcast_in_dim3A_61) -> (vector<16xf32>, vector<16xf32>, vector<16xf32>, vector<16xf32>, vector<16xf32>, vector<16xf32>, vector<16xf32>, vector<16xf32>, vector<16xf32>, vector<16xf32>, vector<16xf32>, vector<16xf32>, vector<16xf32>, vector<16xf32>, vector<16xf32>, vector<16xf32>)  : i32 {
        %add3A_363 = arith.addi %mul3A_175, %scan3A_346 : i32
        %mul3A_364 = arith.constant 17 : i32
        %mul3A_365 = arith.muli %add3A_363, %mul3A_364 : i32
        %get3A_366 = arith.index_cast %mul3A_365 : i32 to index
        %get3A_367 = tpu.vector_load %arg12[%get3A_366] {strides = array<i32>} : memref<6800xi32, #tpu.memory_space<vmem>>, vector<16xi32>,
        %get3A_368 = arith.index_cast %mul3A_365 : i32 to index
        %get3A_369 = tpu.vector_load %arg13[%get3A_368] {strides = array<i32>} : memref<6800xi32, #tpu.memory_space<vmem>>, vector<16xi32>,
        %add3A_370 = arith.constant 0 : i32
        %add3A_371 = vector.broadcast %add3A_370 : i32 to vector<16xi32>
        %add3A_372 = arith.addi %get3A_367, %add3A_371 : vector<16xi32>
        %gather3A_373 = tpu.vector_load_idx %arg15[%add3A_372] : memref<11720xi32, #tpu.memory_space<vmem>>[vector<16xi32>], vector<16xi32>,
        %bitcast3A = vector.bitcast %gather3A_373 : vector<16xi32> to vector<32xbf16>
        %unpack3A = tpu.unpack_subelements %bitcast3A, 0 {pack_format = #tpu.pack_format<interleaved>} : vector<32xbf16> -> vector<16xf32>
        %unpack3A_374 = tpu.unpack_subelements %bitcast3A, 1 {pack_format = #tpu.pack_format<interleaved>} : vector<32xbf16> -> vector<16xf32>
        %add3A_375 = arith.constant 0 : i32
        %add3A_376 = vector.broadcast %add3A_375 : i32 to vector<16xi32>
        %add3A_377 = arith.addi %get3A_369, %add3A_376 : vector<16xi32>
        %gather3A_378 = tpu.vector_load_idx %arg15[%add3A_377] : memref<11720xi32, #tpu.memory_space<vmem>>[vector<16xi32>], vector<16xi32>,
        %bitcast3A_379 = vector.bitcast %gather3A_378 : vector<16xi32> to vector<32xbf16>
        %unpack3A_380 = tpu.unpack_subelements %bitcast3A_379, 0 {pack_format = #tpu.pack_format<interleaved>} : vector<32xbf16> -> vector<16xf32>
        %unpack3A_381 = tpu.unpack_subelements %bitcast3A_379, 1 {pack_format = #tpu.pack_format<interleaved>} : vector<32xbf16> -> vector<16xf32>
        %add3A_382 = arith.addf %scan3A_347, %unpack3A : vector<16xf32>
        %add3A_383 = arith.addf %scan3A_348, %unpack3A_374 : vector<16xf32>
        %add3A_384 = arith.addf %scan3A_355, %unpack3A_380 : vector<16xf32>
        %add3A_385 = arith.addf %scan3A_356, %unpack3A_381 : vector<16xf32>
        %add3A_386 = arith.constant 1 : i32
        %add3A_387 = vector.broadcast %add3A_386 : i32 to vector<16xi32>
        %add3A_388 = arith.addi %get3A_367, %add3A_387 : vector<16xi32>
        %gather3A_389 = tpu.vector_load_idx %arg15[%add3A_388] : memref<11720xi32, #tpu.memory_space<vmem>>[vector<16xi32>], vector<16xi32>,
        %bitcast3A_390 = vector.bitcast %gather3A_389 : vector<16xi32> to vector<32xbf16>
        %unpack3A_391 = tpu.unpack_subelements %bitcast3A_390, 0 {pack_format = #tpu.pack_format<interleaved>} : vector<32xbf16> -> vector<16xf32>
        %unpack3A_392 = tpu.unpack_subelements %bitcast3A_390, 1 {pack_format = #tpu.pack_format<interleaved>} : vector<32xbf16> -> vector<16xf32>
        %add3A_393 = arith.constant 1 : i32
        %add3A_394 = vector.broadcast %add3A_393 : i32 to vector<16xi32>
        %add3A_395 = arith.addi %get3A_369, %add3A_394 : vector<16xi32>
        %gather3A_396 = tpu.vector_load_idx %arg15[%add3A_395] : memref<11720xi32, #tpu.memory_space<vmem>>[vector<16xi32>], vector<16xi32>,
        %bitcast3A_397 = vector.bitcast %gather3A_396 : vector<16xi32> to vector<32xbf16>
        %unpack3A_398 = tpu.unpack_subelements %bitcast3A_397, 0 {pack_format = #tpu.pack_format<interleaved>} : vector<32xbf16> -> vector<16xf32>
        %unpack3A_399 = tpu.unpack_subelements %bitcast3A_397, 1 {pack_format = #tpu.pack_format<interleaved>} : vector<32xbf16> -> vector<16xf32>
        %add3A_400 = arith.addf %scan3A_349, %unpack3A_391 : vector<16xf32>
        %add3A_401 = arith.addf %scan3A_350, %unpack3A_392 : vector<16xf32>
        %add3A_402 = arith.addf %scan3A_357, %unpack3A_398 : vector<16xf32>
        %add3A_403 = arith.addf %scan3A_358, %unpack3A_399 : vector<16xf32>
        %add3A_404 = arith.constant 2 : i32
        %add3A_405 = vector.broadcast %add3A_404 : i32 to vector<16xi32>
        %add3A_406 = arith.addi %get3A_367, %add3A_405 : vector<16xi32>
        %gather3A_407 = tpu.vector_load_idx %arg15[%add3A_406] : memref<11720xi32, #tpu.memory_space<vmem>>[vector<16xi32>], vector<16xi32>,
        %bitcast3A_408 = vector.bitcast %gather3A_407 : vector<16xi32> to vector<32xbf16>
        %unpack3A_409 = tpu.unpack_subelements %bitcast3A_408, 0 {pack_format = #tpu.pack_format<interleaved>} : vector<32xbf16> -> vector<16xf32>
        %unpack3A_410 = tpu.unpack_subelements %bitcast3A_408, 1 {pack_format = #tpu.pack_format<interleaved>} : vector<32xbf16> -> vector<16xf32>
        %add3A_411 = arith.constant 2 : i32
        %add3A_412 = vector.broadcast %add3A_411 : i32 to vector<16xi32>
        %add3A_413 = arith.addi %get3A_369, %add3A_412 : vector<16xi32>
        %gather3A_414 = tpu.vector_load_idx %arg15[%add3A_413] : memref<11720xi32, #tpu.memory_space<vmem>>[vector<16xi32>], vector<16xi32>,
        %bitcast3A_415 = vector.bitcast %gather3A_414 : vector<16xi32> to vector<32xbf16>
        %unpack3A_416 = tpu.unpack_subelements %bitcast3A_415, 0 {pack_format = #tpu.pack_format<interleaved>} : vector<32xbf16> -> vector<16xf32>
        %unpack3A_417 = tpu.unpack_subelements %bitcast3A_415, 1 {pack_format = #tpu.pack_format<interleaved>} : vector<32xbf16> -> vector<16xf32>
        %add3A_418 = arith.addf %scan3A_351, %unpack3A_409 : vector<16xf32>
        %add3A_419 = arith.addf %scan3A_352, %unpack3A_410 : vector<16xf32>
        %add3A_420 = arith.addf %scan3A_359, %unpack3A_416 : vector<16xf32>
        %add3A_421 = arith.addf %scan3A_360, %unpack3A_417 : vector<16xf32>
        %add3A_422 = arith.constant 3 : i32
        %add3A_423 = vector.broadcast %add3A_422 : i32 to vector<16xi32>
        %add3A_424 = arith.addi %get3A_367, %add3A_423 : vector<16xi32>
        %gather3A_425 = tpu.vector_load_idx %arg15[%add3A_424] : memref<11720xi32, #tpu.memory_space<vmem>>[vector<16xi32>], vector<16xi32>,
        %bitcast3A_426 = vector.bitcast %gather3A_425 : vector<16xi32> to vector<32xbf16>
        %unpack3A_427 = tpu.unpack_subelements %bitcast3A_426, 0 {pack_format = #tpu.pack_format<interleaved>} : vector<32xbf16> -> vector<16xf32>
        %unpack3A_428 = tpu.unpack_subelements %bitcast3A_426, 1 {pack_format = #tpu.pack_format<interleaved>} : vector<32xbf16> -> vector<16xf32>
        %add3A_429 = arith.constant 3 : i32
        %add3A_430 = vector.broadcast %add3A_429 : i32 to vector<16xi32>
        %add3A_431 = arith.addi %get3A_369, %add3A_430 : vector<16xi32>
        %gather3A_432 = tpu.vector_load_idx %arg15[%add3A_431] : memref<11720xi32, #tpu.memory_space<vmem>>[vector<16xi32>], vector<16xi32>,
        %bitcast3A_433 = vector.bitcast %gather3A_432 : vector<16xi32> to vector<32xbf16>
        %unpack3A_434 = tpu.unpack_subelements %bitcast3A_433, 0 {pack_format = #tpu.pack_format<interleaved>} : vector<32xbf16> -> vector<16xf32>
        %unpack3A_435 = tpu.unpack_subelements %bitcast3A_433, 1 {pack_format = #tpu.pack_format<interleaved>} : vector<32xbf16> -> vector<16xf32>
        %add3A_436 = arith.addf %scan3A_353, %unpack3A_427 : vector<16xf32>
        %add3A_437 = arith.addf %scan3A_354, %unpack3A_428 : vector<16xf32>
        %add3A_438 = arith.addf %scan3A_361, %unpack3A_434 : vector<16xf32>
        %add3A_439 = arith.addf %scan3A_362, %unpack3A_435 : vector<16xf32>
        scf.yield %add3A_382, %add3A_383, %add3A_400, %add3A_401, %add3A_418, %add3A_419, %add3A_436, %add3A_437, %add3A_384, %add3A_385, %add3A_402, %add3A_403, %add3A_420, %add3A_421, %add3A_438, %add3A_439 : vector<16xf32>, vector<16xf32>, vector<16xf32>, vector<16xf32>, vector<16xf32>, vector<16xf32>, vector<16xf32>, vector<16xf32>, vector<16xf32>, vector<16xf32>, vector<16xf32>, vector<16xf32>, vector<16xf32>, vector<16xf32>, vector<16xf32>, vector<16xf32>
      }
      %scan3A_181 = arith.constant 50 : i32
      %mul3A_182 = arith.constant 16 : i32
      %mul3A_183 = arith.muli %scan3A_173, %mul3A_182 : i32
      %add3A_184 = arith.constant 256 : i32
      %add3A_185 = arith.addi %add3A_184, %mul3A_183 : i32
      %add3A_186 = vector.broadcast %add3A_185 : i32 to vector<16xi32>
      %add3A_187 = arith.addi %add3A_186, %iota3A : vector<16xi32>
      %gather3A = tpu.vector_load_idx %arg14[%add3A_187] : memref<512xi32, #tpu.memory_space<vmem>>[vector<16xi32>], vector<16xi32>,
      %eq3A = arith.constant 0 : i32
      %eq3A_188 = vector.broadcast %eq3A : i32 to vector<16xi32>
      %eq3A_189 = arith.cmpi eq, %gather3A, %eq3A_188 : vector<16xi32>
      %select_n3A = arith.select %eq3A_189, %get3A_28, %get3A_44 : vector<16xi1>, vector<16xf32>
      %select_n3A_190 = arith.select %eq3A_189, %get3A_44, %get3A_28 : vector<16xi1>, vector<16xf32>
      %add3A_191 = arith.addf %scan3A_180#0, %get3A_12 : vector<16xf32>
      %jit3A = arith.constant 0.000000e+00 : f32
      %jit3A_192 = arith.constant 1.000000e+00 : f32
      %max3A = vector.broadcast %jit3A : f32 to vector<16xf32>
      %max3A_193 = arith.maximumf %max3A, %add3A_191 : vector<16xf32>
      %min3A = vector.broadcast %jit3A_192 : f32 to vector<16xf32>
      %min3A_194 = arith.minimumf %min3A, %max3A_193 : vector<16xf32>
      %add3A_195 = arith.addf %scan3A_180#8, %get3A_12 : vector<16xf32>
      %jit3A_196 = arith.constant 0.000000e+00 : f32
      %jit3A_197 = arith.constant 1.000000e+00 : f32
      %max3A_198 = vector.broadcast %jit3A_196 : f32 to vector<16xf32>
      %max3A_199 = arith.maximumf %max3A_198, %add3A_195 : vector<16xf32>
      %min3A_200 = vector.broadcast %jit3A_197 : f32 to vector<16xf32>
      %min3A_201 = arith.minimumf %min3A_200, %max3A_199 : vector<16xf32>
      %mul3A_202 = arith.mulf %select_n3A, %min3A_194 : vector<16xf32>
      %add3A_203 = arith.addf %get3A_60, %mul3A_202 : vector<16xf32>
      %mul3A_204 = arith.mulf %select_n3A_190, %min3A_201 : vector<16xf32>
      %add3A_205 = arith.addf %add3A_203, %mul3A_204 : vector<16xf32>
      %select_n3A_206 = arith.select %eq3A_189, %get3A_30, %get3A_46 : vector<16xi1>, vector<16xf32>
      %select_n3A_207 = arith.select %eq3A_189, %get3A_46, %get3A_30 : vector<16xi1>, vector<16xf32>
      %add3A_208 = arith.addf %scan3A_180#1, %get3A_14 : vector<16xf32>
      %jit3A_209 = arith.constant 0.000000e+00 : f32
      %jit3A_210 = arith.constant 1.000000e+00 : f32
      %max3A_211 = vector.broadcast %jit3A_209 : f32 to vector<16xf32>
      %max3A_212 = arith.maximumf %max3A_211, %add3A_208 : vector<16xf32>
      %min3A_213 = vector.broadcast %jit3A_210 : f32 to vector<16xf32>
      %min3A_214 = arith.minimumf %min3A_213, %max3A_212 : vector<16xf32>
      %add3A_215 = arith.addf %scan3A_180#9, %get3A_14 : vector<16xf32>
      %jit3A_216 = arith.constant 0.000000e+00 : f32
      %jit3A_217 = arith.constant 1.000000e+00 : f32
      %max3A_218 = vector.broadcast %jit3A_216 : f32 to vector<16xf32>
      %max3A_219 = arith.maximumf %max3A_218, %add3A_215 : vector<16xf32>
      %min3A_220 = vector.broadcast %jit3A_217 : f32 to vector<16xf32>
      %min3A_221 = arith.minimumf %min3A_220, %max3A_219 : vector<16xf32>
      %mul3A_222 = arith.mulf %select_n3A_206, %min3A_214 : vector<16xf32>
      %add3A_223 = arith.addf %add3A_205, %mul3A_222 : vector<16xf32>
      %mul3A_224 = arith.mulf %select_n3A_207, %min3A_221 : vector<16xf32>
      %add3A_225 = arith.addf %add3A_223, %mul3A_224 : vector<16xf32>
      %select_n3A_226 = arith.select %eq3A_189, %get3A_32, %get3A_48 : vector<16xi1>, vector<16xf32>
      %select_n3A_227 = arith.select %eq3A_189, %get3A_48, %get3A_32 : vector<16xi1>, vector<16xf32>
      %add3A_228 = arith.addf %scan3A_180#2, %get3A_16 : vector<16xf32>
      %jit3A_229 = arith.constant 0.000000e+00 : f32
      %jit3A_230 = arith.constant 1.000000e+00 : f32
      %max3A_231 = vector.broadcast %jit3A_229 : f32 to vector<16xf32>
      %max3A_232 = arith.maximumf %max3A_231, %add3A_228 : vector<16xf32>
      %min3A_233 = vector.broadcast %jit3A_230 : f32 to vector<16xf32>
      %min3A_234 = arith.minimumf %min3A_233, %max3A_232 : vector<16xf32>
      %add3A_235 = arith.addf %scan3A_180#10, %get3A_16 : vector<16xf32>
      %jit3A_236 = arith.constant 0.000000e+00 : f32
      %jit3A_237 = arith.constant 1.000000e+00 : f32
      %max3A_238 = vector.broadcast %jit3A_236 : f32 to vector<16xf32>
      %max3A_239 = arith.maximumf %max3A_238, %add3A_235 : vector<16xf32>
      %min3A_240 = vector.broadcast %jit3A_237 : f32 to vector<16xf32>
      %min3A_241 = arith.minimumf %min3A_240, %max3A_239 : vector<16xf32>
      %mul3A_242 = arith.mulf %select_n3A_226, %min3A_234 : vector<16xf32>
      %add3A_243 = arith.addf %add3A_225, %mul3A_242 : vector<16xf32>
      %mul3A_244 = arith.mulf %select_n3A_227, %min3A_241 : vector<16xf32>
      %add3A_245 = arith.addf %add3A_243, %mul3A_244 : vector<16xf32>
      %select_n3A_246 = arith.select %eq3A_189, %get3A_34, %get3A_50 : vector<16xi1>, vector<16xf32>
      %select_n3A_247 = arith.select %eq3A_189, %get3A_50, %get3A_34 : vector<16xi1>, vector<16xf32>
      %add3A_248 = arith.addf %scan3A_180#3, %get3A_18 : vector<16xf32>
      %jit3A_249 = arith.constant 0.000000e+00 : f32
      %jit3A_250 = arith.constant 1.000000e+00 : f32
      %max3A_251 = vector.broadcast %jit3A_249 : f32 to vector<16xf32>
      %max3A_252 = arith.maximumf %max3A_251, %add3A_248 : vector<16xf32>
      %min3A_253 = vector.broadcast %jit3A_250 : f32 to vector<16xf32>
      %min3A_254 = arith.minimumf %min3A_253, %max3A_252 : vector<16xf32>
      %add3A_255 = arith.addf %scan3A_180#11, %get3A_18 : vector<16xf32>
      %jit3A_256 = arith.constant 0.000000e+00 : f32
      %jit3A_257 = arith.constant 1.000000e+00 : f32
      %max3A_258 = vector.broadcast %jit3A_256 : f32 to vector<16xf32>
      %max3A_259 = arith.maximumf %max3A_258, %add3A_255 : vector<16xf32>
      %min3A_260 = vector.broadcast %jit3A_257 : f32 to vector<16xf32>
      %min3A_261 = arith.minimumf %min3A_260, %max3A_259 : vector<16xf32>
      %mul3A_262 = arith.mulf %select_n3A_246, %min3A_254 : vector<16xf32>
      %add3A_263 = arith.addf %add3A_245, %mul3A_262 : vector<16xf32>
      %mul3A_264 = arith.mulf %select_n3A_247, %min3A_261 : vector<16xf32>
      %add3A_265 = arith.addf %add3A_263, %mul3A_264 : vector<16xf32>
      %select_n3A_266 = arith.select %eq3A_189, %get3A_36, %get3A_52 : vector<16xi1>, vector<16xf32>
      %select_n3A_267 = arith.select %eq3A_189, %get3A_52, %get3A_36 : vector<16xi1>, vector<16xf32>
      %add3A_268 = arith.addf %scan3A_180#4, %get3A_20 : vector<16xf32>
      %jit3A_269 = arith.constant 0.000000e+00 : f32
      %jit3A_270 = arith.constant 1.000000e+00 : f32
      %max3A_271 = vector.broadcast %jit3A_269 : f32 to vector<16xf32>
      %max3A_272 = arith.maximumf %max3A_271, %add3A_268 : vector<16xf32>
      %min3A_273 = vector.broadcast %jit3A_270 : f32 to vector<16xf32>
      %min3A_274 = arith.minimumf %min3A_273, %max3A_272 : vector<16xf32>
      %add3A_275 = arith.addf %scan3A_180#12, %get3A_20 : vector<16xf32>
      %jit3A_276 = arith.constant 0.000000e+00 : f32
      %jit3A_277 = arith.constant 1.000000e+00 : f32
      %max3A_278 = vector.broadcast %jit3A_276 : f32 to vector<16xf32>
      %max3A_279 = arith.maximumf %max3A_278, %add3A_275 : vector<16xf32>
      %min3A_280 = vector.broadcast %jit3A_277 : f32 to vector<16xf32>
      %min3A_281 = arith.minimumf %min3A_280, %max3A_279 : vector<16xf32>
      %mul3A_282 = arith.mulf %select_n3A_266, %min3A_274 : vector<16xf32>
      %add3A_283 = arith.addf %add3A_265, %mul3A_282 : vector<16xf32>
      %mul3A_284 = arith.mulf %select_n3A_267, %min3A_281 : vector<16xf32>
      %add3A_285 = arith.addf %add3A_283, %mul3A_284 : vector<16xf32>
      %select_n3A_286 = arith.select %eq3A_189, %get3A_38, %get3A_54 : vector<16xi1>, vector<16xf32>
      %select_n3A_287 = arith.select %eq3A_189, %get3A_54, %get3A_38 : vector<16xi1>, vector<16xf32>
      %add3A_288 = arith.addf %scan3A_180#5, %get3A_22 : vector<16xf32>
      %jit3A_289 = arith.constant 0.000000e+00 : f32
      %jit3A_290 = arith.constant 1.000000e+00 : f32
      %max3A_291 = vector.broadcast %jit3A_289 : f32 to vector<16xf32>
      %max3A_292 = arith.maximumf %max3A_291, %add3A_288 : vector<16xf32>
      %min3A_293 = vector.broadcast %jit3A_290 : f32 to vector<16xf32>
      %min3A_294 = arith.minimumf %min3A_293, %max3A_292 : vector<16xf32>
      %add3A_295 = arith.addf %scan3A_180#13, %get3A_22 : vector<16xf32>
      %jit3A_296 = arith.constant 0.000000e+00 : f32
      %jit3A_297 = arith.constant 1.000000e+00 : f32
      %max3A_298 = vector.broadcast %jit3A_296 : f32 to vector<16xf32>
      %max3A_299 = arith.maximumf %max3A_298, %add3A_295 : vector<16xf32>
      %min3A_300 = vector.broadcast %jit3A_297 : f32 to vector<16xf32>
      %min3A_301 = arith.minimumf %min3A_300, %max3A_299 : vector<16xf32>
      %mul3A_302 = arith.mulf %select_n3A_286, %min3A_294 : vector<16xf32>
      %add3A_303 = arith.addf %add3A_285, %mul3A_302 : vector<16xf32>
      %mul3A_304 = arith.mulf %select_n3A_287, %min3A_301 : vector<16xf32>
      %add3A_305 = arith.addf %add3A_303, %mul3A_304 : vector<16xf32>
      %select_n3A_306 = arith.select %eq3A_189, %get3A_40, %get3A_56 : vector<16xi1>, vector<16xf32>
      %select_n3A_307 = arith.select %eq3A_189, %get3A_56, %get3A_40 : vector<16xi1>, vector<16xf32>
      %add3A_308 = arith.addf %scan3A_180#6, %get3A_24 : vector<16xf32>
      %jit3A_309 = arith.constant 0.000000e+00 : f32
      %jit3A_310 = arith.constant 1.000000e+00 : f32
      %max3A_311 = vector.broadcast %jit3A_309 : f32 to vector<16xf32>
      %max3A_312 = arith.maximumf %max3A_311, %add3A_308 : vector<16xf32>
      %min3A_313 = vector.broadcast %jit3A_310 : f32 to vector<16xf32>
      %min3A_314 = arith.minimumf %min3A_313, %max3A_312 : vector<16xf32>
      %add3A_315 = arith.addf %scan3A_180#14, %get3A_24 : vector<16xf32>
      %jit3A_316 = arith.constant 0.000000e+00 : f32
      %jit3A_317 = arith.constant 1.000000e+00 : f32
      %max3A_318 = vector.broadcast %jit3A_316 : f32 to vector<16xf32>
      %max3A_319 = arith.maximumf %max3A_318, %add3A_315 : vector<16xf32>
      %min3A_320 = vector.broadcast %jit3A_317 : f32 to vector<16xf32>
      %min3A_321 = arith.minimumf %min3A_320, %max3A_319 : vector<16xf32>
      %mul3A_322 = arith.mulf %select_n3A_306, %min3A_314 : vector<16xf32>
      %add3A_323 = arith.addf %add3A_305, %mul3A_322 : vector<16xf32>
      %mul3A_324 = arith.mulf %select_n3A_307, %min3A_321 : vector<16xf32>
      %add3A_325 = arith.addf %add3A_323, %mul3A_324 : vector<16xf32>
      %select_n3A_326 = arith.select %eq3A_189, %get3A_42, %get3A_58 : vector<16xi1>, vector<16xf32>
      %select_n3A_327 = arith.select %eq3A_189, %get3A_58, %get3A_42 : vector<16xi1>, vector<16xf32>
      %add3A_328 = arith.addf %scan3A_180#7, %get3A_26 : vector<16xf32>
      %jit3A_329 = arith.constant 0.000000e+00 : f32
      %jit3A_330 = arith.constant 1.000000e+00 : f32
      %max3A_331 = vector.broadcast %jit3A_329 : f32 to vector<16xf32>
      %max3A_332 = arith.maximumf %max3A_331, %add3A_328 : vector<16xf32>
      %min3A_333 = vector.broadcast %jit3A_330 : f32 to vector<16xf32>
      %min3A_334 = arith.minimumf %min3A_333, %max3A_332 : vector<16xf32>
      %add3A_335 = arith.addf %scan3A_180#15, %get3A_26 : vector<16xf32>
      %jit3A_336 = arith.constant 0.000000e+00 : f32
      %jit3A_337 = arith.constant 1.000000e+00 : f32
      %max3A_338 = vector.broadcast %jit3A_336 : f32 to vector<16xf32>
      %max3A_339 = arith.maximumf %max3A_338, %add3A_335 : vector<16xf32>
      %min3A_340 = vector.broadcast %jit3A_337 : f32 to vector<16xf32>
      %min3A_341 = arith.minimumf %min3A_340, %max3A_339 : vector<16xf32>
      %mul3A_342 = arith.mulf %select_n3A_326, %min3A_334 : vector<16xf32>
      %add3A_343 = arith.addf %add3A_325, %mul3A_342 : vector<16xf32>
      %mul3A_344 = arith.mulf %select_n3A_327, %min3A_341 : vector<16xf32>
      %add3A_345 = arith.addf %add3A_343, %mul3A_344 : vector<16xf32>
      tpu.vector_store_idx %arg17[%add3A_187], %add3A_345 : memref<512xf32, #tpu.memory_space<vmem>>[vector<16xi32>], vector<16xf32>,
    }
    %scan3A_152 = arith.constant 8 : i32
    %dma_wait3A_153 = arith.constant 0 : i32
    %dma_wait3A_154 = tpu.memref_slice %arg2[%add3A_132, %dma_wait3A_153] : memref<16384x50xi32, #tpu.memory_space<hbm>> -> memref<128x50xi32, #tpu.memory_space<hbm>>
    %dma_wait3A_155 = arith.constant 0 : i32
    %dma_wait3A_156 = tpu.memref_slice %arg2[%add3A_132, %dma_wait3A_155] : memref<16384x50xi32, #tpu.memory_space<hbm>> -> memref<128x50xi32, #tpu.memory_space<hbm>>
    tpu.wait_dma2 semaphore(%arg20 : memref<!tpu.dma_semaphore, #tpu.memory_space<semaphore_mem>>) src(%dma_wait3A_156 : memref<128x50xi32, #tpu.memory_space<hbm>>) dst(%arg10 : memref<128x50xi32, #tpu.memory_space<vmem>>)
    %dma_wait3A_157 = arith.constant 0 : i32
    %dma_wait3A_158 = tpu.memref_slice %arg3[%add3A_132, %dma_wait3A_157] : memref<16384x50xi32, #tpu.memory_space<hbm>> -> memref<128x50xi32, #tpu.memory_space<hbm>>
    %dma_wait3A_159 = arith.constant 0 : i32
    %dma_wait3A_160 = tpu.memref_slice %arg3[%add3A_132, %dma_wait3A_159] : memref<16384x50xi32, #tpu.memory_space<hbm>> -> memref<128x50xi32, #tpu.memory_space<hbm>>
    tpu.wait_dma2 semaphore(%arg21 : memref<!tpu.dma_semaphore, #tpu.memory_space<semaphore_mem>>) src(%dma_wait3A_160 : memref<128x50xi32, #tpu.memory_space<hbm>>) dst(%arg11 : memref<128x50xi32, #tpu.memory_space<vmem>>)
    %scan3A_161 = arith.constant 0 : i32
    %scan3A_162 = arith.constant 0 : i32
    %scan3A_163 = arith.constant 128 : i32
    %scan3A_164 = arith.addi %scan3A_162, %scan3A_163 : i32
    %scan3A_165 = arith.constant 1 : i32
    scf.for %scan3A_173 = %scan3A_162 to %scan3A_164 step %scan3A_165  : i32 {
      %shift_right_arithmetic3A = arith.constant 4 : i32
      %shift_right_arithmetic3A_174 = arith.shrsi %scan3A_173, %shift_right_arithmetic3A : i32
      %and3A = arith.constant 15 : i32
      %and3A_175 = arith.andi %scan3A_173, %and3A : i32
      %mul3A_176 = arith.constant 50 : i32
      %mul3A_177 = arith.muli %shift_right_arithmetic3A_174, %mul3A_176 : i32
      %add3A_178 = arith.constant 0 : i32
      %add3A_179 = arith.addi %mul3A_177, %add3A_178 : i32
      %mul3A_180 = arith.constant 17 : i32
      %mul3A_181 = arith.muli %add3A_179, %mul3A_180 : i32
      %add3A_182 = arith.addi %mul3A_181, %and3A_175 : i32
      %add3A_183 = vector.broadcast %add3A_182 : i32 to vector<16xi32>
      %add3A_184 = arith.addi %add3A_183, %mul3A_64 : vector<16xi32>
      %get3A_185 = arith.constant 0 : i32
      %get3A_186 = tpu.memref_slice %arg10[%scan3A_173, %get3A_185] : memref<128x50xi32, #tpu.memory_space<vmem>> -> memref<1x50xi32, #tpu.memory_space<vmem>>
      %get3A_187 = tpu.memref_squeeze %get3A_186 : memref<1x50xi32, #tpu.memory_space<vmem>> -> memref<50xi32, #tpu.memory_space<vmem>>
      %get3A_188 = arith.constant 0 : index
      %get3A_189 = tpu.vector_load %get3A_187[%get3A_188] {strides = array<i32>} : memref<50xi32, #tpu.memory_space<vmem>>, vector<16xi32>,
      %mul3A_190 = arith.constant 5 : i32
      %mul3A_191 = vector.broadcast %mul3A_190 : i32 to vector<16xi32>
      %mul3A_192 = arith.muli %get3A_189, %mul3A_191 : vector<16xi32>
      %get3A_193 = arith.constant 0 : i32
      %get3A_194 = tpu.memref_slice %arg11[%scan3A_173, %get3A_193] : memref<128x50xi32, #tpu.memory_space<vmem>> -> memref<1x50xi32, #tpu.memory_space<vmem>>
      %get3A_195 = tpu.memref_squeeze %get3A_194 : memref<1x50xi32, #tpu.memory_space<vmem>> -> memref<50xi32, #tpu.memory_space<vmem>>
      %get3A_196 = arith.constant 0 : index
      %get3A_197 = tpu.vector_load %get3A_195[%get3A_196] {strides = array<i32>} : memref<50xi32, #tpu.memory_space<vmem>>, vector<16xi32>,
      %mul3A_198 = arith.constant 5 : i32
      %mul3A_199 = vector.broadcast %mul3A_198 : i32 to vector<16xi32>
      %mul3A_200 = arith.muli %get3A_197, %mul3A_199 : vector<16xi32>
      tpu.vector_store_idx %arg12[%add3A_184], %mul3A_192 : memref<6800xi32, #tpu.memory_space<vmem>>[vector<16xi32>], vector<16xi32>,
      tpu.vector_store_idx %arg13[%add3A_184], %mul3A_200 : memref<6800xi32, #tpu.memory_space<vmem>>[vector<16xi32>], vector<16xi32>,
      %add3A_201 = arith.constant 16 : i32
      %add3A_202 = arith.addi %mul3A_177, %add3A_201 : i32
      %mul3A_203 = arith.constant 17 : i32
      %mul3A_204 = arith.muli %add3A_202, %mul3A_203 : i32
      %add3A_205 = arith.addi %mul3A_204, %and3A_175 : i32
      %add3A_206 = vector.broadcast %add3A_205 : i32 to vector<16xi32>
      %add3A_207 = arith.addi %add3A_206, %mul3A_64 : vector<16xi32>
      %get3A_208 = arith.constant 0 : i32
      %get3A_209 = tpu.memref_slice %arg10[%scan3A_173, %get3A_208] : memref<128x50xi32, #tpu.memory_space<vmem>> -> memref<1x50xi32, #tpu.memory_space<vmem>>
      %get3A_210 = tpu.memref_squeeze %get3A_209 : memref<1x50xi32, #tpu.memory_space<vmem>> -> memref<50xi32, #tpu.memory_space<vmem>>
      %get3A_211 = arith.constant 16 : index
      %get3A_212 = tpu.vector_load %get3A_210[%get3A_211] {strides = array<i32>} : memref<50xi32, #tpu.memory_space<vmem>>, vector<16xi32>,
      %mul3A_213 = arith.constant 5 : i32
      %mul3A_214 = vector.broadcast %mul3A_213 : i32 to vector<16xi32>
      %mul3A_215 = arith.muli %get3A_212, %mul3A_214 : vector<16xi32>
      %get3A_216 = arith.constant 0 : i32
      %get3A_217 = tpu.memref_slice %arg11[%scan3A_173, %get3A_216] : memref<128x50xi32, #tpu.memory_space<vmem>> -> memref<1x50xi32, #tpu.memory_space<vmem>>
      %get3A_218 = tpu.memref_squeeze %get3A_217 : memref<1x50xi32, #tpu.memory_space<vmem>> -> memref<50xi32, #tpu.memory_space<vmem>>
      %get3A_219 = arith.constant 16 : index
      %get3A_220 = tpu.vector_load %get3A_218[%get3A_219] {strides = array<i32>} : memref<50xi32, #tpu.memory_space<vmem>>, vector<16xi32>,
      %mul3A_221 = arith.constant 5 : i32
      %mul3A_222 = vector.broadcast %mul3A_221 : i32 to vector<16xi32>
      %mul3A_223 = arith.muli %get3A_220, %mul3A_222 : vector<16xi32>
      tpu.vector_store_idx %arg12[%add3A_207], %mul3A_215 : memref<6800xi32, #tpu.memory_space<vmem>>[vector<16xi32>], vector<16xi32>,
      tpu.vector_store_idx %arg13[%add3A_207], %mul3A_223 : memref<6800xi32, #tpu.memory_space<vmem>>[vector<16xi32>], vector<16xi32>,
      %add3A_224 = arith.constant 32 : i32
      %add3A_225 = arith.addi %mul3A_177, %add3A_224 : i32
      %mul3A_226 = arith.constant 17 : i32
      %mul3A_227 = arith.muli %add3A_225, %mul3A_226 : i32
      %add3A_228 = arith.addi %mul3A_227, %and3A_175 : i32
      %add3A_229 = vector.broadcast %add3A_228 : i32 to vector<16xi32>
      %add3A_230 = arith.addi %add3A_229, %mul3A_64 : vector<16xi32>
      %get3A_231 = arith.constant 0 : i32
      %get3A_232 = tpu.memref_slice %arg10[%scan3A_173, %get3A_231] : memref<128x50xi32, #tpu.memory_space<vmem>> -> memref<1x50xi32, #tpu.memory_space<vmem>>
      %get3A_233 = tpu.memref_squeeze %get3A_232 : memref<1x50xi32, #tpu.memory_space<vmem>> -> memref<50xi32, #tpu.memory_space<vmem>>
      %get3A_234 = arith.constant 32 : index
      %get3A_235 = tpu.vector_load %get3A_233[%get3A_234] {strides = array<i32>} : memref<50xi32, #tpu.memory_space<vmem>>, vector<16xi32>,
      %mul3A_236 = arith.constant 5 : i32
      %mul3A_237 = vector.broadcast %mul3A_236 : i32 to vector<16xi32>
      %mul3A_238 = arith.muli %get3A_235, %mul3A_237 : vector<16xi32>
      %get3A_239 = arith.constant 0 : i32
      %get3A_240 = tpu.memref_slice %arg11[%scan3A_173, %get3A_239] : memref<128x50xi32, #tpu.memory_space<vmem>> -> memref<1x50xi32, #tpu.memory_space<vmem>>
      %get3A_241 = tpu.memref_squeeze %get3A_240 : memref<1x50xi32, #tpu.memory_space<vmem>> -> memref<50xi32, #tpu.memory_space<vmem>>
      %get3A_242 = arith.constant 32 : index
      %get3A_243 = tpu.vector_load %get3A_241[%get3A_242] {strides = array<i32>} : memref<50xi32, #tpu.memory_space<vmem>>, vector<16xi32>,
      %mul3A_244 = arith.constant 5 : i32
      %mul3A_245 = vector.broadcast %mul3A_244 : i32 to vector<16xi32>
      %mul3A_246 = arith.muli %get3A_243, %mul3A_245 : vector<16xi32>
      tpu.vector_store_idx %arg12[%add3A_230], %mul3A_238 : memref<6800xi32, #tpu.memory_space<vmem>>[vector<16xi32>], vector<16xi32>,
      tpu.vector_store_idx %arg13[%add3A_230], %mul3A_246 : memref<6800xi32, #tpu.memory_space<vmem>>[vector<16xi32>], vector<16xi32>,
      %add3A_247 = arith.constant 34 : i32
      %add3A_248 = arith.addi %mul3A_177, %add3A_247 : i32
      %mul3A_249 = arith.constant 17 : i32
      %mul3A_250 = arith.muli %add3A_248, %mul3A_249 : i32
      %add3A_251 = arith.addi %mul3A_250, %and3A_175 : i32
      %add3A_252 = vector.broadcast %add3A_251 : i32 to vector<16xi32>
      %add3A_253 = arith.addi %add3A_252, %mul3A_64 : vector<16xi32>
      %get3A_254 = arith.constant 0 : i32
      %get3A_255 = tpu.memref_slice %arg10[%scan3A_173, %get3A_254] : memref<128x50xi32, #tpu.memory_space<vmem>> -> memref<1x50xi32, #tpu.memory_space<vmem>>
      %get3A_256 = tpu.memref_squeeze %get3A_255 : memref<1x50xi32, #tpu.memory_space<vmem>> -> memref<50xi32, #tpu.memory_space<vmem>>
      %get3A_257 = arith.constant 34 : index
      %get3A_258 = tpu.vector_load %get3A_256[%get3A_257] {strides = array<i32>} : memref<50xi32, #tpu.memory_space<vmem>>, vector<16xi32>,
      %mul3A_259 = arith.constant 5 : i32
      %mul3A_260 = vector.broadcast %mul3A_259 : i32 to vector<16xi32>
      %mul3A_261 = arith.muli %get3A_258, %mul3A_260 : vector<16xi32>
      %get3A_262 = arith.constant 0 : i32
      %get3A_263 = tpu.memref_slice %arg11[%scan3A_173, %get3A_262] : memref<128x50xi32, #tpu.memory_space<vmem>> -> memref<1x50xi32, #tpu.memory_space<vmem>>
      %get3A_264 = tpu.memref_squeeze %get3A_263 : memref<1x50xi32, #tpu.memory_space<vmem>> -> memref<50xi32, #tpu.memory_space<vmem>>
      %get3A_265 = arith.constant 34 : index
      %get3A_266 = tpu.vector_load %get3A_264[%get3A_265] {strides = array<i32>} : memref<50xi32, #tpu.memory_space<vmem>>, vector<16xi32>,
      %mul3A_267 = arith.constant 5 : i32
      %mul3A_268 = vector.broadcast %mul3A_267 : i32 to vector<16xi32>
      %mul3A_269 = arith.muli %get3A_266, %mul3A_268 : vector<16xi32>
      tpu.vector_store_idx %arg12[%add3A_253], %mul3A_261 : memref<6800xi32, #tpu.memory_space<vmem>>[vector<16xi32>], vector<16xi32>,
      tpu.vector_store_idx %arg13[%add3A_253], %mul3A_269 : memref<6800xi32, #tpu.memory_space<vmem>>[vector<16xi32>], vector<16xi32>,
    }
    %scan3A_166 = arith.constant 128 : i32
    %scan3A_167 = arith.constant 0 : i32
    %scan3A_168 = arith.constant 0 : i32
    %scan3A_169 = arith.constant 8 : i32
    %scan3A_170 = arith.addi %scan3A_168, %scan3A_169 : i32
    %scan3A_171 = arith.constant 1 : i32
    scf.for %scan3A_173 = %scan3A_168 to %scan3A_170 step %scan3A_171  : i32 {
      %mul3A_174 = arith.constant 50 : i32
      %mul3A_175 = arith.muli %scan3A_173, %mul3A_174 : i32
      %scan3A_176 = arith.constant 0 : i32
      %scan3A_177 = arith.constant 50 : i32
      %scan3A_178 = arith.addi %scan3A_176, %scan3A_177 : i32
      %scan3A_179 = arith.constant 1 : i32
      %scan3A_180:16 = scf.for %scan3A_346 = %scan3A_176 to %scan3A_178 step %scan3A_179 iter_args(%scan3A_347 = %broadcast_in_dim3A_61, %scan3A_348 = %broadcast_in_dim3A_61, %scan3A_349 = %broadcast_in_dim3A_61, %scan3A_350 = %broadcast_in_dim3A_61, %scan3A_351 = %broadcast_in_dim3A_61, %scan3A_352 = %broadcast_in_dim3A_61, %scan3A_353 = %broadcast_in_dim3A_61, %scan3A_354 = %broadcast_in_dim3A_61, %scan3A_355 = %broadcast_in_dim3A_61, %scan3A_356 = %broadcast_in_dim3A_61, %scan3A_357 = %broadcast_in_dim3A_61, %scan3A_358 = %broadcast_in_dim3A_61, %scan3A_359 = %broadcast_in_dim3A_61, %scan3A_360 = %broadcast_in_dim3A_61, %scan3A_361 = %broadcast_in_dim3A_61, %scan3A_362 = %broadcast_in_dim3A_61) -> (vector<16xf32>, vector<16xf32>, vector<16xf32>, vector<16xf32>, vector<16xf32>, vector<16xf32>, vector<16xf32>, vector<16xf32>, vector<16xf32>, vector<16xf32>, vector<16xf32>, vector<16xf32>, vector<16xf32>, vector<16xf32>, vector<16xf32>, vector<16xf32>)  : i32 {
        %add3A_363 = arith.addi %mul3A_175, %scan3A_346 : i32
        %mul3A_364 = arith.constant 17 : i32
        %mul3A_365 = arith.muli %add3A_363, %mul3A_364 : i32
        %get3A_366 = arith.index_cast %mul3A_365 : i32 to index
        %get3A_367 = tpu.vector_load %arg12[%get3A_366] {strides = array<i32>} : memref<6800xi32, #tpu.memory_space<vmem>>, vector<16xi32>,
        %get3A_368 = arith.index_cast %mul3A_365 : i32 to index
        %get3A_369 = tpu.vector_load %arg13[%get3A_368] {strides = array<i32>} : memref<6800xi32, #tpu.memory_space<vmem>>, vector<16xi32>,
        %add3A_370 = arith.constant 0 : i32
        %add3A_371 = vector.broadcast %add3A_370 : i32 to vector<16xi32>
        %add3A_372 = arith.addi %get3A_367, %add3A_371 : vector<16xi32>
        %gather3A_373 = tpu.vector_load_idx %arg15[%add3A_372] : memref<11720xi32, #tpu.memory_space<vmem>>[vector<16xi32>], vector<16xi32>,
        %bitcast3A = vector.bitcast %gather3A_373 : vector<16xi32> to vector<32xbf16>
        %unpack3A = tpu.unpack_subelements %bitcast3A, 0 {pack_format = #tpu.pack_format<interleaved>} : vector<32xbf16> -> vector<16xf32>
        %unpack3A_374 = tpu.unpack_subelements %bitcast3A, 1 {pack_format = #tpu.pack_format<interleaved>} : vector<32xbf16> -> vector<16xf32>
        %add3A_375 = arith.constant 0 : i32
        %add3A_376 = vector.broadcast %add3A_375 : i32 to vector<16xi32>
        %add3A_377 = arith.addi %get3A_369, %add3A_376 : vector<16xi32>
        %gather3A_378 = tpu.vector_load_idx %arg15[%add3A_377] : memref<11720xi32, #tpu.memory_space<vmem>>[vector<16xi32>], vector<16xi32>,
        %bitcast3A_379 = vector.bitcast %gather3A_378 : vector<16xi32> to vector<32xbf16>
        %unpack3A_380 = tpu.unpack_subelements %bitcast3A_379, 0 {pack_format = #tpu.pack_format<interleaved>} : vector<32xbf16> -> vector<16xf32>
        %unpack3A_381 = tpu.unpack_subelements %bitcast3A_379, 1 {pack_format = #tpu.pack_format<interleaved>} : vector<32xbf16> -> vector<16xf32>
        %add3A_382 = arith.addf %scan3A_347, %unpack3A : vector<16xf32>
        %add3A_383 = arith.addf %scan3A_348, %unpack3A_374 : vector<16xf32>
        %add3A_384 = arith.addf %scan3A_355, %unpack3A_380 : vector<16xf32>
        %add3A_385 = arith.addf %scan3A_356, %unpack3A_381 : vector<16xf32>
        %add3A_386 = arith.constant 1 : i32
        %add3A_387 = vector.broadcast %add3A_386 : i32 to vector<16xi32>
        %add3A_388 = arith.addi %get3A_367, %add3A_387 : vector<16xi32>
        %gather3A_389 = tpu.vector_load_idx %arg15[%add3A_388] : memref<11720xi32, #tpu.memory_space<vmem>>[vector<16xi32>], vector<16xi32>,
        %bitcast3A_390 = vector.bitcast %gather3A_389 : vector<16xi32> to vector<32xbf16>
        %unpack3A_391 = tpu.unpack_subelements %bitcast3A_390, 0 {pack_format = #tpu.pack_format<interleaved>} : vector<32xbf16> -> vector<16xf32>
        %unpack3A_392 = tpu.unpack_subelements %bitcast3A_390, 1 {pack_format = #tpu.pack_format<interleaved>} : vector<32xbf16> -> vector<16xf32>
        %add3A_393 = arith.constant 1 : i32
        %add3A_394 = vector.broadcast %add3A_393 : i32 to vector<16xi32>
        %add3A_395 = arith.addi %get3A_369, %add3A_394 : vector<16xi32>
        %gather3A_396 = tpu.vector_load_idx %arg15[%add3A_395] : memref<11720xi32, #tpu.memory_space<vmem>>[vector<16xi32>], vector<16xi32>,
        %bitcast3A_397 = vector.bitcast %gather3A_396 : vector<16xi32> to vector<32xbf16>
        %unpack3A_398 = tpu.unpack_subelements %bitcast3A_397, 0 {pack_format = #tpu.pack_format<interleaved>} : vector<32xbf16> -> vector<16xf32>
        %unpack3A_399 = tpu.unpack_subelements %bitcast3A_397, 1 {pack_format = #tpu.pack_format<interleaved>} : vector<32xbf16> -> vector<16xf32>
        %add3A_400 = arith.addf %scan3A_349, %unpack3A_391 : vector<16xf32>
        %add3A_401 = arith.addf %scan3A_350, %unpack3A_392 : vector<16xf32>
        %add3A_402 = arith.addf %scan3A_357, %unpack3A_398 : vector<16xf32>
        %add3A_403 = arith.addf %scan3A_358, %unpack3A_399 : vector<16xf32>
        %add3A_404 = arith.constant 2 : i32
        %add3A_405 = vector.broadcast %add3A_404 : i32 to vector<16xi32>
        %add3A_406 = arith.addi %get3A_367, %add3A_405 : vector<16xi32>
        %gather3A_407 = tpu.vector_load_idx %arg15[%add3A_406] : memref<11720xi32, #tpu.memory_space<vmem>>[vector<16xi32>], vector<16xi32>,
        %bitcast3A_408 = vector.bitcast %gather3A_407 : vector<16xi32> to vector<32xbf16>
        %unpack3A_409 = tpu.unpack_subelements %bitcast3A_408, 0 {pack_format = #tpu.pack_format<interleaved>} : vector<32xbf16> -> vector<16xf32>
        %unpack3A_410 = tpu.unpack_subelements %bitcast3A_408, 1 {pack_format = #tpu.pack_format<interleaved>} : vector<32xbf16> -> vector<16xf32>
        %add3A_411 = arith.constant 2 : i32
        %add3A_412 = vector.broadcast %add3A_411 : i32 to vector<16xi32>
        %add3A_413 = arith.addi %get3A_369, %add3A_412 : vector<16xi32>
        %gather3A_414 = tpu.vector_load_idx %arg15[%add3A_413] : memref<11720xi32, #tpu.memory_space<vmem>>[vector<16xi32>], vector<16xi32>,
        %bitcast3A_415 = vector.bitcast %gather3A_414 : vector<16xi32> to vector<32xbf16>
        %unpack3A_416 = tpu.unpack_subelements %bitcast3A_415, 0 {pack_format = #tpu.pack_format<interleaved>} : vector<32xbf16> -> vector<16xf32>
        %unpack3A_417 = tpu.unpack_subelements %bitcast3A_415, 1 {pack_format = #tpu.pack_format<interleaved>} : vector<32xbf16> -> vector<16xf32>
        %add3A_418 = arith.addf %scan3A_351, %unpack3A_409 : vector<16xf32>
        %add3A_419 = arith.addf %scan3A_352, %unpack3A_410 : vector<16xf32>
        %add3A_420 = arith.addf %scan3A_359, %unpack3A_416 : vector<16xf32>
        %add3A_421 = arith.addf %scan3A_360, %unpack3A_417 : vector<16xf32>
        %add3A_422 = arith.constant 3 : i32
        %add3A_423 = vector.broadcast %add3A_422 : i32 to vector<16xi32>
        %add3A_424 = arith.addi %get3A_367, %add3A_423 : vector<16xi32>
        %gather3A_425 = tpu.vector_load_idx %arg15[%add3A_424] : memref<11720xi32, #tpu.memory_space<vmem>>[vector<16xi32>], vector<16xi32>,
        %bitcast3A_426 = vector.bitcast %gather3A_425 : vector<16xi32> to vector<32xbf16>
        %unpack3A_427 = tpu.unpack_subelements %bitcast3A_426, 0 {pack_format = #tpu.pack_format<interleaved>} : vector<32xbf16> -> vector<16xf32>
        %unpack3A_428 = tpu.unpack_subelements %bitcast3A_426, 1 {pack_format = #tpu.pack_format<interleaved>} : vector<32xbf16> -> vector<16xf32>
        %add3A_429 = arith.constant 3 : i32
        %add3A_430 = vector.broadcast %add3A_429 : i32 to vector<16xi32>
        %add3A_431 = arith.addi %get3A_369, %add3A_430 : vector<16xi32>
        %gather3A_432 = tpu.vector_load_idx %arg15[%add3A_431] : memref<11720xi32, #tpu.memory_space<vmem>>[vector<16xi32>], vector<16xi32>,
        %bitcast3A_433 = vector.bitcast %gather3A_432 : vector<16xi32> to vector<32xbf16>
        %unpack3A_434 = tpu.unpack_subelements %bitcast3A_433, 0 {pack_format = #tpu.pack_format<interleaved>} : vector<32xbf16> -> vector<16xf32>
        %unpack3A_435 = tpu.unpack_subelements %bitcast3A_433, 1 {pack_format = #tpu.pack_format<interleaved>} : vector<32xbf16> -> vector<16xf32>
        %add3A_436 = arith.addf %scan3A_353, %unpack3A_427 : vector<16xf32>
        %add3A_437 = arith.addf %scan3A_354, %unpack3A_428 : vector<16xf32>
        %add3A_438 = arith.addf %scan3A_361, %unpack3A_434 : vector<16xf32>
        %add3A_439 = arith.addf %scan3A_362, %unpack3A_435 : vector<16xf32>
        scf.yield %add3A_382, %add3A_383, %add3A_400, %add3A_401, %add3A_418, %add3A_419, %add3A_436, %add3A_437, %add3A_384, %add3A_385, %add3A_402, %add3A_403, %add3A_420, %add3A_421, %add3A_438, %add3A_439 : vector<16xf32>, vector<16xf32>, vector<16xf32>, vector<16xf32>, vector<16xf32>, vector<16xf32>, vector<16xf32>, vector<16xf32>, vector<16xf32>, vector<16xf32>, vector<16xf32>, vector<16xf32>, vector<16xf32>, vector<16xf32>, vector<16xf32>, vector<16xf32>
      }
      %scan3A_181 = arith.constant 50 : i32
      %mul3A_182 = arith.constant 16 : i32
      %mul3A_183 = arith.muli %scan3A_173, %mul3A_182 : i32
      %add3A_184 = arith.constant 384 : i32
      %add3A_185 = arith.addi %add3A_184, %mul3A_183 : i32
      %add3A_186 = vector.broadcast %add3A_185 : i32 to vector<16xi32>
      %add3A_187 = arith.addi %add3A_186, %iota3A : vector<16xi32>
      %gather3A = tpu.vector_load_idx %arg14[%add3A_187] : memref<512xi32, #tpu.memory_space<vmem>>[vector<16xi32>], vector<16xi32>,
      %eq3A = arith.constant 0 : i32
      %eq3A_188 = vector.broadcast %eq3A : i32 to vector<16xi32>
      %eq3A_189 = arith.cmpi eq, %gather3A, %eq3A_188 : vector<16xi32>
      %select_n3A = arith.select %eq3A_189, %get3A_28, %get3A_44 : vector<16xi1>, vector<16xf32>
      %select_n3A_190 = arith.select %eq3A_189, %get3A_44, %get3A_28 : vector<16xi1>, vector<16xf32>
      %add3A_191 = arith.addf %scan3A_180#0, %get3A_12 : vector<16xf32>
      %jit3A = arith.constant 0.000000e+00 : f32
      %jit3A_192 = arith.constant 1.000000e+00 : f32
      %max3A = vector.broadcast %jit3A : f32 to vector<16xf32>
      %max3A_193 = arith.maximumf %max3A, %add3A_191 : vector<16xf32>
      %min3A = vector.broadcast %jit3A_192 : f32 to vector<16xf32>
      %min3A_194 = arith.minimumf %min3A, %max3A_193 : vector<16xf32>
      %add3A_195 = arith.addf %scan3A_180#8, %get3A_12 : vector<16xf32>
      %jit3A_196 = arith.constant 0.000000e+00 : f32
      %jit3A_197 = arith.constant 1.000000e+00 : f32
      %max3A_198 = vector.broadcast %jit3A_196 : f32 to vector<16xf32>
      %max3A_199 = arith.maximumf %max3A_198, %add3A_195 : vector<16xf32>
      %min3A_200 = vector.broadcast %jit3A_197 : f32 to vector<16xf32>
      %min3A_201 = arith.minimumf %min3A_200, %max3A_199 : vector<16xf32>
      %mul3A_202 = arith.mulf %select_n3A, %min3A_194 : vector<16xf32>
      %add3A_203 = arith.addf %get3A_60, %mul3A_202 : vector<16xf32>
      %mul3A_204 = arith.mulf %select_n3A_190, %min3A_201 : vector<16xf32>
      %add3A_205 = arith.addf %add3A_203, %mul3A_204 : vector<16xf32>
      %select_n3A_206 = arith.select %eq3A_189, %get3A_30, %get3A_46 : vector<16xi1>, vector<16xf32>
      %select_n3A_207 = arith.select %eq3A_189, %get3A_46, %get3A_30 : vector<16xi1>, vector<16xf32>
      %add3A_208 = arith.addf %scan3A_180#1, %get3A_14 : vector<16xf32>
      %jit3A_209 = arith.constant 0.000000e+00 : f32
      %jit3A_210 = arith.constant 1.000000e+00 : f32
      %max3A_211 = vector.broadcast %jit3A_209 : f32 to vector<16xf32>
      %max3A_212 = arith.maximumf %max3A_211, %add3A_208 : vector<16xf32>
      %min3A_213 = vector.broadcast %jit3A_210 : f32 to vector<16xf32>
      %min3A_214 = arith.minimumf %min3A_213, %max3A_212 : vector<16xf32>
      %add3A_215 = arith.addf %scan3A_180#9, %get3A_14 : vector<16xf32>
      %jit3A_216 = arith.constant 0.000000e+00 : f32
      %jit3A_217 = arith.constant 1.000000e+00 : f32
      %max3A_218 = vector.broadcast %jit3A_216 : f32 to vector<16xf32>
      %max3A_219 = arith.maximumf %max3A_218, %add3A_215 : vector<16xf32>
      %min3A_220 = vector.broadcast %jit3A_217 : f32 to vector<16xf32>
      %min3A_221 = arith.minimumf %min3A_220, %max3A_219 : vector<16xf32>
      %mul3A_222 = arith.mulf %select_n3A_206, %min3A_214 : vector<16xf32>
      %add3A_223 = arith.addf %add3A_205, %mul3A_222 : vector<16xf32>
      %mul3A_224 = arith.mulf %select_n3A_207, %min3A_221 : vector<16xf32>
      %add3A_225 = arith.addf %add3A_223, %mul3A_224 : vector<16xf32>
      %select_n3A_226 = arith.select %eq3A_189, %get3A_32, %get3A_48 : vector<16xi1>, vector<16xf32>
      %select_n3A_227 = arith.select %eq3A_189, %get3A_48, %get3A_32 : vector<16xi1>, vector<16xf32>
      %add3A_228 = arith.addf %scan3A_180#2, %get3A_16 : vector<16xf32>
      %jit3A_229 = arith.constant 0.000000e+00 : f32
      %jit3A_230 = arith.constant 1.000000e+00 : f32
      %max3A_231 = vector.broadcast %jit3A_229 : f32 to vector<16xf32>
      %max3A_232 = arith.maximumf %max3A_231, %add3A_228 : vector<16xf32>
      %min3A_233 = vector.broadcast %jit3A_230 : f32 to vector<16xf32>
      %min3A_234 = arith.minimumf %min3A_233, %max3A_232 : vector<16xf32>
      %add3A_235 = arith.addf %scan3A_180#10, %get3A_16 : vector<16xf32>
      %jit3A_236 = arith.constant 0.000000e+00 : f32
      %jit3A_237 = arith.constant 1.000000e+00 : f32
      %max3A_238 = vector.broadcast %jit3A_236 : f32 to vector<16xf32>
      %max3A_239 = arith.maximumf %max3A_238, %add3A_235 : vector<16xf32>
      %min3A_240 = vector.broadcast %jit3A_237 : f32 to vector<16xf32>
      %min3A_241 = arith.minimumf %min3A_240, %max3A_239 : vector<16xf32>
      %mul3A_242 = arith.mulf %select_n3A_226, %min3A_234 : vector<16xf32>
      %add3A_243 = arith.addf %add3A_225, %mul3A_242 : vector<16xf32>
      %mul3A_244 = arith.mulf %select_n3A_227, %min3A_241 : vector<16xf32>
      %add3A_245 = arith.addf %add3A_243, %mul3A_244 : vector<16xf32>
      %select_n3A_246 = arith.select %eq3A_189, %get3A_34, %get3A_50 : vector<16xi1>, vector<16xf32>
      %select_n3A_247 = arith.select %eq3A_189, %get3A_50, %get3A_34 : vector<16xi1>, vector<16xf32>
      %add3A_248 = arith.addf %scan3A_180#3, %get3A_18 : vector<16xf32>
      %jit3A_249 = arith.constant 0.000000e+00 : f32
      %jit3A_250 = arith.constant 1.000000e+00 : f32
      %max3A_251 = vector.broadcast %jit3A_249 : f32 to vector<16xf32>
      %max3A_252 = arith.maximumf %max3A_251, %add3A_248 : vector<16xf32>
      %min3A_253 = vector.broadcast %jit3A_250 : f32 to vector<16xf32>
      %min3A_254 = arith.minimumf %min3A_253, %max3A_252 : vector<16xf32>
      %add3A_255 = arith.addf %scan3A_180#11, %get3A_18 : vector<16xf32>
      %jit3A_256 = arith.constant 0.000000e+00 : f32
      %jit3A_257 = arith.constant 1.000000e+00 : f32
      %max3A_258 = vector.broadcast %jit3A_256 : f32 to vector<16xf32>
      %max3A_259 = arith.maximumf %max3A_258, %add3A_255 : vector<16xf32>
      %min3A_260 = vector.broadcast %jit3A_257 : f32 to vector<16xf32>
      %min3A_261 = arith.minimumf %min3A_260, %max3A_259 : vector<16xf32>
      %mul3A_262 = arith.mulf %select_n3A_246, %min3A_254 : vector<16xf32>
      %add3A_263 = arith.addf %add3A_245, %mul3A_262 : vector<16xf32>
      %mul3A_264 = arith.mulf %select_n3A_247, %min3A_261 : vector<16xf32>
      %add3A_265 = arith.addf %add3A_263, %mul3A_264 : vector<16xf32>
      %select_n3A_266 = arith.select %eq3A_189, %get3A_36, %get3A_52 : vector<16xi1>, vector<16xf32>
      %select_n3A_267 = arith.select %eq3A_189, %get3A_52, %get3A_36 : vector<16xi1>, vector<16xf32>
      %add3A_268 = arith.addf %scan3A_180#4, %get3A_20 : vector<16xf32>
      %jit3A_269 = arith.constant 0.000000e+00 : f32
      %jit3A_270 = arith.constant 1.000000e+00 : f32
      %max3A_271 = vector.broadcast %jit3A_269 : f32 to vector<16xf32>
      %max3A_272 = arith.maximumf %max3A_271, %add3A_268 : vector<16xf32>
      %min3A_273 = vector.broadcast %jit3A_270 : f32 to vector<16xf32>
      %min3A_274 = arith.minimumf %min3A_273, %max3A_272 : vector<16xf32>
      %add3A_275 = arith.addf %scan3A_180#12, %get3A_20 : vector<16xf32>
      %jit3A_276 = arith.constant 0.000000e+00 : f32
      %jit3A_277 = arith.constant 1.000000e+00 : f32
      %max3A_278 = vector.broadcast %jit3A_276 : f32 to vector<16xf32>
      %max3A_279 = arith.maximumf %max3A_278, %add3A_275 : vector<16xf32>
      %min3A_280 = vector.broadcast %jit3A_277 : f32 to vector<16xf32>
      %min3A_281 = arith.minimumf %min3A_280, %max3A_279 : vector<16xf32>
      %mul3A_282 = arith.mulf %select_n3A_266, %min3A_274 : vector<16xf32>
      %add3A_283 = arith.addf %add3A_265, %mul3A_282 : vector<16xf32>
      %mul3A_284 = arith.mulf %select_n3A_267, %min3A_281 : vector<16xf32>
      %add3A_285 = arith.addf %add3A_283, %mul3A_284 : vector<16xf32>
      %select_n3A_286 = arith.select %eq3A_189, %get3A_38, %get3A_54 : vector<16xi1>, vector<16xf32>
      %select_n3A_287 = arith.select %eq3A_189, %get3A_54, %get3A_38 : vector<16xi1>, vector<16xf32>
      %add3A_288 = arith.addf %scan3A_180#5, %get3A_22 : vector<16xf32>
      %jit3A_289 = arith.constant 0.000000e+00 : f32
      %jit3A_290 = arith.constant 1.000000e+00 : f32
      %max3A_291 = vector.broadcast %jit3A_289 : f32 to vector<16xf32>
      %max3A_292 = arith.maximumf %max3A_291, %add3A_288 : vector<16xf32>
      %min3A_293 = vector.broadcast %jit3A_290 : f32 to vector<16xf32>
      %min3A_294 = arith.minimumf %min3A_293, %max3A_292 : vector<16xf32>
      %add3A_295 = arith.addf %scan3A_180#13, %get3A_22 : vector<16xf32>
      %jit3A_296 = arith.constant 0.000000e+00 : f32
      %jit3A_297 = arith.constant 1.000000e+00 : f32
      %max3A_298 = vector.broadcast %jit3A_296 : f32 to vector<16xf32>
      %max3A_299 = arith.maximumf %max3A_298, %add3A_295 : vector<16xf32>
      %min3A_300 = vector.broadcast %jit3A_297 : f32 to vector<16xf32>
      %min3A_301 = arith.minimumf %min3A_300, %max3A_299 : vector<16xf32>
      %mul3A_302 = arith.mulf %select_n3A_286, %min3A_294 : vector<16xf32>
      %add3A_303 = arith.addf %add3A_285, %mul3A_302 : vector<16xf32>
      %mul3A_304 = arith.mulf %select_n3A_287, %min3A_301 : vector<16xf32>
      %add3A_305 = arith.addf %add3A_303, %mul3A_304 : vector<16xf32>
      %select_n3A_306 = arith.select %eq3A_189, %get3A_40, %get3A_56 : vector<16xi1>, vector<16xf32>
      %select_n3A_307 = arith.select %eq3A_189, %get3A_56, %get3A_40 : vector<16xi1>, vector<16xf32>
      %add3A_308 = arith.addf %scan3A_180#6, %get3A_24 : vector<16xf32>
      %jit3A_309 = arith.constant 0.000000e+00 : f32
      %jit3A_310 = arith.constant 1.000000e+00 : f32
      %max3A_311 = vector.broadcast %jit3A_309 : f32 to vector<16xf32>
      %max3A_312 = arith.maximumf %max3A_311, %add3A_308 : vector<16xf32>
      %min3A_313 = vector.broadcast %jit3A_310 : f32 to vector<16xf32>
      %min3A_314 = arith.minimumf %min3A_313, %max3A_312 : vector<16xf32>
      %add3A_315 = arith.addf %scan3A_180#14, %get3A_24 : vector<16xf32>
      %jit3A_316 = arith.constant 0.000000e+00 : f32
      %jit3A_317 = arith.constant 1.000000e+00 : f32
      %max3A_318 = vector.broadcast %jit3A_316 : f32 to vector<16xf32>
      %max3A_319 = arith.maximumf %max3A_318, %add3A_315 : vector<16xf32>
      %min3A_320 = vector.broadcast %jit3A_317 : f32 to vector<16xf32>
      %min3A_321 = arith.minimumf %min3A_320, %max3A_319 : vector<16xf32>
      %mul3A_322 = arith.mulf %select_n3A_306, %min3A_314 : vector<16xf32>
      %add3A_323 = arith.addf %add3A_305, %mul3A_322 : vector<16xf32>
      %mul3A_324 = arith.mulf %select_n3A_307, %min3A_321 : vector<16xf32>
      %add3A_325 = arith.addf %add3A_323, %mul3A_324 : vector<16xf32>
      %select_n3A_326 = arith.select %eq3A_189, %get3A_42, %get3A_58 : vector<16xi1>, vector<16xf32>
      %select_n3A_327 = arith.select %eq3A_189, %get3A_58, %get3A_42 : vector<16xi1>, vector<16xf32>
      %add3A_328 = arith.addf %scan3A_180#7, %get3A_26 : vector<16xf32>
      %jit3A_329 = arith.constant 0.000000e+00 : f32
      %jit3A_330 = arith.constant 1.000000e+00 : f32
      %max3A_331 = vector.broadcast %jit3A_329 : f32 to vector<16xf32>
      %max3A_332 = arith.maximumf %max3A_331, %add3A_328 : vector<16xf32>
      %min3A_333 = vector.broadcast %jit3A_330 : f32 to vector<16xf32>
      %min3A_334 = arith.minimumf %min3A_333, %max3A_332 : vector<16xf32>
      %add3A_335 = arith.addf %scan3A_180#15, %get3A_26 : vector<16xf32>
      %jit3A_336 = arith.constant 0.000000e+00 : f32
      %jit3A_337 = arith.constant 1.000000e+00 : f32
      %max3A_338 = vector.broadcast %jit3A_336 : f32 to vector<16xf32>
      %max3A_339 = arith.maximumf %max3A_338, %add3A_335 : vector<16xf32>
      %min3A_340 = vector.broadcast %jit3A_337 : f32 to vector<16xf32>
      %min3A_341 = arith.minimumf %min3A_340, %max3A_339 : vector<16xf32>
      %mul3A_342 = arith.mulf %select_n3A_326, %min3A_334 : vector<16xf32>
      %add3A_343 = arith.addf %add3A_325, %mul3A_342 : vector<16xf32>
      %mul3A_344 = arith.mulf %select_n3A_327, %min3A_341 : vector<16xf32>
      %add3A_345 = arith.addf %add3A_343, %mul3A_344 : vector<16xf32>
      tpu.vector_store_idx %arg17[%add3A_187], %add3A_345 : memref<512xf32, #tpu.memory_space<vmem>>[vector<16xi32>], vector<16xf32>,
    }
    %scan3A_172 = arith.constant 8 : i32
    "tpu.region"() ({
      %run_scoped3A = tpu.sem_alloc : memref<!tpu.dma_semaphore, #tpu.memory_space<semaphore_mem>>
      %dma_start3A_173 = tpu.memref_slice %arg7[%mul3A_2] : memref<16384xf32, #tpu.memory_space<hbm>> -> memref<512xf32, #tpu.memory_space<hbm>>
      %dma_start3A_174 = tpu.memref_slice %arg7[%mul3A_2] : memref<16384xf32, #tpu.memory_space<hbm>> -> memref<512xf32, #tpu.memory_space<hbm>>
      tpu.enqueue_dma source(%arg17 : memref<512xf32, #tpu.memory_space<vmem>>) target(%dma_start3A_174 : memref<512xf32, #tpu.memory_space<hbm>>) target_semaphore(%run_scoped3A : memref<!tpu.dma_semaphore, #tpu.memory_space<semaphore_mem>>)
      %dma_wait3A_175 = tpu.memref_slice %arg7[%mul3A_2] : memref<16384xf32, #tpu.memory_space<hbm>> -> memref<512xf32, #tpu.memory_space<hbm>>
      %dma_wait3A_176 = tpu.memref_slice %arg7[%mul3A_2] : memref<16384xf32, #tpu.memory_space<hbm>> -> memref<512xf32, #tpu.memory_space<hbm>>
      tpu.wait_dma2 semaphore(%run_scoped3A : memref<!tpu.dma_semaphore, #tpu.memory_space<semaphore_mem>>) src(%arg17 : memref<512xf32, #tpu.memory_space<vmem>>) dst(%dma_wait3A_176 : memref<512xf32, #tpu.memory_space<hbm>>)
      tpu.yield
    }) : () -> ()
    return
  }
}

</mosaic_0001>

<sc_bundles>
// kernel: kernel.3.cloned.1.call-start
scs
__scs_entry_jumppad:
0x0: {  	(pc) =	sbr.rel $0x88, $3  }
0x1: {  	(tag) =	ssettag $0x0;
	lr =	simm.s32 $0x1  }
0x2: {  	[smem:$0x3F9A] =	sst lr;
	_ =	strace $0xD0000000  }
0x3: {  	_ = 	snop  }
0x4: {  	_ = 	snop  }
0x5: {  	_ = 	snop  }
0x6: {  	_ = 	snop  }
0x7: {  	_ = 	snop  }
__scs_overlays_trampoline_lowered:
0x8: {  	[smem:$0x3FA9] =	sst s0  }
0x9: {  	[smem:$0x3FAA] =	sst s1  }
0xa: {  	[smem:$0x3FAB] =	sst s2  }
0xb: {  	[smem:$0x3FAC] =	sst s3  }
0xc: {  	[smem:$0x3FAD] =	sst s4  }
0xd: {  	[smem:$0x3FAE] =	sst s5  }
0xe: {  	[smem:$0x3FAF] =	sst s6  }
0xf: {  	[smem:$0x3FB0] =	sst s7  }
0x10: {  	[smem:$0x3FB1] =	sst s8  }
0x11: {  	[smem:$0x3FB2] =	sst s9;
	s0 =	simm.s32 @!p0 $0x0  }
0x12: {  	s1 =	sld [smem:$0x3F98];
	s0 =	simm.s32 @p0 $0x1  }
0x13: {  	[smem:$0x3FB3] =	sst s0;
	s0 =	simm.s32 @!p1 $0x0  }
0x14: {  	s2 =	sld [smem:$0x3F97];
	s0 =	simm.s32 @p1 $0x1  }
0x15: {  	[smem:$0x3FB4] =	sst s0;
	s0 =	simm.s32 @!p2 $0x0  }
0x16: {  	s3 =	sld [smem:$0x3FDB];
	s0 =	simm.s32 @p2 $0x1  }
0x17: {  	s4 =	simm.s32 $0x1BF5;
	[smem:$0x3FB6] =	sst s0  }
0x18: {  	s0 =	sld [smem:$0x3F99];
	_ =	swait.ge [sflag:s4], $0x0  }
0x19: {  	s7 =	sld [smem:$0x3F9A]  }
0x1a: {  	s8 =	sadd.s32 $0xFFFFE003, lr  }
0x1b: {  	s9 =	sadd.s32 $0xFFFFFEF7, lr;
	s5 =	simm.s32 $0xFFFFFFFF;
	p2 =	slt.u32 s8, $0xFFFFF086  }
0x1c: {  	p1 =	slt.u32 s9, $0xF7A;
	s5 =	simm.s32 @!p2 $0x0  }
0x1d: {  	s5 =	simm.s32 @p1 $0x1;
	p0 =	seq.s32 s7, s2  }
0x1e: {  	s7 =	smul.u32 @!p0 $0xF7A, s2;
	p2 =	seq.s32 @!p0 s5, $0x0  }
0x1f: {  	s9 =	smul.u32 $0xF7A, s1;
	s8 =	simm.s32 @!p0 $0x1BF5;
	p2 =	por !p2, p0  }
0x20: {  	[sflag:s8] =	ssyncset.s32 @!p0 $0xFFFFF086;
	s6 =	sadd.s32 @!p0 s3, s7;
	s7 =	simm.s32 @!p0 $0x108  }
0x21: {  	s3 =	sadd.s32 s3, s9;
	s6 =	sadd.s32 @!p0 $0x88, s6;
	s7 =	simm.s32 @p2 $0x1082  }
0x22: {  	[simem:s7], [sflag:s8] =	dma.local @!p0 [hbm:s6], $0xF7A  }
0x23: {  	s9 =	sor.u32 $0xD0000000, s2;
	s6 =	simm.s32 $0x108;
	_ =	swait.ge @!p0 [sflag:s8], $0x0  }
0x24: {  	s3 =	sadd.s32 $0x88, s3;
	s6 =	simm.s32 @!p1 $0x1082;
	[sflag:s4] =	ssyncset.s32 $0xFFFFF086  }
0x25: {  	[simem:s6], [sflag:s4] =	dma.local [hbm:s3], $0xF7A  }
0x26: {  	[smem:$0x3F9A] =	sst s1;
	(tag) =	ssettag s2;
	_ =	strace s9  }
0x27: {  	s1 =	sld [smem:$0x3FAA]  }
0x28: {  	s2 =	sld [smem:$0x3FAB]  }
0x29: {  	s4 =	sld [smem:$0x3FAD]  }
0x2a: {  	p0 =	seq.s32 s5, $0x0;
	s5 =	sld [smem:$0x3FAE]  }
0x2b: {  	s6 =	sld [smem:$0x3FAF]  }
0x2c: {  	s7 =	sld [smem:$0x3FB0]  }
0x2d: {  	s3 =	simm.s32 $0x108;
	s8 =	sld [smem:$0x3FB1]  }
0x2e: {  	s3 =	simm.s32 @!p0 $0x1082;
	s9 =	sld [smem:$0x3FB2]  }
0x2f: {  	lr =	sadd.s32 s0, s3;
	s0 =	sld [smem:$0x3FA9]  }
0x30: {  	s3 =	sld [smem:$0x3FAC]  }
0x31: {  	[smem:$0x3FB5] =	sst s10  }
0x32: {  	s10 =	sld [smem:$0x3FB3];
	_ =	sdelay $0x3  }
0x33: {  	p0 =	seq.s32 s10, $0x1;
	s10 =	sld [smem:$0x3FB5];
	_ =	sdelay $0x3  }
0x34: {  	[smem:$0x3FB5] =	sst s10  }
0x35: {  	s10 =	sld [smem:$0x3FB4];
	_ =	sdelay $0x3  }
0x36: {  	p1 =	seq.s32 s10, $0x1;
	s10 =	sld [smem:$0x3FB5];
	_ =	sdelay $0x3  }
0x37: {  	[smem:$0x3FB5] =	sst s10  }
0x38: {  	s10 =	sld [smem:$0x3FB6]  }
0x39: {  	_ = 	snop;
	(pc) =	sbr.ind lr, $3  }
0x3a: {  	_ = 	snop  }
0x3b: {  	_ = 	snop  }
0x3c: {  	p2 =	seq.s32 s10, $0x1;
	s10 =	sld [smem:$0x3FB5]  }
0x3d: {  	_ =	shalt  }
0x3e: {  	_ =	shalt  }
0x3f: {  	_ =	shalt  }
0x40: {  	_ =	shalt  }
0x41: {  	_ =	shalt  }
0x42: {  	_ =	shalt  }
0x43: {  	_ =	shalt  }
0x44: {  	_ =	shalt  }
0x45: {  	_ =	shalt  }
0x46: {  	_ =	shalt  }
0x47: {  	_ =	shalt  }
0x48: {  	_ =	shalt  }
0x49: {  	_ =	shalt  }
0x4a: {  	_ =	shalt  }
0x4b: {  	_ =	shalt  }
0x4c: {  	_ =	shalt  }
0x4d: {  	_ =	shalt  }
0x4e: {  	_ =	shalt  }
0x4f: {  	_ =	shalt  }
0x50: {  	_ =	shalt  }
0x51: {  	_ =	shalt  }
0x52: {  	_ =	shalt  }
0x53: {  	_ =	shalt  }
0x54: {  	_ =	shalt  }
0x55: {  	_ =	shalt  }
0x56: {  	_ =	shalt  }
0x57: {  	_ =	shalt  }
0x58: {  	_ =	shalt  }
0x59: {  	_ =	shalt  }
0x5a: {  	_ =	shalt  }
0x5b: {  	_ =	shalt  }
0x5c: {  	_ =	shalt  }
0x5d: {  	_ =	shalt  }
0x5e: {  	_ =	shalt  }
0x5f: {  	_ =	shalt  }
0x60: {  	_ =	shalt  }
0x61: {  	_ =	shalt  }
0x62: {  	_ =	shalt  }
0x63: {  	_ =	shalt  }
0x64: {  	_ =	shalt  }
0x65: {  	_ =	shalt  }
0x66: {  	_ =	shalt  }
0x67: {  	_ =	shalt  }
0x68: {  	_ =	shalt  }
0x69: {  	_ =	shalt  }
0x6a: {  	_ =	shalt  }
0x6b: {  	_ =	shalt  }
0x6c: {  	_ =	shalt  }
0x6d: {  	_ =	shalt  }
0x6e: {  	_ =	shalt  }
0x6f: {  	_ =	shalt  }
0x70: {  	_ =	shalt  }
0x71: {  	_ =	shalt  }
0x72: {  	_ =	shalt  }
0x73: {  	_ =	shalt  }
0x74: {  	_ =	shalt  }
0x75: {  	_ =	shalt  }
0x76: {  	_ =	shalt  }
0x77: {  	_ =	shalt  }
0x78: {  	_ =	shalt  }
0x79: {  	_ =	shalt  }
0x7a: {  	_ =	shalt  }
0x7b: {  	_ =	shalt  }
0x7c: {  	_ =	shalt  }
0x7d: {  	_ =	shalt  }
0x7e: {  	_ =	shalt  }
0x7f: {  	_ =	shalt  }
0x80: {  	_ =	shalt  }
0x81: {  	_ =	shalt  }
0x82: {  	_ =	shalt  }
0x83: {  	_ =	shalt  }
0x84: {  	_ =	shalt  }
0x85: {  	_ =	shalt  }
0x86: {  	_ =	shalt  }
0x87: {  	_ =	shalt  }
.Lfunc_end0:
.L_simem_size_0:
called_computation_lowered:
.L_overlay_start_0:
0x88: {  	s2 =	sld [smem:$0x3FD9]  }
0x89: {  	s3 =	sld [smem:$0x3FFE];
	_ =	sdelay $0x1  }
0x8a: {  	s1 =	srdreg.scid  }
0x8b: {  	s0 =	sand.u32 $0x1, s1  }
0x8c: {  	s17 =	sshll.u32 s0, $0xA;
	s2 =	sadd.s32 s3, s2  }
0x8d: {  	s2 =	sadd.s32 s2, s17  }
0x8e: {  	[smem:$0x3FC1] =	sst s2  }
0x8f: {  	_ = 	snop  }
0x90: {  	s2 =	sld [smem:$0x3FC7]  }
0x91: {  	s18 =	sld [smem:$0x3FD0];
	(tm) =	ssettm $0x1  }
0x92: {  	s4 =	sld [smem:$0x3FFB];
	_ =	sdelay $0x3  }
0x93: {  	_ =	strace s4  }
0x94: {  	s4 =	sld [smem:$0x3FFC];
	_ =	sdelay $0x3  }
0x95: {  	_ =	strace s4  }
0x96: {  	s4 =	sld [smem:$0x3FFD];
	_ =	sdelay $0x3  }
0x97: {  	_ =	strace s4  }
0x98: {  	_ =	strace $0x8FFFFFFF  }
0x99: {  	s19 =	sld [smem:$0x3FDB];
	_ =	sdelay $0x1  }
0x9a: {  	s5 =	simm.s32 $_scs_section_size  }
0x9b: {  	s6 =	simm.s32 $_size__tile_overlayer_lowered;
	s7 =	simm.s32 $_tile_overlayer_lowered  }
0x9c: {  	s22 =	simm.s32 $0x1BFF;
	s21 =	sshll.u32 s7, $0x1;
	s4 =	sadd.s32 s5, s19  }
0x9d: {  	s8 =	simm.s32 $0x0;
	s20 =	sshll.u32 s6, $0x1;
	s6 =	sadd.s32 s21, s4  }
0x9e: {  	[timem:s8], [sflag:s22] =	dma.local [hbm:s6], s20  }
0x9f: {  	_ =	swait.ge [sflag:s22], s20  }
0xa0: {  	s5 =	ssub.s32 $0x0, s20;
	[sflag:s22] =	ssyncset.done $0x0  }
0xa1: {  	[sflag:s22] =	ssyncadd.s32 s5;
	_ =	sdelay $0x1  }
0xa2: {  	s23 =	simm.s32 $0x1B8B  }
0xa3: {  	_ =	swait.ge [sflag:s23], $0x1  }
0xa4: {  	[sflag:s23] =	ssyncset.done $0x0  }
0xa5: {  	s25 =	simm.s32 $0x1B8E;
	s24 =	sld [smem:$0x3FFE];
	[sflag:s23] =	ssyncadd.s32 $0xFFFFFFFF  }
0xa6: {  	s26 =	simm.s32 $execute0_lowered;
	[smem:$0x3FD2] =	sst s25  }
0xa7: {  	s6 =	sshll.u32 s26, $0x1;
	_ =	strace $0x80000046;
	[dreg:$0x1] =	wrdreg $0xFFFFFFFF  }
0xa8: {  	s28 =	simm.s32 $_size_execute0_lowered;
	s4 =	sadd.s32 s4, s6;
	[dreg:$0x0] =	wrdreg $0x0  }
0xa9: {  	s6 =	sshll.u32 s28, $0x1;
	[dreg:$0x2] =	wrdreg s4  }
0xaa: {  	[dreg:$0x3] =	wrdreg s6  }
0xab: {  	[dreg:$0x4] =	wrdreg $0xC0  }
0xac: {  	_ =	task [dreg:s8], $0x5FFFF  }
0xad: {  	[dreg:$0x1] =	wrdreg $0xFFFFFFFF  }
0xae: {  	[dreg:$0x0] =	wrdreg $0x60  }
0xaf: {  	[dreg:$0x2] =	wrdreg s24  }
0xb0: {  	[dreg:$0x3] =	wrdreg s2  }
0xb1: {  	[dreg:$0x4] =	wrdreg s18  }
0xb2: {  	[dreg:$0x5] =	wrdreg $0x9  }
0xb3: {  	_ =	task.clear_ibuf [dreg:s8], $0x6FFFF;
	_ =	strace $0x90000046  }
0xb4: {  	s29 =	simm.s32 $0x9;
	_ =	strace $0x80000048  }
0xb5: {  	_ =	swait.ge [sflag:s29], $0x1  }
0xb6: {  	[sflag:s29] =	ssyncadd.s32 $0xFFFFFFFF  }
0xb7: {  	_ =	strace $0x90000048  }
0xb8: {  	_ =	sfence  }
0xb9: {  	s30 =	sld [smem:$0x0];
	_ =	sdelay $0x2  }
0xba: {  	s31 =	sshll.u32 s1, $0xD;
	s1 =	sshrl.u32 s1, $0x2  }
0xbb: {  	s3 =	sand.u32 $0x4000, s31;
	s1 =	sadd.s32 s1, s30  }
0xbc: {  	s0 =	sor.u32 s3, s0;
	s1 =	sshll.u32 s1, $0x11  }
0xbd: {  	s0 =	sor.u32 s1, s0  }
0xbe: {  	s0 =	sadd.s32 $0x8F2B, s0  }
0xbf: {  	[sflag:s0] =	ssyncadd.remote.s32 $0x1  }
0xc0: {  	_ =	sfence.sel $0xFFFF  }
0xc1: {  	[dreg:$0x0] =	wrdreg $0xFFFFFFFF;
	(pc) =	sbr.abs _section_cstart, $3  }
0xc2: {  	[dreg:$0x1] =	wrdreg $0xFFFFFFFF  }
0xc3: {  	_ =	task.clear_ibuf [dreg:s8], $0x2FFFF;
	_ =	strace $0x9FFFFFFF  }
0xc4: {  	(tm) =	ssettm $0x7FFFFFFF  }
0xc5: {  	_ =	shalt  }
tec
execute0_lowered:
.L_overlay_start_1:
0x0: {  	(tag) =	ssettag $0x1  }
0x1: {  	s0 =	rddreg [dreg:$0x0]  }
0x2: {  	s1 =	rddreg [dreg:$0x1]  }
0x3: {  	s3 =	rddreg [dreg:$0x2];
	s2 =	simm.s32 $0x0;
	s4 =	srdreg.scid  }
0x4: {  	s5 =	stileid.u32;
	s17 =	simm.s32 $0x13600;
	s18 =	simm.s32 $0x5  }
0x5: {  	s19 =	simm.s32 $0x13800;
	s21 =	simm.s32 $0x1;
	s22 =	simm.s32 $0x2  }
0x6: {  	s28 =	simm.s32 $0x4;
	s29 =	simm.s32 $0x0;
	[smem:$0x7FF] =	sst s2  }
0x7: {  	s4 =	sand.u32 $0x1, s4;
	s12 =	sadd.s32 $0xC00, s0;
	s5 =	sshll.u32 s5, $0xA  }
0x8: {  	s13 =	sadd.s32 $0x40C00, s0;
	s25 =	sadd.s32 $0x600, s0;
	s0 =	sadd.s32 $0x400, s0  }
0x9: {  	_ =	strace $0x80000047;
	s6 =	sshll.u32 s4, $0x9;
	[dreg:$0x4] =	wrdreg s25  }
0xa: {  	s7 =	ssub.s32 $0x2, s4;
	[dreg:$0x5] =	wrdreg s0;
	s4 =	simm.s32 $0x4000  }
0xb: {  	s25 =	simm.s32 $0x16800;
	s8 =	sor.u32 s6, s5;
	s26 =	sshrl.u32 s7, $0x1  }
0xc: {  	s11 =	sshll.u32 s8, $0x4;
	s30 =	ssub.s32 s7, s26;
	s14 =	sshrl.u32 s8, $0x3  }
0xd: {  	s26 =	simm.s32 $0x3;
	s5 =	sadd.s32 s12, s11;
	s6 =	sadd.s32 s13, s11  }
0xe: {  	s9 =	sor.u32 $0x800, s11;
	s7 =	sadd.s32 s1, s14;
	s31 =	sor.u32 $0x1000, s11  }
0xf: {  	s15 =	sor.u32 $0x1800, s11;
	s14 =	sadd.s32 s3, s14;
	s8 =	sadd.s32 s12, s9  }
0x10: {  	v0 =	vlaneseq.u32;
	s9 =	sadd.s32 s13, s9;
	s10 =	sadd.s32 s12, s31;
	s11 =	sadd.s32 s13, s31  }
0x11: {  	v1 =	vmul.u32 $0x11, v0;
	s12 =	sadd.s32 s12, s15;
	s13 =	sadd.s32 s13, s15;
	s15 =	smax.u32 s30, $0x1  }
.LBB2_1:
0x12: {  	[tilespmem:s2], [sflag:$0x1] =	stream.linear.gather [hbm4b:s5+s2], $0x4000, $0x38;
	[tilespmem:$0x16A00] =	vst v63  }
0x13: {  	_ = 	snop  }
0x14: {  	[tilespmem:s4], [sflag:$0x2] =	stream.linear.gather [hbm4b:s6+s2], $0x4000, $0x38;
	[tilespmem:$0x16A00] =	vst v63  }
0x15: {  	_ = 	snop  }
0x16: {  	[tilespmem:s17], [sflag:$0x5] =	stream.linear.gather [hbm4b:s7+s2], $0x200, $0x38;
	[tilespmem:$0x16A00] =	vst v63  }
0x17: {  	_ =	swait.ge [sflag:s18], $0x200  }
0x18: {  	[sflag:s18] =	ssyncset.done $0x0  }
0x19: {  	s0 =	rddreg [dreg:$0x4];
	[sflag:s18] =	ssyncadd.s32 $0xFFFFFE00  }
0x1a: {  	[tilespmem:s19], [sflag:$0x5] =	stream.linear.gather [hbm4b:s0+s2], $0x2E00, $0x38;
	[tilespmem:$0x16A00] =	vst v63  }
0x1b: {  	_ =	swait.ge [sflag:s18], $0x2E00  }
0x1c: {  	[sflag:s18] =	ssyncset.done $0x0  }
0x1d: {  	s1 =	simm.s32 $0x16600;
	s24 =	rddreg [dreg:$0x5];
	[sflag:s18] =	ssyncadd.s32 $0xFFFFD200  }
0x1e: {  	[tilespmem:s1], [sflag:$0x5] =	stream.linear.gather [hbm4b:s24+s2], $0x200, $0x38;
	[tilespmem:$0x16A00] =	vst v63  }
0x1f: {  	_ =	swait.ge [sflag:s18], $0x200  }
0x20: {  	[sflag:s18] =	ssyncset.done $0x0  }
0x21: {  	[sflag:s18] =	ssyncadd.s32 $0xFFFFFE00  }
0x22: {  	v2 =	vld [tilespmem:$0x16600]  }
0x23: {  	v3 =	vld [tilespmem:$0x16610]  }
0x24: {  	v4 =	vld [tilespmem:$0x16620]  }
0x25: {  	v5 =	vld [tilespmem:$0x16630]  }
0x26: {  	v6 =	vld [tilespmem:$0x16640]  }
0x27: {  	v7 =	vld [tilespmem:$0x16650]  }
0x28: {  	v8 =	vld [tilespmem:$0x16660]  }
0x29: {  	v9 =	vld [tilespmem:$0x16670]  }
0x2a: {  	v10 =	vld [tilespmem:$0x16680]  }
0x2b: {  	v11 =	vld [tilespmem:$0x16690]  }
0x2c: {  	v12 =	vld [tilespmem:$0x166A0]  }
0x2d: {  	v13 =	vld [tilespmem:$0x166B0]  }
0x2e: {  	v14 =	vld [tilespmem:$0x166C0]  }
0x2f: {  	v15 =	vld [tilespmem:$0x166D0]  }
0x30: {  	v16 =	vld [tilespmem:$0x166E0]  }
0x31: {  	v17 =	vld [tilespmem:$0x166F0]  }
0x32: {  	v18 =	vld [tilespmem:$0x16700]  }
0x33: {  	v19 =	vld [tilespmem:$0x16710]  }
0x34: {  	v20 =	vld [tilespmem:$0x16720]  }
0x35: {  	v21 =	vld [tilespmem:$0x16730]  }
0x36: {  	v22 =	vld [tilespmem:$0x16740]  }
0x37: {  	v23 =	vld [tilespmem:$0x16750]  }
0x38: {  	v24 =	vld [tilespmem:$0x16760]  }
0x39: {  	v25 =	vld [tilespmem:$0x16770]  }
0x3a: {  	v26 =	vld [tilespmem:$0x16780];
	_ =	swait.ge [sflag:s21], $0x4000  }
0x3b: {  	[sflag:s21] =	ssyncset.done $0x0  }
0x3c: {  	[sflag:s21] =	ssyncadd.s32 $0xFFFFC000  }
0x3d: {  	_ =	swait.ge [sflag:s22], $0x4000  }
0x3e: {  	[sflag:s22] =	ssyncset.done $0x0  }
0x3f: {  	s1 =	simm.s32 $0x8000;
	[sflag:s22] =	ssyncadd.s32 $0xFFFFC000  }
0x40: {  	[tilespmem:s1], [sflag:$0x3] =	stream.linear.gather [hbm4b:s8+s2], $0x4000, $0x38;
	[tilespmem:$0x16A00] =	vst v63  }
0x41: {  	s3 =	simm.s32 $0xC000;
	s16 =	simm.s32 $0x0  }
0x42: {  	[tilespmem:s3], [sflag:$0x4] =	stream.linear.gather [hbm4b:s9+s2], $0x4000, $0x38;
	[tilespmem:$0x16A00] =	vst v63  }
0x43: {  	s20 =	simm.s32 $0x20;
	s3 =	smul.u32 $0x352, s16  }
0x44: {  	s0 =	simm.s32 $0x4020;
	s16 =	sand.u32 $0xF, s2;
	v27 =	vld [tilespmem:s20+$0xFFFFFFE0]  }
0x45: {  	v28 =	vld [tilespmem:s0+$0xFFFFFFE0];
	s3 =	sadd.s32 s16, s3  }
0x46: {  	v29 =	vadd.s32 s3, v1;
	_ =	sdelay $0x2  }
0x47: {  	v27 =	vmul.u32 $0x5, v27  }
0x48: {  	s31 =	simm.s32 $0x10000;
	v28 =	vmul.u32 $0x5, v28  }
0x49: {  	s30 =	simm.s32 $0x11B00;
	[tilespmem:v29+s31+$0x0] =	vst.idx.msk $0xffff, v27  }
0x4a: {  	[tilespmem:v29+s30+$0x0] =	vst.idx.msk $0xffff, v28  }
0x4b: {  	v27 =	vld [tilespmem:s20+$0xFFFFFFF0]  }
0x4c: {  	s16 =	sadd.s32 $0x110, s3;
	v28 =	vld [tilespmem:s0+$0xFFFFFFF0]  }
0x4d: {  	v29 =	vadd.s32 s16, v1;
	_ =	sdelay $0x2  }
0x4e: {  	v27 =	vmul.u32 $0x5, v27  }
0x4f: {  	v28 =	vmul.u32 $0x5, v28  }
0x50: {  	[tilespmem:v29+s31+$0x0] =	vst.idx.msk $0xffff, v27  }
0x51: {  	[tilespmem:v29+s30+$0x0] =	vst.idx.msk $0xffff, v28  }
0x52: {  	v27 =	vld [tilespmem:s20+$0x0]  }
0x53: {  	s23 =	sadd.s32 $0x220, s3;
	v28 =	vld [tilespmem:s0+$0x0]  }
0x54: {  	v29 =	vadd.s32 s23, v1;
	_ =	sdelay $0x2  }
0x55: {  	v27 =	vmul.u32 $0x5, v27  }
0x56: {  	v28 =	vmul.u32 $0x5, v28  }
0x57: {  	[tilespmem:v29+s31+$0x0] =	vst.idx.msk $0xffff, v27  }
0x58: {  	[tilespmem:v29+s30+$0x0] =	vst.idx.msk $0xffff, v28  }
0x59: {  	v28 =	vld [tilespmem:s20+$0x2]  }
0x5a: {  	s24 =	sadd.s32 $0x242, s3  }
0x5b: {  	v27 =	vadd.s32 s24, v1;
	v29 =	vld [tilespmem:s0+$0x2];
	_ =	sdelay $0x2  }
0x5c: {  	v30 =	vmul.u32 $0x5, v28  }
0x5d: {  	s1 =	simm.s32 $0xA0  }
0x5e: {  	s23 =	simm.s32 $0x2;
	s24 =	simm.s32 $0x0;
	s20 =	simm.s32 $0x1;
	v28 =	vmul.u32 $0x5, v29;
	[tilespmem:v27+s31+$0x0] =	vst.idx.msk $0xffff, v30  }
.LBB2_2:
0x5f: {  	s3 =	smul.u32 $0x352, s24  }
0x60: {  	[tilespmem:v27+s30+$0x0] =	vst.idx.msk $0xffff, v28;
	s0 =	sadd.s32 $0x80, s0;
	s24 =	smov.u32 s23;
	s16 =	sadd.s32 $0x1, s23  }
0x61: {  	p0 =	sne.s32 s23, $0x7F;
	s23 =	sand.u32 $0xF, s20;
	v27 =	vld [tilespmem:s1+$0xFFFFFFE0];
	s20 =	smov.u32 s24  }
0x62: {  	s3 =	sadd.s32 s23, s3;
	v28 =	vld [tilespmem:s0+$0xFFFFFFE0]  }
0x63: {  	v29 =	vadd.s32 s3, v1;
	s23 =	sadd.s32 $0x110, s3;
	s24 =	sadd.s32 $0x220, s3;
	s3 =	sadd.s32 $0x242, s3  }
0x64: {  	_ =	sdelay $0x1  }
0x65: {  	v27 =	vmul.u32 $0x5, v27  }
0x66: {  	v28 =	vmul.u32 $0x5, v28  }
0x67: {  	[tilespmem:v29+s31+$0x0] =	vst.idx.msk $0xffff, v27  }
0x68: {  	[tilespmem:v29+s30+$0x0] =	vst.idx.msk $0xffff, v28  }
0x69: {  	v27 =	vld [tilespmem:s1+$0xFFFFFFF0]  }
0x6a: {  	v28 =	vld [tilespmem:s0+$0xFFFFFFF0]  }
0x6b: {  	v29 =	vadd.s32 s23, v1;
	_ =	sdelay $0x2  }
0x6c: {  	v27 =	vmul.u32 $0x5, v27  }
0x6d: {  	v28 =	vmul.u32 $0x5, v28  }
0x6e: {  	[tilespmem:v29+s31+$0x0] =	vst.idx.msk $0xffff, v27  }
0x6f: {  	[tilespmem:v29+s30+$0x0] =	vst.idx.msk $0xffff, v28  }
0x70: {  	v27 =	vld [tilespmem:s1+$0x0]  }
0x71: {  	v28 =	vld [tilespmem:s0+$0x0]  }
0x72: {  	v29 =	vadd.s32 s24, v1;
	_ =	sdelay $0x2  }
0x73: {  	v27 =	vmul.u32 $0x5, v27  }
0x74: {  	v28 =	vmul.u32 $0x5, v28  }
0x75: {  	[tilespmem:v29+s31+$0x0] =	vst.idx.msk $0xffff, v27  }
0x76: {  	[tilespmem:v29+s30+$0x0] =	vst.idx.msk $0xffff, v28  }
0x77: {  	v28 =	vld [tilespmem:s1+$0x2]  }
0x78: {  	v29 =	vld [tilespmem:s0+$0x2]  }
0x79: {  	v27 =	vadd.s32 s3, v1  }
.Ltmp0:
0x7a: {  	(pc) =	sbr.rel @p0 .LBB2_2-.Ltmp0, $4  }
0x7b: {  	_ = 	snop  }
0x7c: {  	v30 =	vmul.u32 $0x5, v28  }
0x7d: {  	v28 =	vmul.u32 $0x5, v29  }
0x7e: {  	s23 =	smov.u32 s16;
	s24 =	sshrl.u32 s20, $0x4;
	s1 =	sadd.s32 $0x80, s1;
	[tilespmem:v27+s31+$0x0] =	vst.idx.msk $0xffff, v30  }
0x7f: {  	_ =	sdelay $0x3  }
0x80: {  	s3 =	smul.u32 $0x352, s24;
	[tilespmem:v27+s30+$0x0] =	vst.idx.msk $0xffff, v28  }
0x81: {  	s0 =	sadd.s32 $0x80, s0;
	s16 =	sand.u32 $0xF, s20;
	v27 =	vld [tilespmem:s1+$0xFFFFFFE0]  }
0x82: {  	v28 =	vld [tilespmem:s0+$0xFFFFFFE0];
	s3 =	sadd.s32 s16, s3  }
0x83: {  	v29 =	vadd.s32 s3, v1;
	_ =	sdelay $0x2  }
0x84: {  	v27 =	vmul.u32 $0x5, v27  }
0x85: {  	s30 =	simm.s32 $0x10000;
	v28 =	vmul.u32 $0x5, v28  }
0x86: {  	s31 =	simm.s32 $0x11B00;
	[tilespmem:v29+s30+$0x0] =	vst.idx.msk $0xffff, v27  }
0x87: {  	[tilespmem:v29+s31+$0x0] =	vst.idx.msk $0xffff, v28  }
0x88: {  	v27 =	vld [tilespmem:s1+$0xFFFFFFF0]  }
0x89: {  	s16 =	sadd.s32 $0x110, s3;
	v28 =	vld [tilespmem:s0+$0xFFFFFFF0]  }
0x8a: {  	v61 =	vadd.s32 s16, v1;
	_ =	sdelay $0x2  }
0x8b: {  	v27 =	vmul.u32 $0x5, v27  }
0x8c: {  	v28 =	vmul.u32 $0x5, v28  }
0x8d: {  	[tilespmem:v61+s30+$0x0] =	vst.idx.msk $0xffff, v27  }
0x8e: {  	[tilespmem:v61+s31+$0x0] =	vst.idx.msk $0xffff, v28  }
0x8f: {  	v27 =	vld [tilespmem:s1+$0x0]  }
0x90: {  	s23 =	sadd.s32 $0x220, s3;
	v28 =	vld [tilespmem:s0+$0x0]  }
0x91: {  	v62 =	vadd.s32 s23, v1;
	_ =	sdelay $0x2  }
0x92: {  	v27 =	vmul.u32 $0x5, v27  }
0x93: {  	v28 =	vmul.u32 $0x5, v28  }
0x94: {  	[tilespmem:v62+s30+$0x0] =	vst.idx.msk $0xffff, v27  }
0x95: {  	[tilespmem:v62+s31+$0x0] =	vst.idx.msk $0xffff, v28  }
0x96: {  	v27 =	vld [tilespmem:s1+$0x2]  }
0x97: {  	s24 =	sadd.s32 $0x242, s3;
	v28 =	vld [tilespmem:s0+$0x2]  }
0x98: {  	v63 =	vadd.s32 s24, v1;
	_ =	sdelay $0x2  }
0x99: {  	v27 =	vmul.u32 $0x5, v27  }
0x9a: {  	v28 =	vmul.u32 $0x5, v28  }
0x9b: {  	[tilespmem:v63+s30+$0x0] =	vst.idx.msk $0xffff, v27  }
0x9c: {  	s0 =	simm.s32 $0x0;
	[tilespmem:v63+s31+$0x0] =	vst.idx.msk $0xffff, v28  }
.LBB2_4:
0x9d: {  	v39 =	vmov s31  }
0x9e: {  	v40 =	vmov s30;
	_ =	sdelay $0x2  }
0x9f: {  	s1 =	simm.s32 $0x0  }
0xa0: {  	v27 =	vld.idx.msk [tilespmem:v39+s1+$0x0 ss:$0x1], $0xffff  }
0xa1: {  	v33 =	vld.idx.msk [tilespmem:v40+s1+$0x0 ss:$0x1], $0xffff;
	_ =	sdelay $0x2  }
0xa2: {  	p1 =	por $0x1, $0x1  }
.Ltmp1:
0xa3: {  	_ = 	snop;
	(pc) =	sbr.rel @!p1 .LBB2_5-.Ltmp1, $3  }
0xa4: {  	_ =	sdelay $0x1  }
0xa5: {  	v28 =	vimm.f32 $0.0e+00;
	v44 =	vadd.s32 $0x3, v27;
	v52 =	vadd.s32 $0x1, v33;
	v41 =	vld.idx.msk [tilespmem:v27+s19+$0x0], $0xffff  }
0xa6: {  	p0 =	por $0x0, $0x0;
	v42 =	vadd.s32 $0x1, v27;
	v36 =	vadd.s32 $0x2, v27;
	v29 =	vadd.s32 $0x3, v33;
	v45 =	vld.idx.msk [tilespmem:v33+s19+$0x0], $0xffff  }
0xa7: {  	_ =	sdelay $0x3  }
0xa8: {  	v27 =	vld.idx.msk [tilespmem:v44+s19+$0x0], $0xffff  }
0xa9: {  	v37 =	vld.idx.msk [tilespmem:v52+s19+$0x0], $0xffff  }
0xaa: {  	v43 =	vadd.s32 $0x2, v33;
	v46 =	vld.idx.msk [tilespmem:v42+s19+$0x0], $0xffff  }
0xab: {  	s1 =	simm.s32 $0x11;
	v61 =	vld.idx.msk [tilespmem:v36+s19+$0x0], $0xffff;
	v48 =	vimm.f32 $0.0e+00;
	v49 =	vimm.f32 $0.0e+00;
	v50 =	vimm.f32 $0.0e+00  }
0xac: {  	v51 =	vimm.f32 $0.0e+00;
	v54 =	vimm.f32 $0.0e+00;
	v47 =	vld.idx.msk [tilespmem:v39+s1+$0x0 ss:$0x1], $0xffff;
	v30 =	vunpack.i.l.bf16.f32 v41  }
0xad: {  	v33 =	vld.idx.msk [tilespmem:v40+s1+$0x0 ss:$0x1], $0xffff;
	v34 =	vunpack.i.u.bf16.f32 v41;
	v31 =	vunpack.i.l.bf16.f32 v45;
	v30 =	vadd.f32 v30, v28  }
0xae: {  	v32 =	vunpack.i.u.bf16.f32 v45;
	v34 =	vadd.f32 v34, v28;
	v31 =	vadd.f32 v31, v28  }
0xaf: {  	v32 =	vadd.f32 v32, v28;
	v35 =	vunpack.i.u.bf16.f32 v27;
	v62 =	vunpack.i.l.bf16.f32 v27  }
0xb0: {  	v56 =	vld.idx.msk [tilespmem:v29+s19+$0x0], $0xffff;
	p1 =	por $0x1, $0x1;
	v53 =	vunpack.i.u.bf16.f32 v37;
	v38 =	vunpack.i.l.bf16.f32 v37;
	v63 =	vunpack.i.u.bf16.f32 v46  }
.Ltmp2:
0xb1: {  	v57 =	vunpack.i.l.bf16.f32 v61;
	v58 =	vunpack.i.l.bf16.f32 v46;
	v55 =	vld.idx.msk [tilespmem:v43+s19+$0x0], $0xffff;
	v44 =	vadd.s32 $0x3, v47;
	(pc) =	sbr.rel @!p1 .LBB2_7-.Ltmp2, $4  }
0xb2: {  	v59 =	vunpack.i.u.bf16.f32 v61;
	v46 =	vimm.f32 $0.0e+00;
	v43 =	vimm.f32 $0.0e+00  }
0xb3: {  	v27 =	vadd.f32 v35, v28;
	v35 =	vadd.f32 v62, v28;
	v52 =	vadd.s32 $0x1, v33  }
0xb4: {  	v42 =	vadd.s32 $0x1, v47;
	v37 =	vadd.f32 v63, v28;
	v36 =	vadd.s32 $0x2, v47;
	v41 =	vld.idx.msk [tilespmem:v47+s19+$0x0], $0xffff  }
0xb5: {  	p0 =	por $0x1, $0x1;
	s1 =	simm.s32 $0x88;
	v38 =	vadd.f32 v38, v28;
	v29 =	vadd.s32 $0x3, v33;
	v47 =	vimm.f32 $0.0e+00;
	v45 =	vld.idx.msk [tilespmem:v33+s19+$0x0], $0xffff  }
.LBB2_8:
0xb6: {  	s3 =	sshra.s32 s1, $0x2;
	p1 =	sne.s32 s1, $0xD04;
	s1 =	sadd.s32 $0x44, s1;
	v60 =	vld.idx.msk [tilespmem:v44+s19+$0x0], $0xffff;
	v44 =	vunpack.i.l.bf16.f32 v55;
	v46 =	vadd.f32 v59, v46;
	v59 =	vunpack.i.u.bf16.f32 v56  }
0xb7: {  	v62 =	vadd.s32 $0x2, v33;
	v33 =	vunpack.i.l.bf16.f32 v56;
	v61 =	vld.idx.msk [tilespmem:v39+s3+$0x0 ss:$0x1], $0xffff;
	v43 =	vadd.f32 v59, v43  }
0xb8: {  	v48 =	vadd.f32 v58, v48;
	v55 =	vunpack.i.u.bf16.f32 v55;
	v49 =	vadd.f32 v33, v49;
	v52 =	vld.idx.msk [tilespmem:v52+s19+$0x0], $0xffff  }
0xb9: {  	v50 =	vadd.f32 v57, v50;
	v47 =	vadd.f32 v55, v47;
	v58 =	vunpack.i.u.bf16.f32 v41;
	v59 =	vld.idx.msk [tilespmem:v42+s19+$0x0], $0xffff  }
0xba: {  	v51 =	vadd.f32 v53, v51;
	v54 =	vadd.f32 v44, v54;
	v41 =	vunpack.i.l.bf16.f32 v41;
	v33 =	vld.idx.msk [tilespmem:v40+s3+$0x0 ss:$0x1], $0xffff  }
0xbb: {  	v30 =	vadd.f32 v41, v30;
	v42 =	vunpack.i.u.bf16.f32 v45;
	v44 =	vunpack.i.l.bf16.f32 v45;
	v63 =	vld.idx.msk [tilespmem:v36+s19+$0x0], $0xffff  }
0xbc: {  	v31 =	vadd.f32 v44, v31;
	v32 =	vadd.f32 v42, v32;
	v36 =	vunpack.i.u.bf16.f32 v60;
	v55 =	vld.idx.msk [tilespmem:v62+s19+$0x0], $0xffff  }
0xbd: {  	v44 =	vadd.s32 $0x3, v61;
	v27 =	vadd.f32 v36, v27;
	v56 =	vld.idx.msk [tilespmem:v29+s19+$0x0], $0xffff;
	v29 =	vunpack.i.l.bf16.f32 v60  }
.Ltmp3:
0xbe: {  	v34 =	vadd.f32 v58, v34;
	v35 =	vadd.f32 v29, v35;
	(pc) =	sbr.rel @p1 .LBB2_8-.Ltmp3, $4  }
0xbf: {  	v53 =	vunpack.i.u.bf16.f32 v52;
	v29 =	vunpack.i.l.bf16.f32 v52;
	v36 =	vunpack.i.u.bf16.f32 v59  }
0xc0: {  	v42 =	vadd.s32 $0x1, v61;
	v52 =	vadd.s32 $0x1, v33;
	v37 =	vadd.f32 v36, v37;
	v41 =	vld.idx.msk [tilespmem:v61+s19+$0x0], $0xffff  }
0xc1: {  	v36 =	vadd.s32 $0x2, v61;
	v38 =	vadd.f32 v29, v38;
	v57 =	vunpack.i.l.bf16.f32 v63  }
0xc2: {  	v58 =	vunpack.i.l.bf16.f32 v59;
	v29 =	vadd.s32 $0x3, v33;
	v59 =	vunpack.i.u.bf16.f32 v63;
	v45 =	vld.idx.msk [tilespmem:v33+s19+$0x0], $0xffff  }
.LBB2_9:
0xc3: {  	_ =	sdelay $0x1  }
0xc4: {  	v40 =	vunpack.i.l.bf16.f32 @p0 v55  }
0xc5: {  	v46 =	vadd.f32 @p0 v59, v46;
	v59 =	vunpack.i.u.bf16.f32 @p0 v56;
	v60 =	vadd.s32 $0x2, v33  }
0xc6: {  	v39 =	vld.idx.msk [tilespmem:v44+s19+$0x0], $0xffff;
	v33 =	vunpack.i.l.bf16.f32 @p0 v56;
	v44 =	vadd.f32 @p0 v58, v48;
	v50 =	vadd.f32 @p0 v57, v50  }
0xc7: {  	v48 =	vld.idx.msk [tilespmem:v52+s19+$0x0], $0xffff;
	v52 =	vunpack.i.u.bf16.f32 @p0 v55;
	s1 =	sshll.u32 s0, $0x4;
	v51 =	vadd.f32 @p0 v53, v51;
	v43 =	vadd.f32 @p0 v59, v43  }
0xc8: {  	v49 =	vadd.f32 @p0 v33, v49;
	v47 =	vadd.f32 @p0 v52, v47;
	v33 =	vor.u32 s1, v0  }
0xc9: {  	v40 =	vadd.f32 @p0 v40, v54;
	v63 =	vunpack.i.u.bf16.f32 v41;
	v58 =	vunpack.i.l.bf16.f32 v41  }
0xca: {  	v42 =	vld.idx.msk [tilespmem:v42+s19+$0x0], $0xffff;
	v46 =	vpsel p0, v46, v28;
	v44 =	vpsel p0, v44, v28;
	v50 =	vpsel p0, v50, v28  }
0xcb: {  	v36 =	vld.idx.msk [tilespmem:v36+s19+$0x0], $0xffff;
	v51 =	vpsel p0, v51, v28;
	v30 =	vadd.f32 v58, v30;
	v34 =	vadd.f32 v63, v34  }
0xcc: {  	v43 =	vpsel p0, v43, v28;
	v49 =	vpsel p0, v49, v28;
	v47 =	vpsel p0, v47, v28  }
0xcd: {  	v58 =	vpsel p0, v40, v28;
	v59 =	vunpack.i.u.bf16.f32 v45;
	v61 =	vunpack.i.l.bf16.f32 v45  }
0xce: {  	v29 =	vld.idx.msk [tilespmem:v29+s19+$0x0], $0xffff;
	v31 =	vadd.f32 v61, v31;
	v32 =	vadd.f32 v59, v32;
	v62 =	vunpack.i.l.bf16.f32 v39  }
0xcf: {  	v41 =	vunpack.i.u.bf16.f32 v48;
	v63 =	vunpack.i.l.bf16.f32 v48;
	v56 =	vunpack.i.u.bf16.f32 v42  }
0xd0: {  	v45 =	vunpack.i.l.bf16.f32 v36;
	v30 =	vadd.f32 v30, v2;
	v34 =	vadd.f32 v34, v3  }
0xd1: {  	v36 =	vunpack.i.u.bf16.f32 v36;
	v35 =	vadd.f32 v62, v35;
	v37 =	vadd.f32 v56, v37  }
0xd2: {  	v42 =	vunpack.i.l.bf16.f32 v42;
	v57 =	vld.idx.msk [tilespmem:v33+s17+$0x0], $0xffff;
	v38 =	vadd.f32 v63, v38;
	v36 =	vadd.f32 v36, v46  }
0xd3: {  	v42 =	vadd.f32 v42, v44;
	v44 =	vunpack.i.u.bf16.f32 v29;
	v29 =	vunpack.i.l.bf16.f32 v29  }
0xd4: {  	v48 =	vld.idx.msk [tilespmem:v60+s19+$0x0], $0xffff;
	v31 =	vadd.f32 v31, v2;
	v30 =	vmax.f32 v30, $0.0e+00;
	v32 =	vadd.f32 v32, v3  }
0xd5: {  	v62 =	vmax.f32 v34, $0.0e+00;
	v29 =	vadd.f32 v29, v49;
	v38 =	vadd.f32 v38, v4  }
0xd6: {  	v30 =	vmin.f32 v30, $1.000000000e+00;
	v54 =	vadd.f32 v42, v4;
	v37 =	vadd.f32 v37, v5  }
0xd7: {  	v49 =	vadd.f32 v36, v7;
	v31 =	vmax.f32 v31, $0.0e+00;
	vm0 =	veq.s32 v57, $0x0  }
0xd8: {  	v32 =	vmax.f32 v32, $0.0e+00;
	v31 =	vmin.f32 v31, $1.000000000e+00;
	v52 =	vsel vm0, v10, v18  }
0xd9: {  	v29 =	vadd.f32 v29, v8;
	v59 =	vunpack.i.l.bf16.f32 v48;
	v31 =	vmul.f32 v52, v31  }
0xda: {  	v32 =	vmin.f32 v32, $1.000000000e+00;
	v53 =	vmax.f32 v38, $0.0e+00;
	v60 =	vsel vm0, v18, v10  }
0xdb: {  	v38 =	vmax.f32 v54, $0.0e+00;
	v30 =	vmul.f32 v60, v30;
	v31 =	vadd.f32 v31, v26  }
0xdc: {  	v34 =	vmin.f32 v53, $1.000000000e+00;
	v28 =	vadd.f32 v59, v58;
	v61 =	vsel vm0, v11, v19  }
0xdd: {  	v38 =	vmin.f32 v38, $1.000000000e+00;
	v32 =	vmul.f32 v61, v32;
	v30 =	vadd.f32 v31, v30  }
0xde: {  	v59 =	vunpack.i.u.bf16.f32 v48;
	v63 =	vsel vm0, v19, v11;
	v31 =	vmin.f32 v62, $1.000000000e+00  }
0xdf: {  	v52 =	vadd.f32 v41, v51;
	v31 =	vmul.f32 v63, v31;
	v30 =	vadd.f32 v30, v32  }
0xe0: {  	v55 =	vsel vm0, v12, v20;
	v56 =	vsel vm0, v20, v12;
	v58 =	vsel vm0, v13, v21  }
0xe1: {  	v32 =	vadd.f32 v52, v5;
	v30 =	vadd.f32 v30, v31;
	v31 =	vmul.f32 v55, v34  }
0xe2: {  	v42 =	vsel vm0, v14, v22;
	v57 =	vmul.f32 v56, v38;
	v28 =	vadd.f32 v28, v6  }
0xe3: {  	v61 =	vadd.f32 v45, v50;
	v32 =	vmax.f32 v32, $0.0e+00;
	v30 =	vadd.f32 v30, v31  }
0xe4: {  	v41 =	vadd.f32 v59, v47;
	v28 =	vmax.f32 v28, $0.0e+00;
	v32 =	vmin.f32 v32, $1.000000000e+00  }
0xe5: {  	v62 =	vmax.f32 v37, $0.0e+00;
	v60 =	vmul.f32 v58, v32;
	v30 =	vadd.f32 v30, v57  }
0xe6: {  	v28 =	vmin.f32 v28, $1.000000000e+00;
	v63 =	vsel vm0, v21, v13;
	v34 =	vmin.f32 v62, $1.000000000e+00  }
0xe7: {  	v40 =	vmul.f32 v63, v34;
	v32 =	vadd.f32 v61, v6;
	v30 =	vadd.f32 v30, v60  }
0xe8: {  	v29 =	vmax.f32 v29, $0.0e+00;
	v46 =	vsel vm0, v22, v14;
	v28 =	vmul.f32 v42, v28  }
0xe9: {  	v34 =	vadd.f32 v41, v7;
	v45 =	vmax.f32 v32, $0.0e+00;
	v30 =	vadd.f32 v30, v40  }
0xea: {  	v54 =	vsel vm0, v16, v24;
	v29 =	vmin.f32 v29, $1.000000000e+00;
	v31 =	vmin.f32 v45, $1.000000000e+00  }
0xeb: {  	v48 =	vmax.f32 v34, $0.0e+00;
	v47 =	vmul.f32 v46, v31;
	v28 =	vadd.f32 v30, v28  }
0xec: {  	v50 =	vsel vm0, v15, v23;
	v51 =	vadd.f32 v44, v43;
	v31 =	vmin.f32 v48, $1.000000000e+00  }
0xed: {  	v32 =	vmax.f32 v49, $0.0e+00;
	v30 =	vmul.f32 v50, v31;
	v28 =	vadd.f32 v28, v47  }
0xee: {  	v56 =	vunpack.i.u.bf16.f32 v39;
	v52 =	vsel vm0, v23, v15;
	v32 =	vmin.f32 v32, $1.000000000e+00  }
0xef: {  	v55 =	vadd.f32 v35, v8;
	v53 =	vmul.f32 v52, v32;
	v28 =	vadd.f32 v28, v30  }
0xf0: {  	v29 =	vmul.f32 v54, v29;
	v27 =	vadd.f32 v56, v27  }
0xf1: {  	v57 =	vmax.f32 v55, $0.0e+00;
	v31 =	vadd.f32 v51, v9;
	v28 =	vadd.f32 v28, v53  }
0xf2: {  	v27 =	vadd.f32 v27, v9;
	v58 =	vsel vm0, v24, v16;
	v30 =	vmin.f32 v57, $1.000000000e+00  }
0xf3: {  	v60 =	vmax.f32 v31, $0.0e+00;
	v59 =	vmul.f32 v58, v30;
	v28 =	vadd.f32 v28, v29  }
0xf4: {  	v61 =	vsel vm0, v17, v25;
	v30 =	vmin.f32 v60, $1.000000000e+00  }
0xf5: {  	s0 =	sadd.s32 $0x1, s0;
	v27 =	vmax.f32 v27, $0.0e+00;
	v62 =	vmul.f32 v61, v30;
	v28 =	vadd.f32 v28, v59  }
0xf6: {  	p0 =	sne.s32 s0, $0x8;
	v27 =	vmin.f32 v27, $1.000000000e+00;
	v63 =	vsel vm0, v25, v17  }
.Ltmp4:
0xf7: {  	v27 =	vmul.f32 v63, v27;
	v28 =	vadd.f32 v28, v62;
	(pc) =	sbr.rel @p0 .LBB2_4-.Ltmp4, $4  }
.Ltmp5:
0xf8: {  	_ = 	snop;
	(pc) =	sbr.rel @!p0 .LBB2_10-.Ltmp5, $4  }
0xf9: {  	v27 =	vadd.f32 v28, v27  }
0xfa: {  	_ = 	snop  }
0xfb: {  	s30 =	sadd.s32 $0x352, s30;
	s31 =	sadd.s32 $0x352, s31;
	[tilespmem:v33+s25+$0x0] =	vst.idx.msk $0xffff, v27  }
0xfc: {  	_ = 	snop  }
.LBB2_5:
0xfd: {  	v46 =	vimm.f32 $0.0e+00  }
.Ltmp6:
0xfe: {  	v43 =	vimm.f32 $0.0e+00;
	v48 =	vimm.f32 $0.0e+00;
	v49 =	vimm.f32 $0.0e+00;
	(pc) =	sbr.rel .LBB2_9-.Ltmp6, $4  }
0xff: {  	v47 =	vimm.f32 $0.0e+00;
	v50 =	vimm.f32 $0.0e+00;
	v51 =	vimm.f32 $0.0e+00  }
0x100: {  	v54 =	vimm.f32 $0.0e+00;
	v30 =	vimm.f32 $0.0e+00;
	v31 =	vimm.f32 $0.0e+00  }
0x101: {  	v32 =	vimm.f32 $0.0e+00;
	v27 =	vimm.f32 $0.0e+00;
	v34 =	vimm.f32 $0.0e+00  }
0x102: {  	v35 =	vimm.f32 $0.0e+00;
	v37 =	vimm.f32 $0.0e+00;
	v38 =	vimm.f32 $0.0e+00  }
.LBB2_7:
.Ltmp7:
0x103: {  	(pc) =	sbr.rel .LBB2_9-.Ltmp7, $4  }
0x104: {  	_ = 	snop  }
0x105: {  	v46 =	vimm.f32 $0.0e+00;
	v43 =	vimm.f32 $0.0e+00  }
0x106: {  	v48 =	vimm.f32 $0.0e+00;
	v49 =	vimm.f32 $0.0e+00;
	v47 =	vimm.f32 $0.0e+00  }
0x107: {  	v50 =	vimm.f32 $0.0e+00;
	v51 =	vimm.f32 $0.0e+00;
	v54 =	vimm.f32 $0.0e+00  }
.LBB2_10:
0x108: {  	_ =	swait.ge [sflag:s26], $0x4000  }
0x109: {  	[sflag:s26] =	ssyncset.done $0x0  }
0x10a: {  	[sflag:s26] =	ssyncadd.s32 $0xFFFFC000  }
0x10b: {  	_ =	swait.ge [sflag:s28], $0x4000  }
0x10c: {  	[sflag:s28] =	ssyncset.done $0x0  }
0x10d: {  	s30 =	simm.s32 $0x0;
	s0 =	simm.s32 $0x0;
	[sflag:s28] =	ssyncadd.s32 $0xFFFFC000  }
0x10e: {  	[tilespmem:s30], [sflag:$0x1] =	stream.linear.gather [hbm4b:s10+s30], $0x4000, $0x38;
	[tilespmem:$0x16A00] =	vst v63  }
0x10f: {  	s1 =	simm.s32 $0x8020;
	s3 =	smul.u32 $0x352, s0  }
0x110: {  	[tilespmem:s4], [sflag:$0x2] =	stream.linear.gather [hbm4b:s11+s30], $0x4000, $0x38;
	[tilespmem:$0x16A00] =	vst v63  }
0x111: {  	s0 =	simm.s32 $0xC020;
	s16 =	sand.u32 $0xF, s30;
	v27 =	vld [tilespmem:s1+$0xFFFFFFE0]  }
0x112: {  	s3 =	sadd.s32 s16, s3;
	v28 =	vld [tilespmem:s0+$0xFFFFFFE0]  }
0x113: {  	v29 =	vadd.s32 s3, v1;
	_ =	sdelay $0x2  }
0x114: {  	v27 =	vmul.u32 $0x5, v27  }
0x115: {  	s20 =	simm.s32 $0x10000;
	v28 =	vmul.u32 $0x5, v28  }
0x116: {  	s31 =	simm.s32 $0x11B00;
	[tilespmem:v29+s20+$0x0] =	vst.idx.msk $0xffff, v27  }
0x117: {  	[tilespmem:v29+s31+$0x0] =	vst.idx.msk $0xffff, v28  }
0x118: {  	v27 =	vld [tilespmem:s1+$0xFFFFFFF0]  }
0x119: {  	s16 =	sadd.s32 $0x110, s3;
	v28 =	vld [tilespmem:s0+$0xFFFFFFF0]  }
0x11a: {  	v29 =	vadd.s32 s16, v1;
	_ =	sdelay $0x2  }
0x11b: {  	v27 =	vmul.u32 $0x5, v27  }
0x11c: {  	v28 =	vmul.u32 $0x5, v28  }
0x11d: {  	[tilespmem:v29+s20+$0x0] =	vst.idx.msk $0xffff, v27  }
0x11e: {  	[tilespmem:v29+s31+$0x0] =	vst.idx.msk $0xffff, v28  }
0x11f: {  	v27 =	vld [tilespmem:s1+$0x0]  }
0x120: {  	s23 =	sadd.s32 $0x220, s3;
	v28 =	vld [tilespmem:s0+$0x0]  }
0x121: {  	v29 =	vadd.s32 s23, v1;
	_ =	sdelay $0x2  }
0x122: {  	v27 =	vmul.u32 $0x5, v27  }
0x123: {  	v28 =	vmul.u32 $0x5, v28  }
0x124: {  	[tilespmem:v29+s20+$0x0] =	vst.idx.msk $0xffff, v27  }
0x125: {  	[tilespmem:v29+s31+$0x0] =	vst.idx.msk $0xffff, v28  }
0x126: {  	v28 =	vld [tilespmem:s1+$0x2]  }
0x127: {  	s24 =	sadd.s32 $0x242, s3  }
0x128: {  	v27 =	vadd.s32 s24, v1;
	v29 =	vld [tilespmem:s0+$0x2];
	_ =	sdelay $0x2  }
0x129: {  	v30 =	vmul.u32 $0x5, v28  }
0x12a: {  	s3 =	simm.s32 $0x0  }
0x12b: {  	s16 =	simm.s32 $0x1;
	s23 =	simm.s32 $0x2;
	s1 =	simm.s32 $0x80A0;
	v28 =	vmul.u32 $0x5, v29;
	[tilespmem:v27+s20+$0x0] =	vst.idx.msk $0xffff, v30  }
.LBB2_11:
0x12c: {  	s3 =	smul.u32 $0x352, s3  }
0x12d: {  	[tilespmem:v27+s31+$0x0] =	vst.idx.msk $0xffff, v28;
	s0 =	sadd.s32 $0x80, s0;
	s4 =	smov.u32 s23;
	s24 =	sadd.s32 $0x1, s23  }
0x12e: {  	p0 =	sne.s32 s23, $0x7F;
	s23 =	sand.u32 $0xF, s16;
	v27 =	vld [tilespmem:s1+$0xFFFFFFE0];
	s16 =	smov.u32 s4  }
0x12f: {  	s3 =	sadd.s32 s23, s3;
	v28 =	vld [tilespmem:s0+$0xFFFFFFE0]  }
0x130: {  	v29 =	vadd.s32 s3, v1;
	s4 =	sadd.s32 $0x110, s3;
	s23 =	sadd.s32 $0x220, s3;
	s3 =	sadd.s32 $0x242, s3  }
0x131: {  	_ =	sdelay $0x1  }
0x132: {  	v27 =	vmul.u32 $0x5, v27  }
0x133: {  	v28 =	vmul.u32 $0x5, v28  }
0x134: {  	[tilespmem:v29+s20+$0x0] =	vst.idx.msk $0xffff, v27  }
0x135: {  	[tilespmem:v29+s31+$0x0] =	vst.idx.msk $0xffff, v28  }
0x136: {  	v27 =	vld [tilespmem:s1+$0xFFFFFFF0]  }
0x137: {  	v28 =	vld [tilespmem:s0+$0xFFFFFFF0]  }
0x138: {  	v29 =	vadd.s32 s4, v1;
	_ =	sdelay $0x2  }
0x139: {  	v27 =	vmul.u32 $0x5, v27  }
0x13a: {  	v28 =	vmul.u32 $0x5, v28  }
0x13b: {  	[tilespmem:v29+s20+$0x0] =	vst.idx.msk $0xffff, v27  }
0x13c: {  	[tilespmem:v29+s31+$0x0] =	vst.idx.msk $0xffff, v28  }
0x13d: {  	v27 =	vld [tilespmem:s1+$0x0]  }
0x13e: {  	v28 =	vld [tilespmem:s0+$0x0]  }
0x13f: {  	v29 =	vadd.s32 s23, v1;
	_ =	sdelay $0x2  }
0x140: {  	v27 =	vmul.u32 $0x5, v27  }
0x141: {  	v28 =	vmul.u32 $0x5, v28  }
0x142: {  	[tilespmem:v29+s20+$0x0] =	vst.idx.msk $0xffff, v27  }
0x143: {  	[tilespmem:v29+s31+$0x0] =	vst.idx.msk $0xffff, v28  }
0x144: {  	v28 =	vld [tilespmem:s1+$0x2]  }
0x145: {  	v29 =	vld [tilespmem:s0+$0x2]  }
0x146: {  	v27 =	vadd.s32 s3, v1  }
.Ltmp8:
0x147: {  	(pc) =	sbr.rel @p0 .LBB2_11-.Ltmp8, $4  }
0x148: {  	_ = 	snop  }
0x149: {  	v30 =	vmul.u32 $0x5, v28  }
0x14a: {  	v28 =	vmul.u32 $0x5, v29  }
0x14b: {  	s23 =	smov.u32 s24;
	s3 =	sshrl.u32 s16, $0x4;
	s1 =	sadd.s32 $0x80, s1;
	[tilespmem:v27+s20+$0x0] =	vst.idx.msk $0xffff, v30  }
0x14c: {  	_ =	sdelay $0x3  }
0x14d: {  	s3 =	smul.u32 $0x352, s3;
	[tilespmem:v27+s31+$0x0] =	vst.idx.msk $0xffff, v28  }
0x14e: {  	s4 =	sadd.s32 $0x80, s0;
	s16 =	sand.u32 $0xF, s16;
	v27 =	vld [tilespmem:s1+$0xFFFFFFE0]  }
0x14f: {  	v28 =	vld [tilespmem:s4+$0xFFFFFFE0];
	s3 =	sadd.s32 s16, s3  }
0x150: {  	v29 =	vadd.s32 s3, v1;
	_ =	sdelay $0x2  }
0x151: {  	v27 =	vmul.u32 $0x5, v27  }
0x152: {  	s0 =	simm.s32 $0x10000;
	v28 =	vmul.u32 $0x5, v28  }
0x153: {  	s31 =	simm.s32 $0x11B00;
	[tilespmem:v29+s0+$0x0] =	vst.idx.msk $0xffff, v27  }
0x154: {  	[tilespmem:v29+s31+$0x0] =	vst.idx.msk $0xffff, v28  }
0x155: {  	v27 =	vld [tilespmem:s1+$0xFFFFFFF0]  }
0x156: {  	s20 =	sadd.s32 $0x110, s3;
	v28 =	vld [tilespmem:s4+$0xFFFFFFF0]  }
0x157: {  	v61 =	vadd.s32 s20, v1;
	_ =	sdelay $0x2  }
0x158: {  	v27 =	vmul.u32 $0x5, v27  }
0x159: {  	v28 =	vmul.u32 $0x5, v28  }
0x15a: {  	[tilespmem:v61+s0+$0x0] =	vst.idx.msk $0xffff, v27  }
0x15b: {  	[tilespmem:v61+s31+$0x0] =	vst.idx.msk $0xffff, v28  }
0x15c: {  	v27 =	vld [tilespmem:s1+$0x0]  }
0x15d: {  	s23 =	sadd.s32 $0x220, s3;
	v28 =	vld [tilespmem:s4+$0x0]  }
0x15e: {  	v62 =	vadd.s32 s23, v1;
	_ =	sdelay $0x2  }
0x15f: {  	v27 =	vmul.u32 $0x5, v27  }
0x160: {  	v28 =	vmul.u32 $0x5, v28  }
0x161: {  	[tilespmem:v62+s0+$0x0] =	vst.idx.msk $0xffff, v27  }
0x162: {  	[tilespmem:v62+s31+$0x0] =	vst.idx.msk $0xffff, v28  }
0x163: {  	v27 =	vld [tilespmem:s1+$0x2]  }
0x164: {  	s24 =	sadd.s32 $0x242, s3;
	v28 =	vld [tilespmem:s4+$0x2]  }
0x165: {  	v63 =	vadd.s32 s24, v1;
	_ =	sdelay $0x2  }
0x166: {  	v27 =	vmul.u32 $0x5, v27  }
0x167: {  	v28 =	vmul.u32 $0x5, v28  }
0x168: {  	[tilespmem:v63+s0+$0x0] =	vst.idx.msk $0xffff, v27  }
0x169: {  	[tilespmem:v63+s31+$0x0] =	vst.idx.msk $0xffff, v28  }
.LBB2_13:
0x16a: {  	v28 =	vmov s31  }
0x16b: {  	v34 =	vmov s0;
	_ =	sdelay $0x2  }
0x16c: {  	s1 =	simm.s32 $0x0  }
0x16d: {  	v27 =	vld.idx.msk [tilespmem:v28+s1+$0x0 ss:$0x1], $0xffff  }
0x16e: {  	s24 =	simm.s32 $0x11;
	v29 =	vld.idx.msk [tilespmem:v34+s1+$0x0 ss:$0x1], $0xffff  }
0x16f: {  	v40 =	vld.idx.msk [tilespmem:v28+s24+$0x0 ss:$0x1], $0xffff;
	_ =	sdelay $0x3  }
0x170: {  	v30 =	vadd.s32 $0x3, v27  }
0x171: {  	v39 =	vld.idx.msk [tilespmem:v34+s24+$0x0 ss:$0x1], $0xffff;
	v31 =	vadd.s32 $0x1, v29  }
0x172: {  	v33 =	vadd.s32 $0x1, v27;
	v32 =	vld.idx.msk [tilespmem:v27+s19+$0x0], $0xffff  }
0x173: {  	v44 =	vadd.s32 $0x2, v29;
	v35 =	vld.idx.msk [tilespmem:v29+s19+$0x0], $0xffff  }
0x174: {  	v51 =	vld.idx.msk [tilespmem:v40+s19+$0x0], $0xffff  }
0x175: {  	v37 =	vimm.f32 $0.0e+00;
	v42 =	vadd.s32 $0x3, v29;
	v36 =	vld.idx.msk [tilespmem:v30+s19+$0x0], $0xffff  }
0x176: {  	v48 =	vimm.f32 $0.0e+00;
	v46 =	vimm.f32 $0.0e+00;
	v27 =	vadd.s32 $0x2, v27;
	v38 =	vld.idx.msk [tilespmem:v31+s19+$0x0], $0xffff  }
0x177: {  	v52 =	vadd.s32 $0x3, v40;
	v56 =	vadd.s32 $0x1, v39;
	v50 =	vadd.s32 $0x1, v40;
	v43 =	vld.idx.msk [tilespmem:v33+s19+$0x0], $0xffff  }
0x178: {  	v47 =	vadd.s32 $0x2, v40;
	v40 =	vimm.f32 $0.0e+00;
	v49 =	vld.idx.msk [tilespmem:v44+s19+$0x0], $0xffff;
	v44 =	vimm.f32 $0.0e+00  }
0x179: {  	v60 =	vunpack.i.u.bf16.f32 v32;
	v29 =	vunpack.i.l.bf16.f32 v32;
	v30 =	vunpack.i.l.bf16.f32 v35  }
0x17a: {  	v55 =	vld.idx.msk [tilespmem:v42+s19+$0x0], $0xffff;
	v31 =	vunpack.i.u.bf16.f32 v35;
	v29 =	vadd.f32 v29, v37;
	v30 =	vadd.f32 v30, v37  }
0x17b: {  	v42 =	vimm.f32 $0.0e+00;
	v45 =	vld.idx.msk [tilespmem:v27+s19+$0x0], $0xffff;
	v31 =	vadd.f32 v31, v37;
	v32 =	vadd.f32 v60, v37  }
0x17c: {  	v27 =	vunpack.i.u.bf16.f32 v36;
	v61 =	vunpack.i.l.bf16.f32 v36;
	v41 =	vunpack.i.u.bf16.f32 v38  }
0x17d: {  	v62 =	vunpack.i.l.bf16.f32 v38;
	v63 =	vunpack.i.u.bf16.f32 v43;
	v38 =	vadd.s32 $0x3, v39  }
0x17e: {  	v57 =	vunpack.i.l.bf16.f32 v43;
	v27 =	vadd.f32 v27, v37;
	v33 =	vadd.f32 v61, v37  }
0x17f: {  	v43 =	vimm.f32 $0.0e+00;
	v35 =	vadd.f32 v63, v37;
	v36 =	vadd.f32 v62, v37  }
0x180: {  	s1 =	simm.s32 $0x88;
	v53 =	vld.idx.msk [tilespmem:v39+s19+$0x0], $0xffff;
	v54 =	vunpack.i.l.bf16.f32 v45;
	v58 =	vunpack.i.u.bf16.f32 v45;
	v45 =	vimm.f32 $0.0e+00  }
.LBB2_14:
0x181: {  	s3 =	sshra.s32 s1, $0x2;
	p0 =	sne.s32 s1, $0xD04;
	s1 =	sadd.s32 $0x44, s1;
	v59 =	vld.idx.msk [tilespmem:v52+s19+$0x0], $0xffff;
	v52 =	vunpack.i.l.bf16.f32 v49;
	v37 =	vadd.f32 v58, v37;
	v58 =	vunpack.i.u.bf16.f32 v55  }
0x182: {  	v61 =	vadd.s32 $0x2, v39;
	v39 =	vunpack.i.l.bf16.f32 v55;
	v60 =	vld.idx.msk [tilespmem:v28+s3+$0x0 ss:$0x1], $0xffff;
	v48 =	vadd.f32 v58, v48  }
0x183: {  	v46 =	vadd.f32 v57, v46;
	v49 =	vunpack.i.u.bf16.f32 v49;
	v44 =	vadd.f32 v39, v44;
	v56 =	vld.idx.msk [tilespmem:v56+s19+$0x0], $0xffff  }
0x184: {  	v45 =	vadd.f32 v54, v45;
	v40 =	vadd.f32 v49, v40;
	v57 =	vunpack.i.u.bf16.f32 v51;
	v58 =	vld.idx.msk [tilespmem:v50+s19+$0x0], $0xffff  }
0x185: {  	v42 =	vadd.f32 v41, v42;
	v43 =	vadd.f32 v52, v43;
	v49 =	vunpack.i.l.bf16.f32 v51;
	v39 =	vld.idx.msk [tilespmem:v34+s3+$0x0 ss:$0x1], $0xffff  }
0x186: {  	v29 =	vadd.f32 v49, v29;
	v41 =	vunpack.i.u.bf16.f32 v53;
	v50 =	vunpack.i.l.bf16.f32 v53;
	v62 =	vld.idx.msk [tilespmem:v47+s19+$0x0], $0xffff  }
0x187: {  	v30 =	vadd.f32 v50, v30;
	v31 =	vadd.f32 v41, v31;
	v41 =	vunpack.i.u.bf16.f32 v59;
	v49 =	vld.idx.msk [tilespmem:v61+s19+$0x0], $0xffff  }
0x188: {  	v52 =	vadd.s32 $0x3, v60;
	v27 =	vadd.f32 v41, v27;
	v55 =	vld.idx.msk [tilespmem:v38+s19+$0x0], $0xffff;
	v38 =	vunpack.i.l.bf16.f32 v59  }
.Ltmp9:
0x189: {  	v32 =	vadd.f32 v57, v32;
	v33 =	vadd.f32 v38, v33;
	(pc) =	sbr.rel @p0 .LBB2_14-.Ltmp9, $4  }
0x18a: {  	v41 =	vunpack.i.u.bf16.f32 v56;
	v38 =	vunpack.i.l.bf16.f32 v56;
	v47 =	vunpack.i.u.bf16.f32 v58  }
0x18b: {  	v50 =	vadd.s32 $0x1, v60;
	v56 =	vadd.s32 $0x1, v39;
	v35 =	vadd.f32 v47, v35;
	v51 =	vld.idx.msk [tilespmem:v60+s19+$0x0], $0xffff  }
0x18c: {  	v47 =	vadd.s32 $0x2, v60;
	v36 =	vadd.f32 v38, v36;
	v54 =	vunpack.i.l.bf16.f32 v62  }
0x18d: {  	v57 =	vunpack.i.l.bf16.f32 v58;
	v38 =	vadd.s32 $0x3, v39;
	v58 =	vunpack.i.u.bf16.f32 v62;
	v53 =	vld.idx.msk [tilespmem:v39+s19+$0x0], $0xffff  }
0x18e: {  	_ =	sdelay $0x1  }
0x18f: {  	v28 =	vunpack.i.u.bf16.f32 v55  }
0x190: {  	v34 =	vadd.f32 v58, v37;
	v62 =	vunpack.i.l.bf16.f32 v49;
	v46 =	vadd.f32 v57, v46  }
0x191: {  	v63 =	vunpack.i.l.bf16.f32 v55;
	v56 =	vld.idx.msk [tilespmem:v56+s19+$0x0], $0xffff;
	v45 =	vadd.f32 v54, v45;
	v41 =	vadd.f32 v41, v42  }
0x192: {  	s1 =	sshll.u32 s30, $0x4;
	v57 =	vunpack.i.u.bf16.f32 v49;
	v50 =	vld.idx.msk [tilespmem:v50+s19+$0x0], $0xffff;
	v37 =	vadd.f32 v28, v48;
	v44 =	vadd.f32 v63, v44  }
0x193: {  	v60 =	vld.idx.msk [tilespmem:v47+s19+$0x0], $0xffff;
	s1 =	sadd.s32 $0x80, s1;
	v40 =	vadd.f32 v57, v40;
	v42 =	vadd.f32 v62, v43;
	v59 =	vunpack.i.l.bf16.f32 v51  }
0x194: {  	v28 =	vor.u32 s1, v0;
	v58 =	vunpack.i.u.bf16.f32 v51;
	v29 =	vadd.f32 v59, v29  }
0x195: {  	v48 =	vld.idx.msk [tilespmem:v52+s19+$0x0], $0xffff;
	v32 =	vadd.f32 v58, v32;
	v61 =	vunpack.i.u.bf16.f32 v53;
	v62 =	vunpack.i.l.bf16.f32 v53  }
0x196: {  	v39 =	vadd.s32 $0x2, v39;
	v38 =	vld.idx.msk [tilespmem:v38+s19+$0x0], $0xffff;
	v30 =	vadd.f32 v62, v30;
	v31 =	vadd.f32 v61, v31  }
0x197: {  	v47 =	vunpack.i.u.bf16.f32 v56;
	v56 =	vunpack.i.l.bf16.f32 v56;
	v57 =	vunpack.i.u.bf16.f32 v50  }
0x198: {  	v51 =	vunpack.i.l.bf16.f32 v60;
	v50 =	vunpack.i.l.bf16.f32 v50;
	v29 =	vadd.f32 v29, v2  }
0x199: {  	v43 =	vunpack.i.u.bf16.f32 v60;
	v32 =	vadd.f32 v32, v3;
	v35 =	vadd.f32 v57, v35  }
0x19a: {  	v54 =	vunpack.i.l.bf16.f32 v48;
	v36 =	vadd.f32 v56, v36;
	v34 =	vadd.f32 v43, v34;
	v63 =	vld.idx.msk [tilespmem:v28+s17+$0x0], $0xffff  }
0x19b: {  	v60 =	vadd.f32 v50, v46;
	v46 =	vunpack.i.u.bf16.f32 v38;
	v33 =	vadd.f32 v54, v33  }
0x19c: {  	v30 =	vadd.f32 v30, v2;
	v29 =	vmax.f32 v29, $0.0e+00;
	v31 =	vadd.f32 v31, v3  }
0x19d: {  	v39 =	vld.idx.msk [tilespmem:v39+s19+$0x0], $0xffff;
	v62 =	vmax.f32 v32, $0.0e+00;
	v36 =	vadd.f32 v36, v4;
	v53 =	vadd.f32 v60, v4  }
0x19e: {  	v29 =	vmin.f32 v29, $1.000000000e+00;
	v35 =	vadd.f32 v35, v5;
	v60 =	vadd.f32 v51, v45  }
0x19f: {  	v45 =	vunpack.i.l.bf16.f32 v38;
	v30 =	vmax.f32 v30, $0.0e+00;
	vm0 =	veq.s32 v63, $0x0  }
0x1a0: {  	v34 =	vadd.f32 v34, v7;
	v30 =	vmin.f32 v30, $1.000000000e+00;
	v49 =	vsel vm0, v10, v18  }
0x1a1: {  	v51 =	vadd.f32 v46, v37;
	v31 =	vmax.f32 v31, $0.0e+00;
	v30 =	vmul.f32 v49, v30  }
0x1a2: {  	v58 =	vunpack.i.l.bf16.f32 v39;
	v31 =	vmin.f32 v31, $1.000000000e+00;
	v59 =	vsel vm0, v18, v10  }
0x1a3: {  	v50 =	vmax.f32 v36, $0.0e+00;
	v29 =	vmul.f32 v59, v29;
	v30 =	vadd.f32 v30, v26  }
0x1a4: {  	v36 =	vmax.f32 v53, $0.0e+00;
	v39 =	vunpack.i.u.bf16.f32 v39;
	v61 =	vsel vm0, v11, v19  }
0x1a5: {  	v35 =	vmax.f32 v35, $0.0e+00;
	v31 =	vmul.f32 v61, v31;
	v29 =	vadd.f32 v30, v29  }
0x1a6: {  	v34 =	vmax.f32 v34, $0.0e+00;
	v63 =	vsel vm0, v19, v11;
	v30 =	vmin.f32 v62, $1.000000000e+00  }
0x1a7: {  	v49 =	vadd.f32 v47, v41;
	v30 =	vmul.f32 v63, v30;
	v29 =	vadd.f32 v29, v31  }
0x1a8: {  	v32 =	vmin.f32 v50, $1.000000000e+00;
	v55 =	vadd.f32 v58, v42;
	v54 =	vsel vm0, v12, v20  }
0x1a9: {  	v31 =	vadd.f32 v49, v5;
	v29 =	vadd.f32 v29, v30;
	v30 =	vmul.f32 v54, v32  }
0x1aa: {  	v36 =	vmin.f32 v36, $1.000000000e+00;
	v35 =	vmin.f32 v35, $1.000000000e+00;
	v56 =	vsel vm0, v20, v12  }
0x1ab: {  	v57 =	vmul.f32 v56, v36;
	v31 =	vmax.f32 v31, $0.0e+00;
	v29 =	vadd.f32 v29, v30  }
0x1ac: {  	v58 =	vsel vm0, v13, v21;
	v61 =	vsel vm0, v21, v13;
	v31 =	vmin.f32 v31, $1.000000000e+00  }
0x1ad: {  	v32 =	vadd.f32 v55, v6;
	v59 =	vmul.f32 v58, v31;
	v29 =	vadd.f32 v29, v57  }
0x1ae: {  	v34 =	vmin.f32 v34, $1.000000000e+00;
	v62 =	vmul.f32 v61, v35;
	v63 =	vadd.f32 v39, v40  }
0x1af: {  	v32 =	vmax.f32 v32, $0.0e+00;
	v31 =	vadd.f32 v60, v6;
	v29 =	vadd.f32 v29, v59  }
0x1b0: {  	v40 =	vsel vm0, v14, v22;
	v35 =	vadd.f32 v63, v7;
	v32 =	vmin.f32 v32, $1.000000000e+00  }
0x1b1: {  	v41 =	vmax.f32 v31, $0.0e+00;
	v42 =	vmul.f32 v40, v32;
	v29 =	vadd.f32 v29, v62  }
0x1b2: {  	v43 =	vsel vm0, v22, v14;
	v47 =	vadd.f32 v45, v44;
	v30 =	vmin.f32 v41, $1.000000000e+00  }
0x1b3: {  	v49 =	vmax.f32 v35, $0.0e+00;
	v30 =	vmul.f32 v43, v30;
	v29 =	vadd.f32 v29, v42  }
0x1b4: {  	v50 =	vsel vm0, v15, v23;
	v52 =	vsel vm0, v23, v15;
	v32 =	vmin.f32 v49, $1.000000000e+00  }
0x1b5: {  	v31 =	vadd.f32 v47, v8;
	v29 =	vadd.f32 v29, v30;
	v30 =	vmul.f32 v50, v32  }
0x1b6: {  	v33 =	vadd.f32 v33, v8;
	v53 =	vmul.f32 v52, v34;
	v54 =	vsel vm0, v16, v24  }
0x1b7: {  	v55 =	vunpack.i.u.bf16.f32 v48;
	v31 =	vmax.f32 v31, $0.0e+00;
	v29 =	vadd.f32 v29, v30  }
0x1b8: {  	v27 =	vadd.f32 v55, v27;
	v57 =	vmax.f32 v33, $0.0e+00;
	v31 =	vmin.f32 v31, $1.000000000e+00  }
0x1b9: {  	v56 =	vmul.f32 v54, v31;
	v32 =	vadd.f32 v51, v9;
	v29 =	vadd.f32 v29, v53  }
0x1ba: {  	v58 =	vsel vm0, v24, v16;
	v27 =	vadd.f32 v27, v9;
	v31 =	vmin.f32 v57, $1.000000000e+00  }
0x1bb: {  	v59 =	vmul.f32 v58, v31;
	v60 =	vmax.f32 v32, $0.0e+00;
	v29 =	vadd.f32 v29, v56  }
0x1bc: {  	v61 =	vsel vm0, v17, v25;
	v31 =	vmin.f32 v60, $1.000000000e+00  }
0x1bd: {  	s30 =	sadd.s32 $0x1, s30;
	v27 =	vmax.f32 v27, $0.0e+00;
	v62 =	vmul.f32 v61, v31;
	v29 =	vadd.f32 v29, v59  }
0x1be: {  	p0 =	sne.s32 s30, $0x8;
	v63 =	vsel vm0, v25, v17;
	v27 =	vmin.f32 v27, $1.000000000e+00  }
.Ltmp10:
0x1bf: {  	v27 =	vmul.f32 v63, v27;
	v29 =	vadd.f32 v29, v62;
	(pc) =	sbr.rel @p0 .LBB2_13-.Ltmp10, $3  }
0x1c0: {  	_ = 	snop  }
0x1c1: {  	v27 =	vadd.f32 v29, v27;
	_ =	sdelay $0x1  }
0x1c2: {  	s0 =	sadd.s32 $0x352, s0;
	s31 =	sadd.s32 $0x352, s31;
	[tilespmem:v28+s25+$0x0] =	vst.idx.msk $0xffff, v27  }
0x1c3: {  	_ =	swait.ge [sflag:s21], $0x4000  }
0x1c4: {  	[sflag:s21] =	ssyncset.done $0x0  }
0x1c5: {  	[sflag:s21] =	ssyncadd.s32 $0xFFFFC000  }
0x1c6: {  	_ =	swait.ge [sflag:s22], $0x4000  }
0x1c7: {  	s30 =	simm.s32 $0x0;
	[sflag:s22] =	ssyncset.done $0x0  }
0x1c8: {  	s0 =	simm.s32 $0x8000;
	s20 =	simm.s32 $0x0;
	[sflag:s22] =	ssyncadd.s32 $0xFFFFC000  }
0x1c9: {  	[tilespmem:s0], [sflag:$0x3] =	stream.linear.gather [hbm4b:s12+s30], $0x4000, $0x38;
	[tilespmem:$0x16A00] =	vst v63  }
0x1ca: {  	s16 =	simm.s32 $0xC000;
	s1 =	simm.s32 $0x20;
	s3 =	smul.u32 $0x352, s20  }
0x1cb: {  	[tilespmem:s16], [sflag:$0x4] =	stream.linear.gather [hbm4b:s13+s30], $0x4000, $0x38;
	[tilespmem:$0x16A00] =	vst v63  }
0x1cc: {  	s4 =	sand.u32 $0xF, s30;
	s0 =	simm.s32 $0x4020;
	v27 =	vld [tilespmem:s1+$0xFFFFFFE0]  }
0x1cd: {  	s3 =	sadd.s32 s4, s3;
	v28 =	vld [tilespmem:s0+$0xFFFFFFE0]  }
0x1ce: {  	v29 =	vadd.s32 s3, v1;
	_ =	sdelay $0x2  }
0x1cf: {  	v27 =	vmul.u32 $0x5, v27  }
0x1d0: {  	s20 =	simm.s32 $0x10000;
	v28 =	vmul.u32 $0x5, v28  }
0x1d1: {  	s31 =	simm.s32 $0x11B00;
	[tilespmem:v29+s20+$0x0] =	vst.idx.msk $0xffff, v27  }
0x1d2: {  	[tilespmem:v29+s31+$0x0] =	vst.idx.msk $0xffff, v28  }
0x1d3: {  	v27 =	vld [tilespmem:s1+$0xFFFFFFF0]  }
0x1d4: {  	s4 =	sadd.s32 $0x110, s3;
	v28 =	vld [tilespmem:s0+$0xFFFFFFF0]  }
0x1d5: {  	v29 =	vadd.s32 s4, v1;
	_ =	sdelay $0x2  }
0x1d6: {  	v27 =	vmul.u32 $0x5, v27  }
0x1d7: {  	v28 =	vmul.u32 $0x5, v28  }
0x1d8: {  	[tilespmem:v29+s20+$0x0] =	vst.idx.msk $0xffff, v27  }
0x1d9: {  	[tilespmem:v29+s31+$0x0] =	vst.idx.msk $0xffff, v28  }
0x1da: {  	v27 =	vld [tilespmem:s1+$0x0]  }
0x1db: {  	s23 =	sadd.s32 $0x220, s3;
	v28 =	vld [tilespmem:s0+$0x0]  }
0x1dc: {  	v29 =	vadd.s32 s23, v1;
	_ =	sdelay $0x2  }
0x1dd: {  	v27 =	vmul.u32 $0x5, v27  }
0x1de: {  	v28 =	vmul.u32 $0x5, v28  }
0x1df: {  	[tilespmem:v29+s20+$0x0] =	vst.idx.msk $0xffff, v27  }
0x1e0: {  	[tilespmem:v29+s31+$0x0] =	vst.idx.msk $0xffff, v28  }
0x1e1: {  	v28 =	vld [tilespmem:s1+$0x2]  }
0x1e2: {  	s24 =	sadd.s32 $0x242, s3  }
0x1e3: {  	v27 =	vadd.s32 s24, v1;
	v29 =	vld [tilespmem:s0+$0x2];
	_ =	sdelay $0x2  }
0x1e4: {  	v30 =	vmul.u32 $0x5, v28  }
0x1e5: {  	s3 =	simm.s32 $0x0  }
0x1e6: {  	s16 =	simm.s32 $0x1;
	s24 =	simm.s32 $0x2;
	s1 =	simm.s32 $0xA0;
	v28 =	vmul.u32 $0x5, v29;
	[tilespmem:v27+s20+$0x0] =	vst.idx.msk $0xffff, v30  }
.LBB2_17:
0x1e7: {  	s3 =	smul.u32 $0x352, s3  }
0x1e8: {  	[tilespmem:v27+s31+$0x0] =	vst.idx.msk $0xffff, v28;
	s0 =	sadd.s32 $0x80, s0;
	s4 =	smov.u32 s24;
	s23 =	sadd.s32 $0x1, s24  }
0x1e9: {  	p0 =	sne.s32 s24, $0x7F;
	s24 =	sand.u32 $0xF, s16;
	v27 =	vld [tilespmem:s1+$0xFFFFFFE0];
	s16 =	smov.u32 s4  }
0x1ea: {  	s3 =	sadd.s32 s24, s3;
	v28 =	vld [tilespmem:s0+$0xFFFFFFE0]  }
0x1eb: {  	v29 =	vadd.s32 s3, v1;
	s4 =	sadd.s32 $0x110, s3;
	s24 =	sadd.s32 $0x220, s3;
	s3 =	sadd.s32 $0x242, s3  }
0x1ec: {  	_ =	sdelay $0x1  }
0x1ed: {  	v27 =	vmul.u32 $0x5, v27  }
0x1ee: {  	v28 =	vmul.u32 $0x5, v28  }
0x1ef: {  	[tilespmem:v29+s20+$0x0] =	vst.idx.msk $0xffff, v27  }
0x1f0: {  	[tilespmem:v29+s31+$0x0] =	vst.idx.msk $0xffff, v28  }
0x1f1: {  	v27 =	vld [tilespmem:s1+$0xFFFFFFF0]  }
0x1f2: {  	v28 =	vld [tilespmem:s0+$0xFFFFFFF0]  }
0x1f3: {  	v29 =	vadd.s32 s4, v1;
	_ =	sdelay $0x2  }
0x1f4: {  	v27 =	vmul.u32 $0x5, v27  }
0x1f5: {  	v28 =	vmul.u32 $0x5, v28  }
0x1f6: {  	[tilespmem:v29+s20+$0x0] =	vst.idx.msk $0xffff, v27  }
0x1f7: {  	[tilespmem:v29+s31+$0x0] =	vst.idx.msk $0xffff, v28  }
0x1f8: {  	v27 =	vld [tilespmem:s1+$0x0]  }
0x1f9: {  	v28 =	vld [tilespmem:s0+$0x0]  }
0x1fa: {  	v29 =	vadd.s32 s24, v1;
	_ =	sdelay $0x2  }
0x1fb: {  	v27 =	vmul.u32 $0x5, v27  }
0x1fc: {  	v28 =	vmul.u32 $0x5, v28  }
0x1fd: {  	[tilespmem:v29+s20+$0x0] =	vst.idx.msk $0xffff, v27  }
0x1fe: {  	[tilespmem:v29+s31+$0x0] =	vst.idx.msk $0xffff, v28  }
0x1ff: {  	v28 =	vld [tilespmem:s1+$0x2]  }
0x200: {  	v29 =	vld [tilespmem:s0+$0x2]  }
0x201: {  	v27 =	vadd.s32 s3, v1  }
.Ltmp11:
0x202: {  	(pc) =	sbr.rel @p0 .LBB2_17-.Ltmp11, $4  }
0x203: {  	_ = 	snop  }
0x204: {  	v30 =	vmul.u32 $0x5, v28  }
0x205: {  	v28 =	vmul.u32 $0x5, v29  }
0x206: {  	s24 =	smov.u32 s23;
	s3 =	sshrl.u32 s16, $0x4;
	s1 =	sadd.s32 $0x80, s1;
	[tilespmem:v27+s20+$0x0] =	vst.idx.msk $0xffff, v30  }
0x207: {  	_ =	sdelay $0x3  }
0x208: {  	s3 =	smul.u32 $0x352, s3;
	[tilespmem:v27+s31+$0x0] =	vst.idx.msk $0xffff, v28  }
0x209: {  	s4 =	sadd.s32 $0x80, s0;
	s16 =	sand.u32 $0xF, s16;
	v27 =	vld [tilespmem:s1+$0xFFFFFFE0]  }
0x20a: {  	v28 =	vld [tilespmem:s4+$0xFFFFFFE0];
	s3 =	sadd.s32 s16, s3  }
0x20b: {  	v29 =	vadd.s32 s3, v1;
	_ =	sdelay $0x2  }
0x20c: {  	v27 =	vmul.u32 $0x5, v27  }
0x20d: {  	s0 =	simm.s32 $0x10000;
	v28 =	vmul.u32 $0x5, v28  }
0x20e: {  	s31 =	simm.s32 $0x11B00;
	[tilespmem:v29+s0+$0x0] =	vst.idx.msk $0xffff, v27  }
0x20f: {  	[tilespmem:v29+s31+$0x0] =	vst.idx.msk $0xffff, v28  }
0x210: {  	v27 =	vld [tilespmem:s1+$0xFFFFFFF0]  }
0x211: {  	s20 =	sadd.s32 $0x110, s3;
	v28 =	vld [tilespmem:s4+$0xFFFFFFF0]  }
0x212: {  	v61 =	vadd.s32 s20, v1;
	_ =	sdelay $0x2  }
0x213: {  	v27 =	vmul.u32 $0x5, v27  }
0x214: {  	v28 =	vmul.u32 $0x5, v28  }
0x215: {  	[tilespmem:v61+s0+$0x0] =	vst.idx.msk $0xffff, v27  }
0x216: {  	[tilespmem:v61+s31+$0x0] =	vst.idx.msk $0xffff, v28  }
0x217: {  	v27 =	vld [tilespmem:s1+$0x0]  }
0x218: {  	s23 =	sadd.s32 $0x220, s3;
	v28 =	vld [tilespmem:s4+$0x0]  }
0x219: {  	v62 =	vadd.s32 s23, v1;
	_ =	sdelay $0x2  }
0x21a: {  	v27 =	vmul.u32 $0x5, v27  }
0x21b: {  	v28 =	vmul.u32 $0x5, v28  }
0x21c: {  	[tilespmem:v62+s0+$0x0] =	vst.idx.msk $0xffff, v27  }
0x21d: {  	[tilespmem:v62+s31+$0x0] =	vst.idx.msk $0xffff, v28  }
0x21e: {  	v27 =	vld [tilespmem:s1+$0x2]  }
0x21f: {  	s24 =	sadd.s32 $0x242, s3;
	v28 =	vld [tilespmem:s4+$0x2]  }
0x220: {  	v63 =	vadd.s32 s24, v1;
	_ =	sdelay $0x2  }
0x221: {  	v27 =	vmul.u32 $0x5, v27  }
0x222: {  	v28 =	vmul.u32 $0x5, v28  }
0x223: {  	[tilespmem:v63+s0+$0x0] =	vst.idx.msk $0xffff, v27  }
0x224: {  	[tilespmem:v63+s31+$0x0] =	vst.idx.msk $0xffff, v28  }
.LBB2_19:
0x225: {  	v28 =	vmov s31  }
0x226: {  	v34 =	vmov s0;
	_ =	sdelay $0x2  }
0x227: {  	s1 =	simm.s32 $0x0  }
0x228: {  	v27 =	vld.idx.msk [tilespmem:v28+s1+$0x0 ss:$0x1], $0xffff  }
0x229: {  	s24 =	simm.s32 $0x11;
	v29 =	vld.idx.msk [tilespmem:v34+s1+$0x0 ss:$0x1], $0xffff  }
0x22a: {  	v40 =	vld.idx.msk [tilespmem:v28+s24+$0x0 ss:$0x1], $0xffff;
	_ =	sdelay $0x3  }
0x22b: {  	v30 =	vadd.s32 $0x3, v27  }
0x22c: {  	v39 =	vld.idx.msk [tilespmem:v34+s24+$0x0 ss:$0x1], $0xffff;
	v31 =	vadd.s32 $0x1, v29  }
0x22d: {  	v33 =	vadd.s32 $0x1, v27;
	v32 =	vld.idx.msk [tilespmem:v27+s19+$0x0], $0xffff  }
0x22e: {  	v44 =	vadd.s32 $0x2, v29;
	v35 =	vld.idx.msk [tilespmem:v29+s19+$0x0], $0xffff  }
0x22f: {  	v51 =	vld.idx.msk [tilespmem:v40+s19+$0x0], $0xffff  }
0x230: {  	v37 =	vimm.f32 $0.0e+00;
	v42 =	vadd.s32 $0x3, v29;
	v36 =	vld.idx.msk [tilespmem:v30+s19+$0x0], $0xffff  }
0x231: {  	v48 =	vimm.f32 $0.0e+00;
	v46 =	vimm.f32 $0.0e+00;
	v27 =	vadd.s32 $0x2, v27;
	v38 =	vld.idx.msk [tilespmem:v31+s19+$0x0], $0xffff  }
0x232: {  	v52 =	vadd.s32 $0x3, v40;
	v56 =	vadd.s32 $0x1, v39;
	v50 =	vadd.s32 $0x1, v40;
	v43 =	vld.idx.msk [tilespmem:v33+s19+$0x0], $0xffff  }
0x233: {  	v47 =	vadd.s32 $0x2, v40;
	v40 =	vimm.f32 $0.0e+00;
	v49 =	vld.idx.msk [tilespmem:v44+s19+$0x0], $0xffff;
	v44 =	vimm.f32 $0.0e+00  }
0x234: {  	v60 =	vunpack.i.u.bf16.f32 v32;
	v29 =	vunpack.i.l.bf16.f32 v32;
	v30 =	vunpack.i.l.bf16.f32 v35  }
0x235: {  	v55 =	vld.idx.msk [tilespmem:v42+s19+$0x0], $0xffff;
	v31 =	vunpack.i.u.bf16.f32 v35;
	v29 =	vadd.f32 v29, v37;
	v30 =	vadd.f32 v30, v37  }
0x236: {  	v42 =	vimm.f32 $0.0e+00;
	v45 =	vld.idx.msk [tilespmem:v27+s19+$0x0], $0xffff;
	v31 =	vadd.f32 v31, v37;
	v32 =	vadd.f32 v60, v37  }
0x237: {  	v27 =	vunpack.i.u.bf16.f32 v36;
	v61 =	vunpack.i.l.bf16.f32 v36;
	v41 =	vunpack.i.u.bf16.f32 v38  }
0x238: {  	v62 =	vunpack.i.l.bf16.f32 v38;
	v63 =	vunpack.i.u.bf16.f32 v43;
	v38 =	vadd.s32 $0x3, v39  }
0x239: {  	v57 =	vunpack.i.l.bf16.f32 v43;
	v27 =	vadd.f32 v27, v37;
	v33 =	vadd.f32 v61, v37  }
0x23a: {  	v43 =	vimm.f32 $0.0e+00;
	v35 =	vadd.f32 v63, v37;
	v36 =	vadd.f32 v62, v37  }
0x23b: {  	s1 =	simm.s32 $0x88;
	v53 =	vld.idx.msk [tilespmem:v39+s19+$0x0], $0xffff;
	v54 =	vunpack.i.l.bf16.f32 v45;
	v58 =	vunpack.i.u.bf16.f32 v45;
	v45 =	vimm.f32 $0.0e+00  }
.LBB2_20:
0x23c: {  	s3 =	sshra.s32 s1, $0x2;
	p0 =	sne.s32 s1, $0xD04;
	s1 =	sadd.s32 $0x44, s1;
	v59 =	vld.idx.msk [tilespmem:v52+s19+$0x0], $0xffff;
	v52 =	vunpack.i.l.bf16.f32 v49;
	v37 =	vadd.f32 v58, v37;
	v58 =	vunpack.i.u.bf16.f32 v55  }
0x23d: {  	v61 =	vadd.s32 $0x2, v39;
	v39 =	vunpack.i.l.bf16.f32 v55;
	v60 =	vld.idx.msk [tilespmem:v28+s3+$0x0 ss:$0x1], $0xffff;
	v48 =	vadd.f32 v58, v48  }
0x23e: {  	v46 =	vadd.f32 v57, v46;
	v49 =	vunpack.i.u.bf16.f32 v49;
	v44 =	vadd.f32 v39, v44;
	v56 =	vld.idx.msk [tilespmem:v56+s19+$0x0], $0xffff  }
0x23f: {  	v45 =	vadd.f32 v54, v45;
	v40 =	vadd.f32 v49, v40;
	v57 =	vunpack.i.u.bf16.f32 v51;
	v58 =	vld.idx.msk [tilespmem:v50+s19+$0x0], $0xffff  }
0x240: {  	v42 =	vadd.f32 v41, v42;
	v43 =	vadd.f32 v52, v43;
	v49 =	vunpack.i.l.bf16.f32 v51;
	v39 =	vld.idx.msk [tilespmem:v34+s3+$0x0 ss:$0x1], $0xffff  }
0x241: {  	v29 =	vadd.f32 v49, v29;
	v41 =	vunpack.i.u.bf16.f32 v53;
	v50 =	vunpack.i.l.bf16.f32 v53;
	v62 =	vld.idx.msk [tilespmem:v47+s19+$0x0], $0xffff  }
0x242: {  	v30 =	vadd.f32 v50, v30;
	v31 =	vadd.f32 v41, v31;
	v41 =	vunpack.i.u.bf16.f32 v59;
	v49 =	vld.idx.msk [tilespmem:v61+s19+$0x0], $0xffff  }
0x243: {  	v52 =	vadd.s32 $0x3, v60;
	v27 =	vadd.f32 v41, v27;
	v55 =	vld.idx.msk [tilespmem:v38+s19+$0x0], $0xffff;
	v38 =	vunpack.i.l.bf16.f32 v59  }
.Ltmp12:
0x244: {  	v32 =	vadd.f32 v57, v32;
	v33 =	vadd.f32 v38, v33;
	(pc) =	sbr.rel @p0 .LBB2_20-.Ltmp12, $4  }
0x245: {  	v41 =	vunpack.i.u.bf16.f32 v56;
	v38 =	vunpack.i.l.bf16.f32 v56;
	v47 =	vunpack.i.u.bf16.f32 v58  }
0x246: {  	v50 =	vadd.s32 $0x1, v60;
	v56 =	vadd.s32 $0x1, v39;
	v35 =	vadd.f32 v47, v35;
	v51 =	vld.idx.msk [tilespmem:v60+s19+$0x0], $0xffff  }
0x247: {  	v47 =	vadd.s32 $0x2, v60;
	v36 =	vadd.f32 v38, v36;
	v54 =	vunpack.i.l.bf16.f32 v62  }
0x248: {  	v57 =	vunpack.i.l.bf16.f32 v58;
	v38 =	vadd.s32 $0x3, v39;
	v58 =	vunpack.i.u.bf16.f32 v62;
	v53 =	vld.idx.msk [tilespmem:v39+s19+$0x0], $0xffff  }
0x249: {  	_ =	sdelay $0x1  }
0x24a: {  	v28 =	vunpack.i.u.bf16.f32 v55  }
0x24b: {  	v34 =	vadd.f32 v58, v37;
	v62 =	vunpack.i.l.bf16.f32 v49;
	v46 =	vadd.f32 v57, v46  }
0x24c: {  	v63 =	vunpack.i.l.bf16.f32 v55;
	v56 =	vld.idx.msk [tilespmem:v56+s19+$0x0], $0xffff;
	v45 =	vadd.f32 v54, v45;
	v41 =	vadd.f32 v41, v42  }
0x24d: {  	s1 =	sshll.u32 s30, $0x4;
	v57 =	vunpack.i.u.bf16.f32 v49;
	v50 =	vld.idx.msk [tilespmem:v50+s19+$0x0], $0xffff;
	v37 =	vadd.f32 v28, v48;
	v44 =	vadd.f32 v63, v44  }
0x24e: {  	v60 =	vld.idx.msk [tilespmem:v47+s19+$0x0], $0xffff;
	s1 =	sadd.s32 $0x100, s1;
	v40 =	vadd.f32 v57, v40;
	v42 =	vadd.f32 v62, v43;
	v59 =	vunpack.i.l.bf16.f32 v51  }
0x24f: {  	v28 =	vor.u32 s1, v0;
	v58 =	vunpack.i.u.bf16.f32 v51;
	v29 =	vadd.f32 v59, v29  }
0x250: {  	v48 =	vld.idx.msk [tilespmem:v52+s19+$0x0], $0xffff;
	v32 =	vadd.f32 v58, v32;
	v61 =	vunpack.i.u.bf16.f32 v53;
	v62 =	vunpack.i.l.bf16.f32 v53  }
0x251: {  	v39 =	vadd.s32 $0x2, v39;
	v38 =	vld.idx.msk [tilespmem:v38+s19+$0x0], $0xffff;
	v30 =	vadd.f32 v62, v30;
	v31 =	vadd.f32 v61, v31  }
0x252: {  	v47 =	vunpack.i.u.bf16.f32 v56;
	v56 =	vunpack.i.l.bf16.f32 v56;
	v57 =	vunpack.i.u.bf16.f32 v50  }
0x253: {  	v51 =	vunpack.i.l.bf16.f32 v60;
	v50 =	vunpack.i.l.bf16.f32 v50;
	v29 =	vadd.f32 v29, v2  }
0x254: {  	v43 =	vunpack.i.u.bf16.f32 v60;
	v32 =	vadd.f32 v32, v3;
	v35 =	vadd.f32 v57, v35  }
0x255: {  	v54 =	vunpack.i.l.bf16.f32 v48;
	v36 =	vadd.f32 v56, v36;
	v34 =	vadd.f32 v43, v34;
	v63 =	vld.idx.msk [tilespmem:v28+s17+$0x0], $0xffff  }
0x256: {  	v60 =	vadd.f32 v50, v46;
	v46 =	vunpack.i.u.bf16.f32 v38;
	v33 =	vadd.f32 v54, v33  }
0x257: {  	v30 =	vadd.f32 v30, v2;
	v29 =	vmax.f32 v29, $0.0e+00;
	v31 =	vadd.f32 v31, v3  }
0x258: {  	v39 =	vld.idx.msk [tilespmem:v39+s19+$0x0], $0xffff;
	v62 =	vmax.f32 v32, $0.0e+00;
	v36 =	vadd.f32 v36, v4;
	v53 =	vadd.f32 v60, v4  }
0x259: {  	v29 =	vmin.f32 v29, $1.000000000e+00;
	v35 =	vadd.f32 v35, v5;
	v60 =	vadd.f32 v51, v45  }
0x25a: {  	v45 =	vunpack.i.l.bf16.f32 v38;
	v30 =	vmax.f32 v30, $0.0e+00;
	vm0 =	veq.s32 v63, $0x0  }
0x25b: {  	v34 =	vadd.f32 v34, v7;
	v30 =	vmin.f32 v30, $1.000000000e+00;
	v49 =	vsel vm0, v10, v18  }
0x25c: {  	v51 =	vadd.f32 v46, v37;
	v31 =	vmax.f32 v31, $0.0e+00;
	v30 =	vmul.f32 v49, v30  }
0x25d: {  	v58 =	vunpack.i.l.bf16.f32 v39;
	v31 =	vmin.f32 v31, $1.000000000e+00;
	v59 =	vsel vm0, v18, v10  }
0x25e: {  	v50 =	vmax.f32 v36, $0.0e+00;
	v29 =	vmul.f32 v59, v29;
	v30 =	vadd.f32 v30, v26  }
0x25f: {  	v36 =	vmax.f32 v53, $0.0e+00;
	v39 =	vunpack.i.u.bf16.f32 v39;
	v61 =	vsel vm0, v11, v19  }
0x260: {  	v35 =	vmax.f32 v35, $0.0e+00;
	v31 =	vmul.f32 v61, v31;
	v29 =	vadd.f32 v30, v29  }
0x261: {  	v34 =	vmax.f32 v34, $0.0e+00;
	v63 =	vsel vm0, v19, v11;
	v30 =	vmin.f32 v62, $1.000000000e+00  }
0x262: {  	v49 =	vadd.f32 v47, v41;
	v30 =	vmul.f32 v63, v30;
	v29 =	vadd.f32 v29, v31  }
0x263: {  	v32 =	vmin.f32 v50, $1.000000000e+00;
	v55 =	vadd.f32 v58, v42;
	v54 =	vsel vm0, v12, v20  }
0x264: {  	v31 =	vadd.f32 v49, v5;
	v29 =	vadd.f32 v29, v30;
	v30 =	vmul.f32 v54, v32  }
0x265: {  	v36 =	vmin.f32 v36, $1.000000000e+00;
	v35 =	vmin.f32 v35, $1.000000000e+00;
	v56 =	vsel vm0, v20, v12  }
0x266: {  	v57 =	vmul.f32 v56, v36;
	v31 =	vmax.f32 v31, $0.0e+00;
	v29 =	vadd.f32 v29, v30  }
0x267: {  	v58 =	vsel vm0, v13, v21;
	v61 =	vsel vm0, v21, v13;
	v31 =	vmin.f32 v31, $1.000000000e+00  }
0x268: {  	v32 =	vadd.f32 v55, v6;
	v59 =	vmul.f32 v58, v31;
	v29 =	vadd.f32 v29, v57  }
0x269: {  	v34 =	vmin.f32 v34, $1.000000000e+00;
	v62 =	vmul.f32 v61, v35;
	v63 =	vadd.f32 v39, v40  }
0x26a: {  	v32 =	vmax.f32 v32, $0.0e+00;
	v31 =	vadd.f32 v60, v6;
	v29 =	vadd.f32 v29, v59  }
0x26b: {  	v40 =	vsel vm0, v14, v22;
	v35 =	vadd.f32 v63, v7;
	v32 =	vmin.f32 v32, $1.000000000e+00  }
0x26c: {  	v41 =	vmax.f32 v31, $0.0e+00;
	v42 =	vmul.f32 v40, v32;
	v29 =	vadd.f32 v29, v62  }
0x26d: {  	v43 =	vsel vm0, v22, v14;
	v47 =	vadd.f32 v45, v44;
	v30 =	vmin.f32 v41, $1.000000000e+00  }
0x26e: {  	v49 =	vmax.f32 v35, $0.0e+00;
	v30 =	vmul.f32 v43, v30;
	v29 =	vadd.f32 v29, v42  }
0x26f: {  	v50 =	vsel vm0, v15, v23;
	v52 =	vsel vm0, v23, v15;
	v32 =	vmin.f32 v49, $1.000000000e+00  }
0x270: {  	v31 =	vadd.f32 v47, v8;
	v29 =	vadd.f32 v29, v30;
	v30 =	vmul.f32 v50, v32  }
0x271: {  	v33 =	vadd.f32 v33, v8;
	v53 =	vmul.f32 v52, v34;
	v54 =	vsel vm0, v16, v24  }
0x272: {  	v55 =	vunpack.i.u.bf16.f32 v48;
	v31 =	vmax.f32 v31, $0.0e+00;
	v29 =	vadd.f32 v29, v30  }
0x273: {  	v27 =	vadd.f32 v55, v27;
	v57 =	vmax.f32 v33, $0.0e+00;
	v31 =	vmin.f32 v31, $1.000000000e+00  }
0x274: {  	v56 =	vmul.f32 v54, v31;
	v32 =	vadd.f32 v51, v9;
	v29 =	vadd.f32 v29, v53  }
0x275: {  	v58 =	vsel vm0, v24, v16;
	v27 =	vadd.f32 v27, v9;
	v31 =	vmin.f32 v57, $1.000000000e+00  }
0x276: {  	v59 =	vmul.f32 v58, v31;
	v60 =	vmax.f32 v32, $0.0e+00;
	v29 =	vadd.f32 v29, v56  }
0x277: {  	v61 =	vsel vm0, v17, v25;
	v31 =	vmin.f32 v60, $1.000000000e+00  }
0x278: {  	s30 =	sadd.s32 $0x1, s30;
	v27 =	vmax.f32 v27, $0.0e+00;
	v62 =	vmul.f32 v61, v31;
	v29 =	vadd.f32 v29, v59  }
0x279: {  	p0 =	sne.s32 s30, $0x8;
	v63 =	vsel vm0, v25, v17;
	v27 =	vmin.f32 v27, $1.000000000e+00  }
.Ltmp13:
0x27a: {  	v27 =	vmul.f32 v63, v27;
	v29 =	vadd.f32 v29, v62;
	(pc) =	sbr.rel @p0 .LBB2_19-.Ltmp13, $3  }
0x27b: {  	_ = 	snop  }
0x27c: {  	v27 =	vadd.f32 v29, v27;
	_ =	sdelay $0x1  }
0x27d: {  	s0 =	sadd.s32 $0x352, s0;
	s31 =	sadd.s32 $0x352, s31;
	[tilespmem:v28+s25+$0x0] =	vst.idx.msk $0xffff, v27  }
0x27e: {  	_ =	swait.ge [sflag:s26], $0x4000  }
0x27f: {  	[sflag:s26] =	ssyncset.done $0x0  }
0x280: {  	[sflag:s26] =	ssyncadd.s32 $0xFFFFC000  }
0x281: {  	_ =	swait.ge [sflag:s28], $0x4000  }
0x282: {  	s0 =	simm.s32 $0x0;
	s30 =	simm.s32 $0x0;
	[sflag:s28] =	ssyncset.done $0x0  }
0x283: {  	s1 =	simm.s32 $0x8020;
	s3 =	smul.u32 $0x352, s0;
	[sflag:s28] =	ssyncadd.s32 $0xFFFFC000  }
0x284: {  	s0 =	simm.s32 $0xC020;
	s4 =	sand.u32 $0xF, s30;
	v27 =	vld [tilespmem:s1+$0xFFFFFFE0]  }
0x285: {  	s3 =	sadd.s32 s4, s3;
	v28 =	vld [tilespmem:s0+$0xFFFFFFE0]  }
0x286: {  	v29 =	vadd.s32 s3, v1;
	_ =	sdelay $0x2  }
0x287: {  	v27 =	vmul.u32 $0x5, v27  }
0x288: {  	s20 =	simm.s32 $0x10000;
	v28 =	vmul.u32 $0x5, v28  }
0x289: {  	s31 =	simm.s32 $0x11B00;
	[tilespmem:v29+s20+$0x0] =	vst.idx.msk $0xffff, v27  }
0x28a: {  	[tilespmem:v29+s31+$0x0] =	vst.idx.msk $0xffff, v28  }
0x28b: {  	v27 =	vld [tilespmem:s1+$0xFFFFFFF0]  }
0x28c: {  	s4 =	sadd.s32 $0x110, s3;
	v28 =	vld [tilespmem:s0+$0xFFFFFFF0]  }
0x28d: {  	v29 =	vadd.s32 s4, v1;
	_ =	sdelay $0x2  }
0x28e: {  	v27 =	vmul.u32 $0x5, v27  }
0x28f: {  	v28 =	vmul.u32 $0x5, v28  }
0x290: {  	[tilespmem:v29+s20+$0x0] =	vst.idx.msk $0xffff, v27  }
0x291: {  	[tilespmem:v29+s31+$0x0] =	vst.idx.msk $0xffff, v28  }
0x292: {  	v27 =	vld [tilespmem:s1+$0x0]  }
0x293: {  	s23 =	sadd.s32 $0x220, s3;
	v28 =	vld [tilespmem:s0+$0x0]  }
0x294: {  	v29 =	vadd.s32 s23, v1;
	_ =	sdelay $0x2  }
0x295: {  	v27 =	vmul.u32 $0x5, v27  }
0x296: {  	v28 =	vmul.u32 $0x5, v28  }
0x297: {  	[tilespmem:v29+s20+$0x0] =	vst.idx.msk $0xffff, v27  }
0x298: {  	[tilespmem:v29+s31+$0x0] =	vst.idx.msk $0xffff, v28  }
0x299: {  	v28 =	vld [tilespmem:s1+$0x2]  }
0x29a: {  	s24 =	sadd.s32 $0x242, s3  }
0x29b: {  	v27 =	vadd.s32 s24, v1;
	v29 =	vld [tilespmem:s0+$0x2];
	_ =	sdelay $0x2  }
0x29c: {  	v30 =	vmul.u32 $0x5, v28  }
0x29d: {  	s16 =	simm.s32 $0x1  }
0x29e: {  	s3 =	simm.s32 $0x0;
	s24 =	simm.s32 $0x2;
	s1 =	simm.s32 $0x80A0;
	v28 =	vmul.u32 $0x5, v29;
	[tilespmem:v27+s20+$0x0] =	vst.idx.msk $0xffff, v30  }
.LBB2_23:
0x29f: {  	s3 =	smul.u32 $0x352, s3  }
0x2a0: {  	[tilespmem:v27+s31+$0x0] =	vst.idx.msk $0xffff, v28;
	s0 =	sadd.s32 $0x80, s0;
	s4 =	smov.u32 s24;
	s23 =	sadd.s32 $0x1, s24  }
0x2a1: {  	p0 =	sne.s32 s24, $0x7F;
	s24 =	sand.u32 $0xF, s16;
	v27 =	vld [tilespmem:s1+$0xFFFFFFE0];
	s16 =	smov.u32 s4  }
0x2a2: {  	s3 =	sadd.s32 s24, s3;
	v28 =	vld [tilespmem:s0+$0xFFFFFFE0]  }
0x2a3: {  	v29 =	vadd.s32 s3, v1;
	s4 =	sadd.s32 $0x110, s3;
	s24 =	sadd.s32 $0x220, s3;
	s3 =	sadd.s32 $0x242, s3  }
0x2a4: {  	_ =	sdelay $0x1  }
0x2a5: {  	v27 =	vmul.u32 $0x5, v27  }
0x2a6: {  	v28 =	vmul.u32 $0x5, v28  }
0x2a7: {  	[tilespmem:v29+s20+$0x0] =	vst.idx.msk $0xffff, v27  }
0x2a8: {  	[tilespmem:v29+s31+$0x0] =	vst.idx.msk $0xffff, v28  }
0x2a9: {  	v27 =	vld [tilespmem:s1+$0xFFFFFFF0]  }
0x2aa: {  	v28 =	vld [tilespmem:s0+$0xFFFFFFF0]  }
0x2ab: {  	v29 =	vadd.s32 s4, v1;
	_ =	sdelay $0x2  }
0x2ac: {  	v27 =	vmul.u32 $0x5, v27  }
0x2ad: {  	v28 =	vmul.u32 $0x5, v28  }
0x2ae: {  	[tilespmem:v29+s20+$0x0] =	vst.idx.msk $0xffff, v27  }
0x2af: {  	[tilespmem:v29+s31+$0x0] =	vst.idx.msk $0xffff, v28  }
0x2b0: {  	v27 =	vld [tilespmem:s1+$0x0]  }
0x2b1: {  	v28 =	vld [tilespmem:s0+$0x0]  }
0x2b2: {  	v29 =	vadd.s32 s24, v1;
	_ =	sdelay $0x2  }
0x2b3: {  	v27 =	vmul.u32 $0x5, v27  }
0x2b4: {  	v28 =	vmul.u32 $0x5, v28  }
0x2b5: {  	[tilespmem:v29+s20+$0x0] =	vst.idx.msk $0xffff, v27  }
0x2b6: {  	[tilespmem:v29+s31+$0x0] =	vst.idx.msk $0xffff, v28  }
0x2b7: {  	v28 =	vld [tilespmem:s1+$0x2]  }
0x2b8: {  	v29 =	vld [tilespmem:s0+$0x2]  }
0x2b9: {  	v27 =	vadd.s32 s3, v1  }
.Ltmp14:
0x2ba: {  	(pc) =	sbr.rel @p0 .LBB2_23-.Ltmp14, $4  }
0x2bb: {  	_ = 	snop  }
0x2bc: {  	v30 =	vmul.u32 $0x5, v28  }
0x2bd: {  	v28 =	vmul.u32 $0x5, v29  }
0x2be: {  	s24 =	smov.u32 s23;
	s3 =	sshrl.u32 s16, $0x4;
	s1 =	sadd.s32 $0x80, s1;
	[tilespmem:v27+s20+$0x0] =	vst.idx.msk $0xffff, v30  }
0x2bf: {  	_ =	sdelay $0x3  }
0x2c0: {  	s3 =	smul.u32 $0x352, s3;
	[tilespmem:v27+s31+$0x0] =	vst.idx.msk $0xffff, v28  }
0x2c1: {  	s4 =	sadd.s32 $0x80, s0;
	s16 =	sand.u32 $0xF, s16;
	v27 =	vld [tilespmem:s1+$0xFFFFFFE0]  }
0x2c2: {  	v28 =	vld [tilespmem:s4+$0xFFFFFFE0];
	s3 =	sadd.s32 s16, s3  }
0x2c3: {  	v29 =	vadd.s32 s3, v1;
	_ =	sdelay $0x2  }
0x2c4: {  	v27 =	vmul.u32 $0x5, v27  }
0x2c5: {  	s0 =	simm.s32 $0x10000;
	v28 =	vmul.u32 $0x5, v28  }
0x2c6: {  	s31 =	simm.s32 $0x11B00;
	[tilespmem:v29+s0+$0x0] =	vst.idx.msk $0xffff, v27  }
0x2c7: {  	[tilespmem:v29+s31+$0x0] =	vst.idx.msk $0xffff, v28  }
0x2c8: {  	v27 =	vld [tilespmem:s1+$0xFFFFFFF0]  }
0x2c9: {  	s20 =	sadd.s32 $0x110, s3;
	v28 =	vld [tilespmem:s4+$0xFFFFFFF0]  }
0x2ca: {  	v61 =	vadd.s32 s20, v1;
	_ =	sdelay $0x2  }
0x2cb: {  	v27 =	vmul.u32 $0x5, v27  }
0x2cc: {  	v28 =	vmul.u32 $0x5, v28  }
0x2cd: {  	[tilespmem:v61+s0+$0x0] =	vst.idx.msk $0xffff, v27  }
0x2ce: {  	[tilespmem:v61+s31+$0x0] =	vst.idx.msk $0xffff, v28  }
0x2cf: {  	v27 =	vld [tilespmem:s1+$0x0]  }
0x2d0: {  	s23 =	sadd.s32 $0x220, s3;
	v28 =	vld [tilespmem:s4+$0x0]  }
0x2d1: {  	v62 =	vadd.s32 s23, v1;
	_ =	sdelay $0x2  }
0x2d2: {  	v27 =	vmul.u32 $0x5, v27  }
0x2d3: {  	v28 =	vmul.u32 $0x5, v28  }
0x2d4: {  	[tilespmem:v62+s0+$0x0] =	vst.idx.msk $0xffff, v27  }
0x2d5: {  	[tilespmem:v62+s31+$0x0] =	vst.idx.msk $0xffff, v28  }
0x2d6: {  	v27 =	vld [tilespmem:s1+$0x2]  }
0x2d7: {  	s24 =	sadd.s32 $0x242, s3;
	v28 =	vld [tilespmem:s4+$0x2]  }
0x2d8: {  	v63 =	vadd.s32 s24, v1;
	_ =	sdelay $0x2  }
0x2d9: {  	v27 =	vmul.u32 $0x5, v27  }
0x2da: {  	v28 =	vmul.u32 $0x5, v28  }
0x2db: {  	[tilespmem:v63+s0+$0x0] =	vst.idx.msk $0xffff, v27  }
0x2dc: {  	s4 =	simm.s32 $0x4000;
	[tilespmem:v63+s31+$0x0] =	vst.idx.msk $0xffff, v28  }
.LBB2_25:
0x2dd: {  	v28 =	vmov s31  }
0x2de: {  	v34 =	vmov s0;
	_ =	sdelay $0x2  }
0x2df: {  	s1 =	simm.s32 $0x0  }
0x2e0: {  	v27 =	vld.idx.msk [tilespmem:v28+s1+$0x0 ss:$0x1], $0xffff  }
0x2e1: {  	s24 =	simm.s32 $0x11;
	v29 =	vld.idx.msk [tilespmem:v34+s1+$0x0 ss:$0x1], $0xffff  }
0x2e2: {  	v40 =	vld.idx.msk [tilespmem:v28+s24+$0x0 ss:$0x1], $0xffff;
	_ =	sdelay $0x3  }
0x2e3: {  	v30 =	vadd.s32 $0x3, v27  }
0x2e4: {  	v39 =	vld.idx.msk [tilespmem:v34+s24+$0x0 ss:$0x1], $0xffff;
	v31 =	vadd.s32 $0x1, v29  }
0x2e5: {  	v33 =	vadd.s32 $0x1, v27;
	v32 =	vld.idx.msk [tilespmem:v27+s19+$0x0], $0xffff  }
0x2e6: {  	v44 =	vadd.s32 $0x2, v29;
	v35 =	vld.idx.msk [tilespmem:v29+s19+$0x0], $0xffff  }
0x2e7: {  	v51 =	vld.idx.msk [tilespmem:v40+s19+$0x0], $0xffff  }
0x2e8: {  	v37 =	vimm.f32 $0.0e+00;
	v42 =	vadd.s32 $0x3, v29;
	v36 =	vld.idx.msk [tilespmem:v30+s19+$0x0], $0xffff  }
0x2e9: {  	v48 =	vimm.f32 $0.0e+00;
	v46 =	vimm.f32 $0.0e+00;
	v27 =	vadd.s32 $0x2, v27;
	v38 =	vld.idx.msk [tilespmem:v31+s19+$0x0], $0xffff  }
0x2ea: {  	v52 =	vadd.s32 $0x3, v40;
	v56 =	vadd.s32 $0x1, v39;
	v50 =	vadd.s32 $0x1, v40;
	v43 =	vld.idx.msk [tilespmem:v33+s19+$0x0], $0xffff  }
0x2eb: {  	v47 =	vadd.s32 $0x2, v40;
	v40 =	vimm.f32 $0.0e+00;
	v49 =	vld.idx.msk [tilespmem:v44+s19+$0x0], $0xffff;
	v44 =	vimm.f32 $0.0e+00  }
0x2ec: {  	v60 =	vunpack.i.u.bf16.f32 v32;
	v29 =	vunpack.i.l.bf16.f32 v32;
	v30 =	vunpack.i.l.bf16.f32 v35  }
0x2ed: {  	v55 =	vld.idx.msk [tilespmem:v42+s19+$0x0], $0xffff;
	v31 =	vunpack.i.u.bf16.f32 v35;
	v29 =	vadd.f32 v29, v37;
	v30 =	vadd.f32 v30, v37  }
0x2ee: {  	v42 =	vimm.f32 $0.0e+00;
	v45 =	vld.idx.msk [tilespmem:v27+s19+$0x0], $0xffff;
	v31 =	vadd.f32 v31, v37;
	v32 =	vadd.f32 v60, v37  }
0x2ef: {  	v27 =	vunpack.i.u.bf16.f32 v36;
	v61 =	vunpack.i.l.bf16.f32 v36;
	v41 =	vunpack.i.u.bf16.f32 v38  }
0x2f0: {  	v62 =	vunpack.i.l.bf16.f32 v38;
	v63 =	vunpack.i.u.bf16.f32 v43;
	v38 =	vadd.s32 $0x3, v39  }
0x2f1: {  	v57 =	vunpack.i.l.bf16.f32 v43;
	v27 =	vadd.f32 v27, v37;
	v33 =	vadd.f32 v61, v37  }
0x2f2: {  	v43 =	vimm.f32 $0.0e+00;
	v35 =	vadd.f32 v63, v37;
	v36 =	vadd.f32 v62, v37  }
0x2f3: {  	s1 =	simm.s32 $0x88;
	v53 =	vld.idx.msk [tilespmem:v39+s19+$0x0], $0xffff;
	v54 =	vunpack.i.l.bf16.f32 v45;
	v58 =	vunpack.i.u.bf16.f32 v45;
	v45 =	vimm.f32 $0.0e+00  }
.LBB2_26:
0x2f4: {  	s3 =	sshra.s32 s1, $0x2;
	p0 =	sne.s32 s1, $0xD04;
	s1 =	sadd.s32 $0x44, s1;
	v59 =	vld.idx.msk [tilespmem:v52+s19+$0x0], $0xffff;
	v52 =	vunpack.i.l.bf16.f32 v49;
	v37 =	vadd.f32 v58, v37;
	v58 =	vunpack.i.u.bf16.f32 v55  }
0x2f5: {  	v61 =	vadd.s32 $0x2, v39;
	v39 =	vunpack.i.l.bf16.f32 v55;
	v60 =	vld.idx.msk [tilespmem:v28+s3+$0x0 ss:$0x1], $0xffff;
	v48 =	vadd.f32 v58, v48  }
0x2f6: {  	v46 =	vadd.f32 v57, v46;
	v49 =	vunpack.i.u.bf16.f32 v49;
	v44 =	vadd.f32 v39, v44;
	v56 =	vld.idx.msk [tilespmem:v56+s19+$0x0], $0xffff  }
0x2f7: {  	v45 =	vadd.f32 v54, v45;
	v40 =	vadd.f32 v49, v40;
	v57 =	vunpack.i.u.bf16.f32 v51;
	v58 =	vld.idx.msk [tilespmem:v50+s19+$0x0], $0xffff  }
0x2f8: {  	v42 =	vadd.f32 v41, v42;
	v43 =	vadd.f32 v52, v43;
	v49 =	vunpack.i.l.bf16.f32 v51;
	v39 =	vld.idx.msk [tilespmem:v34+s3+$0x0 ss:$0x1], $0xffff  }
0x2f9: {  	v29 =	vadd.f32 v49, v29;
	v41 =	vunpack.i.u.bf16.f32 v53;
	v50 =	vunpack.i.l.bf16.f32 v53;
	v62 =	vld.idx.msk [tilespmem:v47+s19+$0x0], $0xffff  }
0x2fa: {  	v30 =	vadd.f32 v50, v30;
	v31 =	vadd.f32 v41, v31;
	v41 =	vunpack.i.u.bf16.f32 v59;
	v49 =	vld.idx.msk [tilespmem:v61+s19+$0x0], $0xffff  }
0x2fb: {  	v52 =	vadd.s32 $0x3, v60;
	v27 =	vadd.f32 v41, v27;
	v55 =	vld.idx.msk [tilespmem:v38+s19+$0x0], $0xffff;
	v38 =	vunpack.i.l.bf16.f32 v59  }
.Ltmp15:
0x2fc: {  	v32 =	vadd.f32 v57, v32;
	v33 =	vadd.f32 v38, v33;
	(pc) =	sbr.rel @p0 .LBB2_26-.Ltmp15, $4  }
0x2fd: {  	v41 =	vunpack.i.u.bf16.f32 v56;
	v38 =	vunpack.i.l.bf16.f32 v56;
	v47 =	vunpack.i.u.bf16.f32 v58  }
0x2fe: {  	v50 =	vadd.s32 $0x1, v60;
	v56 =	vadd.s32 $0x1, v39;
	v35 =	vadd.f32 v47, v35;
	v51 =	vld.idx.msk [tilespmem:v60+s19+$0x0], $0xffff  }
0x2ff: {  	v47 =	vadd.s32 $0x2, v60;
	v36 =	vadd.f32 v38, v36;
	v54 =	vunpack.i.l.bf16.f32 v62  }
0x300: {  	v57 =	vunpack.i.l.bf16.f32 v58;
	v38 =	vadd.s32 $0x3, v39;
	v58 =	vunpack.i.u.bf16.f32 v62;
	v53 =	vld.idx.msk [tilespmem:v39+s19+$0x0], $0xffff  }
0x301: {  	_ =	sdelay $0x1  }
0x302: {  	v28 =	vunpack.i.u.bf16.f32 v55  }
0x303: {  	v34 =	vadd.f32 v58, v37;
	v62 =	vunpack.i.l.bf16.f32 v49;
	v46 =	vadd.f32 v57, v46  }
0x304: {  	v63 =	vunpack.i.l.bf16.f32 v55;
	v56 =	vld.idx.msk [tilespmem:v56+s19+$0x0], $0xffff;
	v45 =	vadd.f32 v54, v45;
	v41 =	vadd.f32 v41, v42  }
0x305: {  	s1 =	sshll.u32 s30, $0x4;
	v57 =	vunpack.i.u.bf16.f32 v49;
	v50 =	vld.idx.msk [tilespmem:v50+s19+$0x0], $0xffff;
	v37 =	vadd.f32 v28, v48;
	v44 =	vadd.f32 v63, v44  }
0x306: {  	v60 =	vld.idx.msk [tilespmem:v47+s19+$0x0], $0xffff;
	s1 =	sadd.s32 $0x180, s1;
	v40 =	vadd.f32 v57, v40;
	v42 =	vadd.f32 v62, v43;
	v59 =	vunpack.i.l.bf16.f32 v51  }
0x307: {  	v28 =	vor.u32 s1, v0;
	v58 =	vunpack.i.u.bf16.f32 v51;
	v29 =	vadd.f32 v59, v29  }
0x308: {  	v48 =	vld.idx.msk [tilespmem:v52+s19+$0x0], $0xffff;
	v32 =	vadd.f32 v58, v32;
	v61 =	vunpack.i.u.bf16.f32 v53;
	v62 =	vunpack.i.l.bf16.f32 v53  }
0x309: {  	v39 =	vadd.s32 $0x2, v39;
	v38 =	vld.idx.msk [tilespmem:v38+s19+$0x0], $0xffff;
	v30 =	vadd.f32 v62, v30;
	v31 =	vadd.f32 v61, v31  }
0x30a: {  	v47 =	vunpack.i.u.bf16.f32 v56;
	v56 =	vunpack.i.l.bf16.f32 v56;
	v57 =	vunpack.i.u.bf16.f32 v50  }
0x30b: {  	v51 =	vunpack.i.l.bf16.f32 v60;
	v50 =	vunpack.i.l.bf16.f32 v50;
	v29 =	vadd.f32 v29, v2  }
0x30c: {  	v43 =	vunpack.i.u.bf16.f32 v60;
	v32 =	vadd.f32 v32, v3;
	v35 =	vadd.f32 v57, v35  }
0x30d: {  	v54 =	vunpack.i.l.bf16.f32 v48;
	v36 =	vadd.f32 v56, v36;
	v34 =	vadd.f32 v43, v34;
	v63 =	vld.idx.msk [tilespmem:v28+s17+$0x0], $0xffff  }
0x30e: {  	v60 =	vadd.f32 v50, v46;
	v46 =	vunpack.i.u.bf16.f32 v38;
	v33 =	vadd.f32 v54, v33  }
0x30f: {  	v30 =	vadd.f32 v30, v2;
	v29 =	vmax.f32 v29, $0.0e+00;
	v31 =	vadd.f32 v31, v3  }
0x310: {  	v39 =	vld.idx.msk [tilespmem:v39+s19+$0x0], $0xffff;
	v62 =	vmax.f32 v32, $0.0e+00;
	v36 =	vadd.f32 v36, v4;
	v53 =	vadd.f32 v60, v4  }
0x311: {  	v29 =	vmin.f32 v29, $1.000000000e+00;
	v35 =	vadd.f32 v35, v5;
	v60 =	vadd.f32 v51, v45  }
0x312: {  	v45 =	vunpack.i.l.bf16.f32 v38;
	v30 =	vmax.f32 v30, $0.0e+00;
	vm0 =	veq.s32 v63, $0x0  }
0x313: {  	v34 =	vadd.f32 v34, v7;
	v30 =	vmin.f32 v30, $1.000000000e+00;
	v49 =	vsel vm0, v10, v18  }
0x314: {  	v51 =	vadd.f32 v46, v37;
	v31 =	vmax.f32 v31, $0.0e+00;
	v30 =	vmul.f32 v49, v30  }
0x315: {  	v58 =	vunpack.i.l.bf16.f32 v39;
	v31 =	vmin.f32 v31, $1.000000000e+00;
	v59 =	vsel vm0, v18, v10  }
0x316: {  	v50 =	vmax.f32 v36, $0.0e+00;
	v29 =	vmul.f32 v59, v29;
	v30 =	vadd.f32 v30, v26  }
0x317: {  	v36 =	vmax.f32 v53, $0.0e+00;
	v39 =	vunpack.i.u.bf16.f32 v39;
	v61 =	vsel vm0, v11, v19  }
0x318: {  	v35 =	vmax.f32 v35, $0.0e+00;
	v31 =	vmul.f32 v61, v31;
	v29 =	vadd.f32 v30, v29  }
0x319: {  	v34 =	vmax.f32 v34, $0.0e+00;
	v63 =	vsel vm0, v19, v11;
	v30 =	vmin.f32 v62, $1.000000000e+00  }
0x31a: {  	v49 =	vadd.f32 v47, v41;
	v30 =	vmul.f32 v63, v30;
	v29 =	vadd.f32 v29, v31  }
0x31b: {  	v32 =	vmin.f32 v50, $1.000000000e+00;
	v55 =	vadd.f32 v58, v42;
	v54 =	vsel vm0, v12, v20  }
0x31c: {  	v31 =	vadd.f32 v49, v5;
	v29 =	vadd.f32 v29, v30;
	v30 =	vmul.f32 v54, v32  }
0x31d: {  	v36 =	vmin.f32 v36, $1.000000000e+00;
	v35 =	vmin.f32 v35, $1.000000000e+00;
	v56 =	vsel vm0, v20, v12  }
0x31e: {  	v57 =	vmul.f32 v56, v36;
	v31 =	vmax.f32 v31, $0.0e+00;
	v29 =	vadd.f32 v29, v30  }
0x31f: {  	v58 =	vsel vm0, v13, v21;
	v61 =	vsel vm0, v21, v13;
	v31 =	vmin.f32 v31, $1.000000000e+00  }
0x320: {  	v32 =	vadd.f32 v55, v6;
	v59 =	vmul.f32 v58, v31;
	v29 =	vadd.f32 v29, v57  }
0x321: {  	v34 =	vmin.f32 v34, $1.000000000e+00;
	v62 =	vmul.f32 v61, v35;
	v63 =	vadd.f32 v39, v40  }
0x322: {  	v32 =	vmax.f32 v32, $0.0e+00;
	v31 =	vadd.f32 v60, v6;
	v29 =	vadd.f32 v29, v59  }
0x323: {  	v40 =	vsel vm0, v14, v22;
	v35 =	vadd.f32 v63, v7;
	v32 =	vmin.f32 v32, $1.000000000e+00  }
0x324: {  	v41 =	vmax.f32 v31, $0.0e+00;
	v42 =	vmul.f32 v40, v32;
	v29 =	vadd.f32 v29, v62  }
0x325: {  	v43 =	vsel vm0, v22, v14;
	v47 =	vadd.f32 v45, v44;
	v30 =	vmin.f32 v41, $1.000000000e+00  }
0x326: {  	v49 =	vmax.f32 v35, $0.0e+00;
	v30 =	vmul.f32 v43, v30;
	v29 =	vadd.f32 v29, v42  }
0x327: {  	v50 =	vsel vm0, v15, v23;
	v52 =	vsel vm0, v23, v15;
	v32 =	vmin.f32 v49, $1.000000000e+00  }
0x328: {  	v31 =	vadd.f32 v47, v8;
	v29 =	vadd.f32 v29, v30;
	v30 =	vmul.f32 v50, v32  }
0x329: {  	v33 =	vadd.f32 v33, v8;
	v53 =	vmul.f32 v52, v34;
	v54 =	vsel vm0, v16, v24  }
0x32a: {  	v55 =	vunpack.i.u.bf16.f32 v48;
	v31 =	vmax.f32 v31, $0.0e+00;
	v29 =	vadd.f32 v29, v30  }
0x32b: {  	v27 =	vadd.f32 v55, v27;
	v57 =	vmax.f32 v33, $0.0e+00;
	v31 =	vmin.f32 v31, $1.000000000e+00  }
0x32c: {  	v56 =	vmul.f32 v54, v31;
	v32 =	vadd.f32 v51, v9;
	v29 =	vadd.f32 v29, v53  }
0x32d: {  	v58 =	vsel vm0, v24, v16;
	v27 =	vadd.f32 v27, v9;
	v31 =	vmin.f32 v57, $1.000000000e+00  }
0x32e: {  	v59 =	vmul.f32 v58, v31;
	v60 =	vmax.f32 v32, $0.0e+00;
	v29 =	vadd.f32 v29, v56  }
0x32f: {  	v61 =	vsel vm0, v17, v25;
	v31 =	vmin.f32 v60, $1.000000000e+00  }
0x330: {  	s30 =	sadd.s32 $0x1, s30;
	v27 =	vmax.f32 v27, $0.0e+00;
	v62 =	vmul.f32 v61, v31;
	v29 =	vadd.f32 v29, v59  }
0x331: {  	p0 =	sne.s32 s30, $0x8;
	v63 =	vsel vm0, v25, v17;
	v27 =	vmin.f32 v27, $1.000000000e+00  }
.Ltmp16:
0x332: {  	v27 =	vmul.f32 v63, v27;
	v29 =	vadd.f32 v29, v62;
	(pc) =	sbr.rel @p0 .LBB2_25-.Ltmp16, $3  }
0x333: {  	_ = 	snop  }
0x334: {  	v27 =	vadd.f32 v29, v27;
	_ =	sdelay $0x1  }
0x335: {  	s0 =	sadd.s32 $0x352, s0;
	s31 =	sadd.s32 $0x352, s31;
	[tilespmem:v28+s25+$0x0] =	vst.idx.msk $0xffff, v27  }
0x336: {  	s29 =	sadd.s32 $0x1, s29  }
0x337: {  	p0 =	sne.s32 s29, s15  }
.Ltmp17:
0x338: {  	_ = 	snop;
	(pc) =	sbr.rel @p0 .LBB2_1-.Ltmp17, $4  }
0x339: {  	[hbm4b:s14+s2] =	stream.linear.scatter [tilespmem:s25], [sflag:$0x5], $0x200, $0x38;
	[tilespmem:$0x16A00] =	vst v63  }
0x33a: {  	_ =	swait.ge [sflag:s18], $0x200  }
0x33b: {  	[sflag:s18] =	ssyncset.done $0x0  }
0x33c: {  	[sflag:s18] =	ssyncadd.s32 $0xFFFFFE00  }
0x33d: {  	_ =	sfence.sel $0x180000  }
0x33e: {  	[bflag:$0x0] =	sbarrier.arrive $0xFFFF  }
0x33f: {  	_ =	strace $0x90000047  }
0x340: {  	s0 =	stileid.u32;
	[bflag:$0x2] =	sbarrier.arrive $0xFFFF  }
0x341: {  	p0 =	sne.s32 s0, $0x0;
	s0 =	rddreg [dreg:$0x3]  }
0x342: {  	s0 =	sadd.s32 @!p0 $0x100000, s0  }
0x343: {  	[sflag:s0] =	ssyncadd.tile.s32 @!p0 $0x1;
	_ =	shalt  }
.Lfunc_end2:
_tile_overlayer_lowered:
.L_overlay_start_2:
0x344: {  	(tag) =	ssettag $0x2  }
0x345: {  	s0 =	rddreg [dreg:$0x0];
	s2 =	stileid.u32  }
0x346: {  	s1 =	rddreg [dreg:$0x1];
	p0 =	sne.s32 s2, $0x0  }
0x347: {  	s3 =	rddreg [dreg:$0x2];
	[bflag:$0x3] =	sbarrier.arrive $0xFFFF;
	s2 =	simm.s32 @!p0 $0x1C05  }
0x348: {  	[timem:s3], [sflag:s2] =	dma.local @!p0 [hbm:s0], s1  }
0x349: {  	s0 =	simm.s32 @!p0 $0x5  }
0x34a: {  	_ =	swait.ge @!p0 [sflag:s0], s1  }
0x34b: {  	s1 =	ssub.s32 @!p0 $0x0, s1;
	[sflag:s0] =	ssyncset.done @!p0 $0x0  }
0x34c: {  	[sflag:s0] =	ssyncadd.s32 @!p0 s1  }
0x34d: {  	[bflag:$0x3] =	sbarrier.arrive $0xFFFF  }
0x34e: {  	_ =	shalt  }

</sc_bundles>
